<compile_context>
chip_gen: v7x
topology: tpu7x:2x2x1
jax: 0.10.2.dev20260603
libtpu: 0.0.44.dev20260713+nightly
codegen_flags: <defaults>
</compile_context>

<pallas_src>
import functools

import jax
import jax.numpy as jnp
from jax import lax
from jax.experimental import pallas as pl
from jax.experimental.pallas import tpu as pltpu
from jax.experimental.pallas import tpu_sc as plsc

N = 10000
E = 320000
NC = 2
NS = 16
NW = NC * NS
CHUNK = 128
NB = 8
PF = 6
CH = (-(-E // (NW * CHUNK)) + NB - 1) // NB * NB
EPT = CH * CHUNK
PAD = NW * EPT - E
ACC_ROWS = 10240
ZCH = 64
ZPT = ACC_ROWS // NS
WPT = 624
WTAIL = N - NS * WPT


def _make_agg(D):
    mesh = plsc.VectorSubcoreMesh(core_axis_name="c", subcore_axis_name="s")

    @functools.partial(
        pl.kernel,
        out_type=jax.ShapeDtypeStruct((NC, N, D), jnp.bfloat16),
        mesh=mesh,
        compiler_params=pltpu.CompilerParams(use_tc_tiling_on_sc=False),
        scratch_types=(
            [
                pltpu.VMEM((CH, CHUNK), jnp.int32),
                pltpu.VMEM((CH, CHUNK), jnp.int32),
                pltpu.VMEM((ZCH, D), jnp.bfloat16),
                pltpu.VMEM_SHARED((ACC_ROWS, D), jnp.bfloat16),
            ]
            + [pltpu.VMEM((CHUNK, D), jnp.bfloat16) for _ in range(NB)]
            + [pltpu.SemaphoreType.DMA for _ in range(2 * NB)]
        ),
    )
    def agg(table_hbm, srcs_hbm, dsts_hbm, zeros_hbm, out_hbm, si, di, zb, acc, *rs):
        rows = rs[:NB]
        gsem = rs[NB:2 * NB]
        ssem = rs[2 * NB:]
        c = lax.axis_index("c")
        s = lax.axis_index("s")
        wid = c * NS + s

        pltpu.sync_copy(zeros_hbm, zb)
        zbase = s * ZPT
        for k in range(ZPT // ZCH):
            pltpu.sync_copy(zb, acc.at[pl.ds(zbase + k * ZCH, ZCH)])
        rem = ZPT % ZCH
        if rem:
            pltpu.sync_copy(zb.at[pl.ds(0, rem)],
                            acc.at[pl.ds(zbase + (ZPT // ZCH) * ZCH, rem)])
        plsc.subcore_barrier()

        pltpu.sync_copy(srcs_hbm.at[wid], si)
        pltpu.sync_copy(dsts_hbm.at[wid], di)

        for b in range(PF):
            pltpu.async_copy(table_hbm.at[si.at[b]], rows[b], gsem[b])

        @pl.loop(0, CH, step=NB)
        def _(j0):
            for k in range(NB):
                j = j0 + k
                sg = (k + PF) % NB

                @pl.when(j + PF < CH)
                def _():
                    @pl.when(j + PF >= NB)
                    def _():
                        pltpu.make_async_copy(
                            rows[sg], acc.at[di.at[j + PF - NB]], ssem[sg]).wait()
                    pltpu.async_copy(table_hbm.at[si.at[j + PF]], rows[sg],
                                     gsem[sg])

                pltpu.make_async_copy(table_hbm.at[si.at[j]], rows[k],
                                      gsem[k]).wait()
                pltpu.async_copy(rows[k], acc.at[di.at[j]], ssem[k], add=True)

        for b in range(NB):
            pltpu.make_async_copy(rows[b], acc.at[di.at[CH - NB + b]],
                                  ssem[b]).wait()

        plsc.subcore_barrier()

        wbase = s * WPT
        pltpu.sync_copy(acc.at[pl.ds(wbase, WPT)],
                        out_hbm.at[c].at[pl.ds(wbase, WPT)])

        @pl.when(s == NS - 1)
        def _():
            pltpu.sync_copy(acc.at[pl.ds(NS * WPT, WTAIL)],
                            out_hbm.at[c].at[pl.ds(NS * WPT, WTAIL)])

    return agg


_agg128 = _make_agg(128)
_agg64 = _make_agg(64)

_BR = 1000


def _fused_body(p_ref, w1_ref, c1_ref, w2_ref, o_ref):
    h = p_ref[0].astype(jnp.float32) + p_ref[1].astype(jnp.float32)
    h = jnp.dot(h, w1_ref[...], preferred_element_type=jnp.float32)
    h = jnp.maximum(h + c1_ref[...], 0.0)
    y = jnp.dot(h, w2_ref[...], preferred_element_type=jnp.float32)
    o_ref[...] = y.astype(jnp.bfloat16)


_fused = pl.pallas_call(
    _fused_body,
    grid=(N // _BR,),
    in_specs=[
        pl.BlockSpec((NC, _BR, 128), lambda i: (0, i, 0)),
        pl.BlockSpec((128, 128), lambda i: (0, 0)),
        pl.BlockSpec((1, 128), lambda i: (0, 0)),
        pl.BlockSpec((128, 64), lambda i: (0, 0)),
    ],
    out_specs=pl.BlockSpec((_BR, 64), lambda i: (i, 0)),
    out_shape=jax.ShapeDtypeStruct((N, 64), jnp.bfloat16),
)


def _final_body(q_ref, b2_ref, o_ref):
    v = q_ref[0].astype(jnp.float32) + q_ref[1].astype(jnp.float32) + b2_ref[...]
    nrm = jnp.sqrt(jnp.sum(v * v, axis=1, keepdims=True))
    o_ref[...] = v / jnp.maximum(nrm, 1e-12)


_final = pl.pallas_call(
    _final_body,
    grid=(N // _BR,),
    in_specs=[
        pl.BlockSpec((NC, _BR, 64), lambda i: (0, i, 0)),
        pl.BlockSpec((1, 64), lambda i: (0, 0)),
    ],
    out_specs=pl.BlockSpec((_BR, 64), lambda i: (i, 0)),
    out_shape=jax.ShapeDtypeStruct((N, 64), jnp.float32),
)


def kernel(x, edge_index, W1, b1, W2, b2, bn_gamma, bn_beta, bn_mean, bn_var):
    scale = bn_gamma * lax.rsqrt(bn_var + 1e-5)
    W1e = W1 * scale[None, :]
    c1 = ((b1 - bn_mean) * scale + bn_beta)[None, :]

    pad_iota = jnp.arange(PAD, dtype=jnp.int32)
    src = jnp.concatenate([edge_index[0], pad_iota % N])
    dst = jnp.concatenate([edge_index[1], N + pad_iota % (ACC_ROWS - N)])
    srcs = src.reshape(NW, CH, CHUNK)
    dsts = dst.reshape(NW, CH, CHUNK)

    z128 = jnp.zeros((ZCH, 128), jnp.bfloat16)
    z64 = jnp.zeros((ZCH, 64), jnp.bfloat16)

    p = _agg128(x.astype(jnp.bfloat16), srcs, dsts, z128)
    h2 = _fused(p, W1e, c1, W2)
    q = _agg64(h2, srcs, dsts, z64)
    return _final(q, b2[None, :])

# --- scband reference (transcript-rebuilt; emitter-appended) ---
"""Pipeline reference for scband-region-gcn-39247411151461 (READ-ONLY COPY).

The authoritative reference and input builder live on the scoring server;
editing this copy changes nothing except your own understanding.
"""

import jax, jax.numpy as jnp
import numpy as np

N = 10000
E = 320000
D_IN = 128
D_H = 128
D_OUT = 64


def setup_inputs(seed: int = 0) -> dict:
    key = jax.random.key(seed)
    ks = jax.random.split(key, 6)
    x = jax.random.normal(ks[0], (N, D_IN), dtype=jnp.float32)
    edge_index = jax.random.randint(ks[1], (2, E), 0, N, dtype=jnp.int32)
    # GCNConv linear weights (PyG lin has no bias; conv bias added after aggregation)
    W1 = jax.random.normal(ks[2], (D_IN, D_H), dtype=jnp.float32) * (1.0 / np.sqrt(D_IN))
    b1 = jnp.zeros((D_H,), dtype=jnp.float32)
    W2 = jax.random.normal(ks[3], (D_H, D_OUT), dtype=jnp.float32) * (1.0 / np.sqrt(D_H))
    b2 = jnp.zeros((D_OUT,), dtype=jnp.float32)
    # BatchNorm1d params (eval mode, fresh running stats)
    bn_gamma = jnp.ones((D_H,), dtype=jnp.float32)
    bn_beta = jnp.zeros((D_H,), dtype=jnp.float32)
    bn_mean = jnp.zeros((D_H,), dtype=jnp.float32)
    bn_var = jnp.ones((D_H,), dtype=jnp.float32)
    return {"x": x, "edge_index": edge_index, "W1": W1, "b1": b1, "W2": W2, "b2": b2,
            "bn_gamma": bn_gamma, "bn_beta": bn_beta, "bn_mean": bn_mean, "bn_var": bn_var}


def reference(x, edge_index, W1, b1, W2, b2, bn_gamma, bn_beta, bn_mean, bn_var):
    src = edge_index[0]
    dst = edge_index[1]
    # conv1: GCNConv with normalize=False -> unweighted scatter-add of lin(x)[src] into dst, then + bias
    h = x @ W1
    h = jax.ops.segment_sum(h[src], dst, num_segments=N) + b1
    # BatchNorm1d in eval mode with running stats
    h = (h - bn_mean) / jnp.sqrt(bn_var + 1e-5) * bn_gamma + bn_beta
    # activation (relu); dropout is identity in eval mode
    h = jax.nn.relu(h)
    # conv2
    h = h @ W2
    h = jax.ops.segment_sum(h[src], dst, num_segments=N) + b2
    # F.normalize(h, p=2, dim=1) with eps=1e-12
    norm = jnp.linalg.norm(h, axis=1, keepdims=True)
    h = h / jnp.maximum(norm, 1e-12)
    return h

if __name__ == "__main__":
    import jax
    _d = setup_inputs()
    print(jax.jit(kernel)(*tuple(_d.values())))

</pallas_src>

<mosaic_0001>
#map = affine_map<(d0, d1) -> (0, 0)>
#map1 = affine_map<(d0, d1) -> (0, 0, 0)>
module attributes {stable_mosaic.version = 14 : i64} {
  func.func @agg(%arg0: i32, %arg1: i32, %arg2: memref<10000x128xbf16, #tpu.memory_space<hbm>>, %arg3: memref<32x80x128xi32, #tpu.memory_space<hbm>>, %arg4: memref<32x80x128xi32, #tpu.memory_space<hbm>>, %arg5: memref<64x128xbf16, #tpu.memory_space<hbm>>, %arg6: memref<2x10000x128xbf16, #tpu.memory_space<hbm>>, %arg7: memref<80x128xi32, #tpu.memory_space<vmem>>, %arg8: memref<80x128xi32, #tpu.memory_space<vmem>>, %arg9: memref<64x128xbf16, #tpu.memory_space<vmem>>, %arg10: memref<10240x128xbf16, #tpu.memory_space<vmem_shared>>, %arg11: memref<128x128xbf16, #tpu.memory_space<vmem>>, %arg12: memref<128x128xbf16, #tpu.memory_space<vmem>>, %arg13: memref<128x128xbf16, #tpu.memory_space<vmem>>, %arg14: memref<128x128xbf16, #tpu.memory_space<vmem>>, %arg15: memref<128x128xbf16, #tpu.memory_space<vmem>>, %arg16: memref<128x128xbf16, #tpu.memory_space<vmem>>, %arg17: memref<128x128xbf16, #tpu.memory_space<vmem>>, %arg18: memref<128x128xbf16, #tpu.memory_space<vmem>>, %arg19: memref<!tpu.dma_semaphore, #tpu.memory_space<semaphore_mem>>, %arg20: memref<!tpu.dma_semaphore, #tpu.memory_space<semaphore_mem>>, %arg21: memref<!tpu.dma_semaphore, #tpu.memory_space<semaphore_mem>>, %arg22: memref<!tpu.dma_semaphore, #tpu.memory_space<semaphore_mem>>, %arg23: memref<!tpu.dma_semaphore, #tpu.memory_space<semaphore_mem>>, %arg24: memref<!tpu.dma_semaphore, #tpu.memory_space<semaphore_mem>>, %arg25: memref<!tpu.dma_semaphore, #tpu.memory_space<semaphore_mem>>, %arg26: memref<!tpu.dma_semaphore, #tpu.memory_space<semaphore_mem>>, %arg27: memref<!tpu.dma_semaphore, #tpu.memory_space<semaphore_mem>>, %arg28: memref<!tpu.dma_semaphore, #tpu.memory_space<semaphore_mem>>, %arg29: memref<!tpu.dma_semaphore, #tpu.memory_space<semaphore_mem>>, %arg30: memref<!tpu.dma_semaphore, #tpu.memory_space<semaphore_mem>>, %arg31: memref<!tpu.dma_semaphore, #tpu.memory_space<semaphore_mem>>, %arg32: memref<!tpu.dma_semaphore, #tpu.memory_space<semaphore_mem>>, %arg33: memref<!tpu.dma_semaphore, #tpu.memory_space<semaphore_mem>>, %arg34: memref<!tpu.dma_semaphore, #tpu.memory_space<semaphore_mem>>) attributes {dimension_semantics = [#tpu.dimension_semantics<core_parallel>, #tpu.dimension_semantics<subcore_parallel>], iteration_bounds = array<i64: 2, 16>, scalar_prefetch = 0 : i64, scratch_operands = 28 : i64, tpu.core_type = #tpu.core_type<sc_vector_subcore>, window_params = [{transform_indices = #map}, {transform_indices = #map1}, {transform_indices = #map1}, {transform_indices = #map}, {transform_indices = #map1}]} {
    %mul3A = arith.constant 16 : i32
    %mul3A_0 = arith.muli %arg0, %mul3A : i32
    %add3A = arith.addi %mul3A_0, %arg1 : i32
    "tpu.region"() ({
      %run_scoped3A = tpu.sem_alloc : memref<!tpu.dma_semaphore, #tpu.memory_space<semaphore_mem>>
      tpu.enqueue_dma source(%arg5 : memref<64x128xbf16, #tpu.memory_space<hbm>>) target(%arg9 : memref<64x128xbf16, #tpu.memory_space<vmem>>) target_semaphore(%run_scoped3A : memref<!tpu.dma_semaphore, #tpu.memory_space<semaphore_mem>>)
      tpu.wait_dma2 semaphore(%run_scoped3A : memref<!tpu.dma_semaphore, #tpu.memory_space<semaphore_mem>>) src(%arg5 : memref<64x128xbf16, #tpu.memory_space<hbm>>) dst(%arg9 : memref<64x128xbf16, #tpu.memory_space<vmem>>)
      tpu.yield
    }) : () -> ()
    %mul3A_1 = arith.constant 640 : i32
    %mul3A_2 = arith.muli %arg1, %mul3A_1 : i32
    %add3A_3 = arith.constant 0 : i32
    %add3A_4 = arith.addi %mul3A_2, %add3A_3 : i32
    "tpu.region"() ({
      %run_scoped3A = tpu.sem_alloc : memref<!tpu.dma_semaphore, #tpu.memory_space<semaphore_mem>>
      %dma_start3A_128 = arith.constant 0 : i32
      %dma_start3A_129 = tpu.memref_slice %arg10[%add3A_4, %dma_start3A_128] : memref<10240x128xbf16, #tpu.memory_space<vmem_shared>> -> memref<64x128xbf16, #tpu.memory_space<vmem_shared>>
      %dma_start3A_130 = arith.constant 0 : i32
      %dma_start3A_131 = tpu.memref_slice %arg10[%add3A_4, %dma_start3A_130] : memref<10240x128xbf16, #tpu.memory_space<vmem_shared>> -> memref<64x128xbf16, #tpu.memory_space<vmem_shared>>
      tpu.enqueue_dma source(%arg9 : memref<64x128xbf16, #tpu.memory_space<vmem>>) target(%dma_start3A_131 : memref<64x128xbf16, #tpu.memory_space<vmem_shared>>) target_semaphore(%run_scoped3A : memref<!tpu.dma_semaphore, #tpu.memory_space<semaphore_mem>>)
      %dma_wait3A_132 = arith.constant 0 : i32
      %dma_wait3A_133 = tpu.memref_slice %arg10[%add3A_4, %dma_wait3A_132] : memref<10240x128xbf16, #tpu.memory_space<vmem_shared>> -> memref<64x128xbf16, #tpu.memory_space<vmem_shared>>
      %dma_wait3A_134 = arith.constant 0 : i32
      %dma_wait3A_135 = tpu.memref_slice %arg10[%add3A_4, %dma_wait3A_134] : memref<10240x128xbf16, #tpu.memory_space<vmem_shared>> -> memref<64x128xbf16, #tpu.memory_space<vmem_shared>>
      tpu.wait_dma2 semaphore(%run_scoped3A : memref<!tpu.dma_semaphore, #tpu.memory_space<semaphore_mem>>) src(%arg9 : memref<64x128xbf16, #tpu.memory_space<vmem>>) dst(%dma_wait3A_135 : memref<64x128xbf16, #tpu.memory_space<vmem_shared>>)
      tpu.yield
    }) : () -> ()
    %add3A_5 = arith.constant 64 : i32
    %add3A_6 = arith.addi %mul3A_2, %add3A_5 : i32
    "tpu.region"() ({
      %run_scoped3A = tpu.sem_alloc : memref<!tpu.dma_semaphore, #tpu.memory_space<semaphore_mem>>
      %dma_start3A_128 = arith.constant 0 : i32
      %dma_start3A_129 = tpu.memref_slice %arg10[%add3A_6, %dma_start3A_128] : memref<10240x128xbf16, #tpu.memory_space<vmem_shared>> -> memref<64x128xbf16, #tpu.memory_space<vmem_shared>>
      %dma_start3A_130 = arith.constant 0 : i32
      %dma_start3A_131 = tpu.memref_slice %arg10[%add3A_6, %dma_start3A_130] : memref<10240x128xbf16, #tpu.memory_space<vmem_shared>> -> memref<64x128xbf16, #tpu.memory_space<vmem_shared>>
      tpu.enqueue_dma source(%arg9 : memref<64x128xbf16, #tpu.memory_space<vmem>>) target(%dma_start3A_131 : memref<64x128xbf16, #tpu.memory_space<vmem_shared>>) target_semaphore(%run_scoped3A : memref<!tpu.dma_semaphore, #tpu.memory_space<semaphore_mem>>)
      %dma_wait3A_132 = arith.constant 0 : i32
      %dma_wait3A_133 = tpu.memref_slice %arg10[%add3A_6, %dma_wait3A_132] : memref<10240x128xbf16, #tpu.memory_space<vmem_shared>> -> memref<64x128xbf16, #tpu.memory_space<vmem_shared>>
      %dma_wait3A_134 = arith.constant 0 : i32
      %dma_wait3A_135 = tpu.memref_slice %arg10[%add3A_6, %dma_wait3A_134] : memref<10240x128xbf16, #tpu.memory_space<vmem_shared>> -> memref<64x128xbf16, #tpu.memory_space<vmem_shared>>
      tpu.wait_dma2 semaphore(%run_scoped3A : memref<!tpu.dma_semaphore, #tpu.memory_space<semaphore_mem>>) src(%arg9 : memref<64x128xbf16, #tpu.memory_space<vmem>>) dst(%dma_wait3A_135 : memref<64x128xbf16, #tpu.memory_space<vmem_shared>>)
      tpu.yield
    }) : () -> ()
    %add3A_7 = arith.constant 128 : i32
    %add3A_8 = arith.addi %mul3A_2, %add3A_7 : i32
    "tpu.region"() ({
      %run_scoped3A = tpu.sem_alloc : memref<!tpu.dma_semaphore, #tpu.memory_space<semaphore_mem>>
      %dma_start3A_128 = arith.constant 0 : i32
      %dma_start3A_129 = tpu.memref_slice %arg10[%add3A_8, %dma_start3A_128] : memref<10240x128xbf16, #tpu.memory_space<vmem_shared>> -> memref<64x128xbf16, #tpu.memory_space<vmem_shared>>
      %dma_start3A_130 = arith.constant 0 : i32
      %dma_start3A_131 = tpu.memref_slice %arg10[%add3A_8, %dma_start3A_130] : memref<10240x128xbf16, #tpu.memory_space<vmem_shared>> -> memref<64x128xbf16, #tpu.memory_space<vmem_shared>>
      tpu.enqueue_dma source(%arg9 : memref<64x128xbf16, #tpu.memory_space<vmem>>) target(%dma_start3A_131 : memref<64x128xbf16, #tpu.memory_space<vmem_shared>>) target_semaphore(%run_scoped3A : memref<!tpu.dma_semaphore, #tpu.memory_space<semaphore_mem>>)
      %dma_wait3A_132 = arith.constant 0 : i32
      %dma_wait3A_133 = tpu.memref_slice %arg10[%add3A_8, %dma_wait3A_132] : memref<10240x128xbf16, #tpu.memory_space<vmem_shared>> -> memref<64x128xbf16, #tpu.memory_space<vmem_shared>>
      %dma_wait3A_134 = arith.constant 0 : i32
      %dma_wait3A_135 = tpu.memref_slice %arg10[%add3A_8, %dma_wait3A_134] : memref<10240x128xbf16, #tpu.memory_space<vmem_shared>> -> memref<64x128xbf16, #tpu.memory_space<vmem_shared>>
      tpu.wait_dma2 semaphore(%run_scoped3A : memref<!tpu.dma_semaphore, #tpu.memory_space<semaphore_mem>>) src(%arg9 : memref<64x128xbf16, #tpu.memory_space<vmem>>) dst(%dma_wait3A_135 : memref<64x128xbf16, #tpu.memory_space<vmem_shared>>)
      tpu.yield
    }) : () -> ()
    %add3A_9 = arith.constant 192 : i32
    %add3A_10 = arith.addi %mul3A_2, %add3A_9 : i32
    "tpu.region"() ({
      %run_scoped3A = tpu.sem_alloc : memref<!tpu.dma_semaphore, #tpu.memory_space<semaphore_mem>>
      %dma_start3A_128 = arith.constant 0 : i32
      %dma_start3A_129 = tpu.memref_slice %arg10[%add3A_10, %dma_start3A_128] : memref<10240x128xbf16, #tpu.memory_space<vmem_shared>> -> memref<64x128xbf16, #tpu.memory_space<vmem_shared>>
      %dma_start3A_130 = arith.constant 0 : i32
      %dma_start3A_131 = tpu.memref_slice %arg10[%add3A_10, %dma_start3A_130] : memref<10240x128xbf16, #tpu.memory_space<vmem_shared>> -> memref<64x128xbf16, #tpu.memory_space<vmem_shared>>
      tpu.enqueue_dma source(%arg9 : memref<64x128xbf16, #tpu.memory_space<vmem>>) target(%dma_start3A_131 : memref<64x128xbf16, #tpu.memory_space<vmem_shared>>) target_semaphore(%run_scoped3A : memref<!tpu.dma_semaphore, #tpu.memory_space<semaphore_mem>>)
      %dma_wait3A_132 = arith.constant 0 : i32
      %dma_wait3A_133 = tpu.memref_slice %arg10[%add3A_10, %dma_wait3A_132] : memref<10240x128xbf16, #tpu.memory_space<vmem_shared>> -> memref<64x128xbf16, #tpu.memory_space<vmem_shared>>
      %dma_wait3A_134 = arith.constant 0 : i32
      %dma_wait3A_135 = tpu.memref_slice %arg10[%add3A_10, %dma_wait3A_134] : memref<10240x128xbf16, #tpu.memory_space<vmem_shared>> -> memref<64x128xbf16, #tpu.memory_space<vmem_shared>>
      tpu.wait_dma2 semaphore(%run_scoped3A : memref<!tpu.dma_semaphore, #tpu.memory_space<semaphore_mem>>) src(%arg9 : memref<64x128xbf16, #tpu.memory_space<vmem>>) dst(%dma_wait3A_135 : memref<64x128xbf16, #tpu.memory_space<vmem_shared>>)
      tpu.yield
    }) : () -> ()
    %add3A_11 = arith.constant 256 : i32
    %add3A_12 = arith.addi %mul3A_2, %add3A_11 : i32
    "tpu.region"() ({
      %run_scoped3A = tpu.sem_alloc : memref<!tpu.dma_semaphore, #tpu.memory_space<semaphore_mem>>
      %dma_start3A_128 = arith.constant 0 : i32
      %dma_start3A_129 = tpu.memref_slice %arg10[%add3A_12, %dma_start3A_128] : memref<10240x128xbf16, #tpu.memory_space<vmem_shared>> -> memref<64x128xbf16, #tpu.memory_space<vmem_shared>>
      %dma_start3A_130 = arith.constant 0 : i32
      %dma_start3A_131 = tpu.memref_slice %arg10[%add3A_12, %dma_start3A_130] : memref<10240x128xbf16, #tpu.memory_space<vmem_shared>> -> memref<64x128xbf16, #tpu.memory_space<vmem_shared>>
      tpu.enqueue_dma source(%arg9 : memref<64x128xbf16, #tpu.memory_space<vmem>>) target(%dma_start3A_131 : memref<64x128xbf16, #tpu.memory_space<vmem_shared>>) target_semaphore(%run_scoped3A : memref<!tpu.dma_semaphore, #tpu.memory_space<semaphore_mem>>)
      %dma_wait3A_132 = arith.constant 0 : i32
      %dma_wait3A_133 = tpu.memref_slice %arg10[%add3A_12, %dma_wait3A_132] : memref<10240x128xbf16, #tpu.memory_space<vmem_shared>> -> memref<64x128xbf16, #tpu.memory_space<vmem_shared>>
      %dma_wait3A_134 = arith.constant 0 : i32
      %dma_wait3A_135 = tpu.memref_slice %arg10[%add3A_12, %dma_wait3A_134] : memref<10240x128xbf16, #tpu.memory_space<vmem_shared>> -> memref<64x128xbf16, #tpu.memory_space<vmem_shared>>
      tpu.wait_dma2 semaphore(%run_scoped3A : memref<!tpu.dma_semaphore, #tpu.memory_space<semaphore_mem>>) src(%arg9 : memref<64x128xbf16, #tpu.memory_space<vmem>>) dst(%dma_wait3A_135 : memref<64x128xbf16, #tpu.memory_space<vmem_shared>>)
      tpu.yield
    }) : () -> ()
    %add3A_13 = arith.constant 320 : i32
    %add3A_14 = arith.addi %mul3A_2, %add3A_13 : i32
    "tpu.region"() ({
      %run_scoped3A = tpu.sem_alloc : memref<!tpu.dma_semaphore, #tpu.memory_space<semaphore_mem>>
      %dma_start3A_128 = arith.constant 0 : i32
      %dma_start3A_129 = tpu.memref_slice %arg10[%add3A_14, %dma_start3A_128] : memref<10240x128xbf16, #tpu.memory_space<vmem_shared>> -> memref<64x128xbf16, #tpu.memory_space<vmem_shared>>
      %dma_start3A_130 = arith.constant 0 : i32
      %dma_start3A_131 = tpu.memref_slice %arg10[%add3A_14, %dma_start3A_130] : memref<10240x128xbf16, #tpu.memory_space<vmem_shared>> -> memref<64x128xbf16, #tpu.memory_space<vmem_shared>>
      tpu.enqueue_dma source(%arg9 : memref<64x128xbf16, #tpu.memory_space<vmem>>) target(%dma_start3A_131 : memref<64x128xbf16, #tpu.memory_space<vmem_shared>>) target_semaphore(%run_scoped3A : memref<!tpu.dma_semaphore, #tpu.memory_space<semaphore_mem>>)
      %dma_wait3A_132 = arith.constant 0 : i32
      %dma_wait3A_133 = tpu.memref_slice %arg10[%add3A_14, %dma_wait3A_132] : memref<10240x128xbf16, #tpu.memory_space<vmem_shared>> -> memref<64x128xbf16, #tpu.memory_space<vmem_shared>>
      %dma_wait3A_134 = arith.constant 0 : i32
      %dma_wait3A_135 = tpu.memref_slice %arg10[%add3A_14, %dma_wait3A_134] : memref<10240x128xbf16, #tpu.memory_space<vmem_shared>> -> memref<64x128xbf16, #tpu.memory_space<vmem_shared>>
      tpu.wait_dma2 semaphore(%run_scoped3A : memref<!tpu.dma_semaphore, #tpu.memory_space<semaphore_mem>>) src(%arg9 : memref<64x128xbf16, #tpu.memory_space<vmem>>) dst(%dma_wait3A_135 : memref<64x128xbf16, #tpu.memory_space<vmem_shared>>)
      tpu.yield
    }) : () -> ()
    %add3A_15 = arith.constant 384 : i32
    %add3A_16 = arith.addi %mul3A_2, %add3A_15 : i32
    "tpu.region"() ({
      %run_scoped3A = tpu.sem_alloc : memref<!tpu.dma_semaphore, #tpu.memory_space<semaphore_mem>>
      %dma_start3A_128 = arith.constant 0 : i32
      %dma_start3A_129 = tpu.memref_slice %arg10[%add3A_16, %dma_start3A_128] : memref<10240x128xbf16, #tpu.memory_space<vmem_shared>> -> memref<64x128xbf16, #tpu.memory_space<vmem_shared>>
      %dma_start3A_130 = arith.constant 0 : i32
      %dma_start3A_131 = tpu.memref_slice %arg10[%add3A_16, %dma_start3A_130] : memref<10240x128xbf16, #tpu.memory_space<vmem_shared>> -> memref<64x128xbf16, #tpu.memory_space<vmem_shared>>
      tpu.enqueue_dma source(%arg9 : memref<64x128xbf16, #tpu.memory_space<vmem>>) target(%dma_start3A_131 : memref<64x128xbf16, #tpu.memory_space<vmem_shared>>) target_semaphore(%run_scoped3A : memref<!tpu.dma_semaphore, #tpu.memory_space<semaphore_mem>>)
      %dma_wait3A_132 = arith.constant 0 : i32
      %dma_wait3A_133 = tpu.memref_slice %arg10[%add3A_16, %dma_wait3A_132] : memref<10240x128xbf16, #tpu.memory_space<vmem_shared>> -> memref<64x128xbf16, #tpu.memory_space<vmem_shared>>
      %dma_wait3A_134 = arith.constant 0 : i32
      %dma_wait3A_135 = tpu.memref_slice %arg10[%add3A_16, %dma_wait3A_134] : memref<10240x128xbf16, #tpu.memory_space<vmem_shared>> -> memref<64x128xbf16, #tpu.memory_space<vmem_shared>>
      tpu.wait_dma2 semaphore(%run_scoped3A : memref<!tpu.dma_semaphore, #tpu.memory_space<semaphore_mem>>) src(%arg9 : memref<64x128xbf16, #tpu.memory_space<vmem>>) dst(%dma_wait3A_135 : memref<64x128xbf16, #tpu.memory_space<vmem_shared>>)
      tpu.yield
    }) : () -> ()
    %add3A_17 = arith.constant 448 : i32
    %add3A_18 = arith.addi %mul3A_2, %add3A_17 : i32
    "tpu.region"() ({
      %run_scoped3A = tpu.sem_alloc : memref<!tpu.dma_semaphore, #tpu.memory_space<semaphore_mem>>
      %dma_start3A_128 = arith.constant 0 : i32
      %dma_start3A_129 = tpu.memref_slice %arg10[%add3A_18, %dma_start3A_128] : memref<10240x128xbf16, #tpu.memory_space<vmem_shared>> -> memref<64x128xbf16, #tpu.memory_space<vmem_shared>>
      %dma_start3A_130 = arith.constant 0 : i32
      %dma_start3A_131 = tpu.memref_slice %arg10[%add3A_18, %dma_start3A_130] : memref<10240x128xbf16, #tpu.memory_space<vmem_shared>> -> memref<64x128xbf16, #tpu.memory_space<vmem_shared>>
      tpu.enqueue_dma source(%arg9 : memref<64x128xbf16, #tpu.memory_space<vmem>>) target(%dma_start3A_131 : memref<64x128xbf16, #tpu.memory_space<vmem_shared>>) target_semaphore(%run_scoped3A : memref<!tpu.dma_semaphore, #tpu.memory_space<semaphore_mem>>)
      %dma_wait3A_132 = arith.constant 0 : i32
      %dma_wait3A_133 = tpu.memref_slice %arg10[%add3A_18, %dma_wait3A_132] : memref<10240x128xbf16, #tpu.memory_space<vmem_shared>> -> memref<64x128xbf16, #tpu.memory_space<vmem_shared>>
      %dma_wait3A_134 = arith.constant 0 : i32
      %dma_wait3A_135 = tpu.memref_slice %arg10[%add3A_18, %dma_wait3A_134] : memref<10240x128xbf16, #tpu.memory_space<vmem_shared>> -> memref<64x128xbf16, #tpu.memory_space<vmem_shared>>
      tpu.wait_dma2 semaphore(%run_scoped3A : memref<!tpu.dma_semaphore, #tpu.memory_space<semaphore_mem>>) src(%arg9 : memref<64x128xbf16, #tpu.memory_space<vmem>>) dst(%dma_wait3A_135 : memref<64x128xbf16, #tpu.memory_space<vmem_shared>>)
      tpu.yield
    }) : () -> ()
    %add3A_19 = arith.constant 512 : i32
    %add3A_20 = arith.addi %mul3A_2, %add3A_19 : i32
    "tpu.region"() ({
      %run_scoped3A = tpu.sem_alloc : memref<!tpu.dma_semaphore, #tpu.memory_space<semaphore_mem>>
      %dma_start3A_128 = arith.constant 0 : i32
      %dma_start3A_129 = tpu.memref_slice %arg10[%add3A_20, %dma_start3A_128] : memref<10240x128xbf16, #tpu.memory_space<vmem_shared>> -> memref<64x128xbf16, #tpu.memory_space<vmem_shared>>
      %dma_start3A_130 = arith.constant 0 : i32
      %dma_start3A_131 = tpu.memref_slice %arg10[%add3A_20, %dma_start3A_130] : memref<10240x128xbf16, #tpu.memory_space<vmem_shared>> -> memref<64x128xbf16, #tpu.memory_space<vmem_shared>>
      tpu.enqueue_dma source(%arg9 : memref<64x128xbf16, #tpu.memory_space<vmem>>) target(%dma_start3A_131 : memref<64x128xbf16, #tpu.memory_space<vmem_shared>>) target_semaphore(%run_scoped3A : memref<!tpu.dma_semaphore, #tpu.memory_space<semaphore_mem>>)
      %dma_wait3A_132 = arith.constant 0 : i32
      %dma_wait3A_133 = tpu.memref_slice %arg10[%add3A_20, %dma_wait3A_132] : memref<10240x128xbf16, #tpu.memory_space<vmem_shared>> -> memref<64x128xbf16, #tpu.memory_space<vmem_shared>>
      %dma_wait3A_134 = arith.constant 0 : i32
      %dma_wait3A_135 = tpu.memref_slice %arg10[%add3A_20, %dma_wait3A_134] : memref<10240x128xbf16, #tpu.memory_space<vmem_shared>> -> memref<64x128xbf16, #tpu.memory_space<vmem_shared>>
      tpu.wait_dma2 semaphore(%run_scoped3A : memref<!tpu.dma_semaphore, #tpu.memory_space<semaphore_mem>>) src(%arg9 : memref<64x128xbf16, #tpu.memory_space<vmem>>) dst(%dma_wait3A_135 : memref<64x128xbf16, #tpu.memory_space<vmem_shared>>)
      tpu.yield
    }) : () -> ()
    %add3A_21 = arith.constant 576 : i32
    %add3A_22 = arith.addi %mul3A_2, %add3A_21 : i32
    "tpu.region"() ({
      %run_scoped3A = tpu.sem_alloc : memref<!tpu.dma_semaphore, #tpu.memory_space<semaphore_mem>>
      %dma_start3A_128 = arith.constant 0 : i32
      %dma_start3A_129 = tpu.memref_slice %arg10[%add3A_22, %dma_start3A_128] : memref<10240x128xbf16, #tpu.memory_space<vmem_shared>> -> memref<64x128xbf16, #tpu.memory_space<vmem_shared>>
      %dma_start3A_130 = arith.constant 0 : i32
      %dma_start3A_131 = tpu.memref_slice %arg10[%add3A_22, %dma_start3A_130] : memref<10240x128xbf16, #tpu.memory_space<vmem_shared>> -> memref<64x128xbf16, #tpu.memory_space<vmem_shared>>
      tpu.enqueue_dma source(%arg9 : memref<64x128xbf16, #tpu.memory_space<vmem>>) target(%dma_start3A_131 : memref<64x128xbf16, #tpu.memory_space<vmem_shared>>) target_semaphore(%run_scoped3A : memref<!tpu.dma_semaphore, #tpu.memory_space<semaphore_mem>>)
      %dma_wait3A_132 = arith.constant 0 : i32
      %dma_wait3A_133 = tpu.memref_slice %arg10[%add3A_22, %dma_wait3A_132] : memref<10240x128xbf16, #tpu.memory_space<vmem_shared>> -> memref<64x128xbf16, #tpu.memory_space<vmem_shared>>
      %dma_wait3A_134 = arith.constant 0 : i32
      %dma_wait3A_135 = tpu.memref_slice %arg10[%add3A_22, %dma_wait3A_134] : memref<10240x128xbf16, #tpu.memory_space<vmem_shared>> -> memref<64x128xbf16, #tpu.memory_space<vmem_shared>>
      tpu.wait_dma2 semaphore(%run_scoped3A : memref<!tpu.dma_semaphore, #tpu.memory_space<semaphore_mem>>) src(%arg9 : memref<64x128xbf16, #tpu.memory_space<vmem>>) dst(%dma_wait3A_135 : memref<64x128xbf16, #tpu.memory_space<vmem_shared>>)
      tpu.yield
    }) : () -> ()
    %barrier3A = arith.constant 0 : index
    tpu.barrier barrier_id(%barrier3A)
    "tpu.region"() ({
      %run_scoped3A = tpu.sem_alloc : memref<!tpu.dma_semaphore, #tpu.memory_space<semaphore_mem>>
      %dma_start3A_128 = arith.constant 0 : i32
      %dma_start3A_129 = arith.constant 0 : i32
      %dma_start3A_130 = tpu.memref_slice %arg3[%add3A, %dma_start3A_128, %dma_start3A_129] : memref<32x80x128xi32, #tpu.memory_space<hbm>> -> memref<1x80x128xi32, #tpu.memory_space<hbm>>
      %dma_start3A_131 = tpu.memref_squeeze %dma_start3A_130 : memref<1x80x128xi32, #tpu.memory_space<hbm>> -> memref<80x128xi32, #tpu.memory_space<hbm>>
      %dma_start3A_132 = arith.constant 0 : i32
      %dma_start3A_133 = arith.constant 0 : i32
      %dma_start3A_134 = tpu.memref_slice %arg3[%add3A, %dma_start3A_132, %dma_start3A_133] : memref<32x80x128xi32, #tpu.memory_space<hbm>> -> memref<1x80x128xi32, #tpu.memory_space<hbm>>
      %dma_start3A_135 = tpu.memref_squeeze %dma_start3A_134 : memref<1x80x128xi32, #tpu.memory_space<hbm>> -> memref<80x128xi32, #tpu.memory_space<hbm>>
      tpu.enqueue_dma source(%dma_start3A_135 : memref<80x128xi32, #tpu.memory_space<hbm>>) target(%arg7 : memref<80x128xi32, #tpu.memory_space<vmem>>) target_semaphore(%run_scoped3A : memref<!tpu.dma_semaphore, #tpu.memory_space<semaphore_mem>>)
      %dma_wait3A_136 = arith.constant 0 : i32
      %dma_wait3A_137 = arith.constant 0 : i32
      %dma_wait3A_138 = tpu.memref_slice %arg3[%add3A, %dma_wait3A_136, %dma_wait3A_137] : memref<32x80x128xi32, #tpu.memory_space<hbm>> -> memref<1x80x128xi32, #tpu.memory_space<hbm>>
      %dma_wait3A_139 = tpu.memref_squeeze %dma_wait3A_138 : memref<1x80x128xi32, #tpu.memory_space<hbm>> -> memref<80x128xi32, #tpu.memory_space<hbm>>
      %dma_wait3A_140 = arith.constant 0 : i32
      %dma_wait3A_141 = arith.constant 0 : i32
      %dma_wait3A_142 = tpu.memref_slice %arg3[%add3A, %dma_wait3A_140, %dma_wait3A_141] : memref<32x80x128xi32, #tpu.memory_space<hbm>> -> memref<1x80x128xi32, #tpu.memory_space<hbm>>
      %dma_wait3A_143 = tpu.memref_squeeze %dma_wait3A_142 : memref<1x80x128xi32, #tpu.memory_space<hbm>> -> memref<80x128xi32, #tpu.memory_space<hbm>>
      tpu.wait_dma2 semaphore(%run_scoped3A : memref<!tpu.dma_semaphore, #tpu.memory_space<semaphore_mem>>) src(%dma_wait3A_143 : memref<80x128xi32, #tpu.memory_space<hbm>>) dst(%arg7 : memref<80x128xi32, #tpu.memory_space<vmem>>)
      tpu.yield
    }) : () -> ()
    "tpu.region"() ({
      %run_scoped3A = tpu.sem_alloc : memref<!tpu.dma_semaphore, #tpu.memory_space<semaphore_mem>>
      %dma_start3A_128 = arith.constant 0 : i32
      %dma_start3A_129 = arith.constant 0 : i32
      %dma_start3A_130 = tpu.memref_slice %arg4[%add3A, %dma_start3A_128, %dma_start3A_129] : memref<32x80x128xi32, #tpu.memory_space<hbm>> -> memref<1x80x128xi32, #tpu.memory_space<hbm>>
      %dma_start3A_131 = tpu.memref_squeeze %dma_start3A_130 : memref<1x80x128xi32, #tpu.memory_space<hbm>> -> memref<80x128xi32, #tpu.memory_space<hbm>>
      %dma_start3A_132 = arith.constant 0 : i32
      %dma_start3A_133 = arith.constant 0 : i32
      %dma_start3A_134 = tpu.memref_slice %arg4[%add3A, %dma_start3A_132, %dma_start3A_133] : memref<32x80x128xi32, #tpu.memory_space<hbm>> -> memref<1x80x128xi32, #tpu.memory_space<hbm>>
      %dma_start3A_135 = tpu.memref_squeeze %dma_start3A_134 : memref<1x80x128xi32, #tpu.memory_space<hbm>> -> memref<80x128xi32, #tpu.memory_space<hbm>>
      tpu.enqueue_dma source(%dma_start3A_135 : memref<80x128xi32, #tpu.memory_space<hbm>>) target(%arg8 : memref<80x128xi32, #tpu.memory_space<vmem>>) target_semaphore(%run_scoped3A : memref<!tpu.dma_semaphore, #tpu.memory_space<semaphore_mem>>)
      %dma_wait3A_136 = arith.constant 0 : i32
      %dma_wait3A_137 = arith.constant 0 : i32
      %dma_wait3A_138 = tpu.memref_slice %arg4[%add3A, %dma_wait3A_136, %dma_wait3A_137] : memref<32x80x128xi32, #tpu.memory_space<hbm>> -> memref<1x80x128xi32, #tpu.memory_space<hbm>>
      %dma_wait3A_139 = tpu.memref_squeeze %dma_wait3A_138 : memref<1x80x128xi32, #tpu.memory_space<hbm>> -> memref<80x128xi32, #tpu.memory_space<hbm>>
      %dma_wait3A_140 = arith.constant 0 : i32
      %dma_wait3A_141 = arith.constant 0 : i32
      %dma_wait3A_142 = tpu.memref_slice %arg4[%add3A, %dma_wait3A_140, %dma_wait3A_141] : memref<32x80x128xi32, #tpu.memory_space<hbm>> -> memref<1x80x128xi32, #tpu.memory_space<hbm>>
      %dma_wait3A_143 = tpu.memref_squeeze %dma_wait3A_142 : memref<1x80x128xi32, #tpu.memory_space<hbm>> -> memref<80x128xi32, #tpu.memory_space<hbm>>
      tpu.wait_dma2 semaphore(%run_scoped3A : memref<!tpu.dma_semaphore, #tpu.memory_space<semaphore_mem>>) src(%dma_wait3A_143 : memref<80x128xi32, #tpu.memory_space<hbm>>) dst(%arg8 : memref<80x128xi32, #tpu.memory_space<vmem>>)
      tpu.yield
    }) : () -> ()
    %dma_start3A = arith.constant 0 : i32
    %dma_start3A_23 = arith.constant 0 : i32
    %dma_start3A_24 = tpu.memref_slice %arg7[%dma_start3A, %dma_start3A_23] : memref<80x128xi32, #tpu.memory_space<vmem>> -> memref<1x128xi32, #tpu.memory_space<vmem>>
    %dma_start3A_25 = tpu.memref_squeeze %dma_start3A_24 : memref<1x128xi32, #tpu.memory_space<vmem>> -> memref<128xi32, #tpu.memory_space<vmem>>
    %dma_start3A_26 = arith.constant 0 : i32
    %dma_start3A_27 = arith.constant 0 : i32
    %dma_start3A_28 = tpu.memref_slice %arg2[%dma_start3A_26, %dma_start3A_27] : memref<10000x128xbf16, #tpu.memory_space<hbm>> -> memref<10000x128xbf16, #tpu.memory_space<hbm>>
    tpu.enqueue_indirect_dma source(%dma_start3A_28 : memref<10000x128xbf16, #tpu.memory_space<hbm>>) target(%arg11 : memref<128x128xbf16, #tpu.memory_space<vmem>>) offsets(%dma_start3A_25 : memref<128xi32, #tpu.memory_space<vmem>>) semaphore(%arg19 : memref<!tpu.dma_semaphore, #tpu.memory_space<semaphore_mem>>)
    %dma_start3A_29 = arith.constant 1 : i32
    %dma_start3A_30 = arith.constant 0 : i32
    %dma_start3A_31 = tpu.memref_slice %arg7[%dma_start3A_29, %dma_start3A_30] : memref<80x128xi32, #tpu.memory_space<vmem>> -> memref<1x128xi32, #tpu.memory_space<vmem>>
    %dma_start3A_32 = tpu.memref_squeeze %dma_start3A_31 : memref<1x128xi32, #tpu.memory_space<vmem>> -> memref<128xi32, #tpu.memory_space<vmem>>
    %dma_start3A_33 = arith.constant 0 : i32
    %dma_start3A_34 = arith.constant 0 : i32
    %dma_start3A_35 = tpu.memref_slice %arg2[%dma_start3A_33, %dma_start3A_34] : memref<10000x128xbf16, #tpu.memory_space<hbm>> -> memref<10000x128xbf16, #tpu.memory_space<hbm>>
    tpu.enqueue_indirect_dma source(%dma_start3A_35 : memref<10000x128xbf16, #tpu.memory_space<hbm>>) target(%arg12 : memref<128x128xbf16, #tpu.memory_space<vmem>>) offsets(%dma_start3A_32 : memref<128xi32, #tpu.memory_space<vmem>>) semaphore(%arg20 : memref<!tpu.dma_semaphore, #tpu.memory_space<semaphore_mem>>)
    %dma_start3A_36 = arith.constant 2 : i32
    %dma_start3A_37 = arith.constant 0 : i32
    %dma_start3A_38 = tpu.memref_slice %arg7[%dma_start3A_36, %dma_start3A_37] : memref<80x128xi32, #tpu.memory_space<vmem>> -> memref<1x128xi32, #tpu.memory_space<vmem>>
    %dma_start3A_39 = tpu.memref_squeeze %dma_start3A_38 : memref<1x128xi32, #tpu.memory_space<vmem>> -> memref<128xi32, #tpu.memory_space<vmem>>
    %dma_start3A_40 = arith.constant 0 : i32
    %dma_start3A_41 = arith.constant 0 : i32
    %dma_start3A_42 = tpu.memref_slice %arg2[%dma_start3A_40, %dma_start3A_41] : memref<10000x128xbf16, #tpu.memory_space<hbm>> -> memref<10000x128xbf16, #tpu.memory_space<hbm>>
    tpu.enqueue_indirect_dma source(%dma_start3A_42 : memref<10000x128xbf16, #tpu.memory_space<hbm>>) target(%arg13 : memref<128x128xbf16, #tpu.memory_space<vmem>>) offsets(%dma_start3A_39 : memref<128xi32, #tpu.memory_space<vmem>>) semaphore(%arg21 : memref<!tpu.dma_semaphore, #tpu.memory_space<semaphore_mem>>)
    %dma_start3A_43 = arith.constant 3 : i32
    %dma_start3A_44 = arith.constant 0 : i32
    %dma_start3A_45 = tpu.memref_slice %arg7[%dma_start3A_43, %dma_start3A_44] : memref<80x128xi32, #tpu.memory_space<vmem>> -> memref<1x128xi32, #tpu.memory_space<vmem>>
    %dma_start3A_46 = tpu.memref_squeeze %dma_start3A_45 : memref<1x128xi32, #tpu.memory_space<vmem>> -> memref<128xi32, #tpu.memory_space<vmem>>
    %dma_start3A_47 = arith.constant 0 : i32
    %dma_start3A_48 = arith.constant 0 : i32
    %dma_start3A_49 = tpu.memref_slice %arg2[%dma_start3A_47, %dma_start3A_48] : memref<10000x128xbf16, #tpu.memory_space<hbm>> -> memref<10000x128xbf16, #tpu.memory_space<hbm>>
    tpu.enqueue_indirect_dma source(%dma_start3A_49 : memref<10000x128xbf16, #tpu.memory_space<hbm>>) target(%arg14 : memref<128x128xbf16, #tpu.memory_space<vmem>>) offsets(%dma_start3A_46 : memref<128xi32, #tpu.memory_space<vmem>>) semaphore(%arg22 : memref<!tpu.dma_semaphore, #tpu.memory_space<semaphore_mem>>)
    %dma_start3A_50 = arith.constant 4 : i32
    %dma_start3A_51 = arith.constant 0 : i32
    %dma_start3A_52 = tpu.memref_slice %arg7[%dma_start3A_50, %dma_start3A_51] : memref<80x128xi32, #tpu.memory_space<vmem>> -> memref<1x128xi32, #tpu.memory_space<vmem>>
    %dma_start3A_53 = tpu.memref_squeeze %dma_start3A_52 : memref<1x128xi32, #tpu.memory_space<vmem>> -> memref<128xi32, #tpu.memory_space<vmem>>
    %dma_start3A_54 = arith.constant 0 : i32
    %dma_start3A_55 = arith.constant 0 : i32
    %dma_start3A_56 = tpu.memref_slice %arg2[%dma_start3A_54, %dma_start3A_55] : memref<10000x128xbf16, #tpu.memory_space<hbm>> -> memref<10000x128xbf16, #tpu.memory_space<hbm>>
    tpu.enqueue_indirect_dma source(%dma_start3A_56 : memref<10000x128xbf16, #tpu.memory_space<hbm>>) target(%arg15 : memref<128x128xbf16, #tpu.memory_space<vmem>>) offsets(%dma_start3A_53 : memref<128xi32, #tpu.memory_space<vmem>>) semaphore(%arg23 : memref<!tpu.dma_semaphore, #tpu.memory_space<semaphore_mem>>)
    %dma_start3A_57 = arith.constant 5 : i32
    %dma_start3A_58 = arith.constant 0 : i32
    %dma_start3A_59 = tpu.memref_slice %arg7[%dma_start3A_57, %dma_start3A_58] : memref<80x128xi32, #tpu.memory_space<vmem>> -> memref<1x128xi32, #tpu.memory_space<vmem>>
    %dma_start3A_60 = tpu.memref_squeeze %dma_start3A_59 : memref<1x128xi32, #tpu.memory_space<vmem>> -> memref<128xi32, #tpu.memory_space<vmem>>
    %dma_start3A_61 = arith.constant 0 : i32
    %dma_start3A_62 = arith.constant 0 : i32
    %dma_start3A_63 = tpu.memref_slice %arg2[%dma_start3A_61, %dma_start3A_62] : memref<10000x128xbf16, #tpu.memory_space<hbm>> -> memref<10000x128xbf16, #tpu.memory_space<hbm>>
    tpu.enqueue_indirect_dma source(%dma_start3A_63 : memref<10000x128xbf16, #tpu.memory_space<hbm>>) target(%arg16 : memref<128x128xbf16, #tpu.memory_space<vmem>>) offsets(%dma_start3A_60 : memref<128xi32, #tpu.memory_space<vmem>>) semaphore(%arg24 : memref<!tpu.dma_semaphore, #tpu.memory_space<semaphore_mem>>)
    %scan3A = arith.constant 0 : i32
    %scan3A_64 = arith.constant 10 : i32
    %scan3A_65 = arith.addi %scan3A, %scan3A_64 : i32
    %scan3A_66 = arith.constant 1 : i32
    scf.for %scan3A_128 = %scan3A to %scan3A_65 step %scan3A_66  : i32 {
      %mul3A_129 = arith.constant 8 : i32
      %mul3A_130 = arith.muli %scan3A_128, %mul3A_129 : i32
      %add3A_131 = arith.constant 0 : i32
      %add3A_132 = arith.addi %add3A_131, %mul3A_130 : i32
      %add3A_133 = arith.constant 0 : i32
      %add3A_134 = arith.addi %add3A_132, %add3A_133 : i32
      %add3A_135 = arith.constant 6 : i32
      %add3A_136 = arith.addi %add3A_134, %add3A_135 : i32
      %lt3A = arith.constant 80 : i32
      %lt3A_137 = arith.cmpi slt, %add3A_136, %lt3A : i32
      %convert_element_type3A_138 = arith.extui %lt3A_137 : i1 to i32
      %cond3A_139 = arith.constant 0 : i32
      %cond3A_140 = arith.cmpi ne, %convert_element_type3A_138, %cond3A_139 : i32
      scf.if %cond3A_140 {
        %add3A_300 = arith.constant 6 : i32
        %add3A_301 = arith.addi %add3A_134, %add3A_300 : i32
        %ge3A = arith.constant 8 : i32
        %ge3A_302 = arith.cmpi sge, %add3A_301, %ge3A : i32
        %convert_element_type3A_303 = arith.extui %ge3A_302 : i1 to i32
        %cond3A_304 = arith.constant 0 : i32
        %cond3A_305 = arith.cmpi ne, %convert_element_type3A_303, %cond3A_304 : i32
        scf.if %cond3A_305 {
          %add3A_314 = arith.constant 6 : i32
          %add3A_315 = arith.addi %add3A_134, %add3A_314 : i32
          %sub3A = arith.constant 8 : i32
          %sub3A_316 = arith.subi %add3A_315, %sub3A : i32
          %dma_wait3A_317 = arith.constant 0 : i32
          %dma_wait3A_318 = tpu.memref_slice %arg8[%sub3A_316, %dma_wait3A_317] : memref<80x128xi32, #tpu.memory_space<vmem>> -> memref<1x128xi32, #tpu.memory_space<vmem>>
          %dma_wait3A_319 = tpu.memref_squeeze %dma_wait3A_318 : memref<1x128xi32, #tpu.memory_space<vmem>> -> memref<128xi32, #tpu.memory_space<vmem>>
          %dma_wait3A_320 = arith.constant 0 : i32
          %dma_wait3A_321 = arith.constant 0 : i32
          %dma_wait3A_322 = tpu.memref_slice %arg10[%dma_wait3A_320, %dma_wait3A_321] : memref<10240x128xbf16, #tpu.memory_space<vmem_shared>> -> memref<10240x128xbf16, #tpu.memory_space<vmem_shared>>
          tpu.wait_indirect_dma semaphore(%arg33 : memref<!tpu.dma_semaphore, #tpu.memory_space<semaphore_mem>>) src(%arg17 : memref<128x128xbf16, #tpu.memory_space<vmem>>) dst(%dma_wait3A_322 : memref<10240x128xbf16, #tpu.memory_space<vmem_shared>>)
        } else {
        }
        %add3A_306 = arith.constant 6 : i32
        %add3A_307 = arith.addi %add3A_134, %add3A_306 : i32
        %dma_start3A_308 = arith.constant 0 : i32
        %dma_start3A_309 = tpu.memref_slice %arg7[%add3A_307, %dma_start3A_308] : memref<80x128xi32, #tpu.memory_space<vmem>> -> memref<1x128xi32, #tpu.memory_space<vmem>>
        %dma_start3A_310 = tpu.memref_squeeze %dma_start3A_309 : memref<1x128xi32, #tpu.memory_space<vmem>> -> memref<128xi32, #tpu.memory_space<vmem>>
        %dma_start3A_311 = arith.constant 0 : i32
        %dma_start3A_312 = arith.constant 0 : i32
        %dma_start3A_313 = tpu.memref_slice %arg2[%dma_start3A_311, %dma_start3A_312] : memref<10000x128xbf16, #tpu.memory_space<hbm>> -> memref<10000x128xbf16, #tpu.memory_space<hbm>>
        tpu.enqueue_indirect_dma source(%dma_start3A_313 : memref<10000x128xbf16, #tpu.memory_space<hbm>>) target(%arg17 : memref<128x128xbf16, #tpu.memory_space<vmem>>) offsets(%dma_start3A_310 : memref<128xi32, #tpu.memory_space<vmem>>) semaphore(%arg25 : memref<!tpu.dma_semaphore, #tpu.memory_space<semaphore_mem>>)
      } else {
      }
      %dma_wait3A_141 = arith.constant 0 : i32
      %dma_wait3A_142 = tpu.memref_slice %arg7[%add3A_134, %dma_wait3A_141] : memref<80x128xi32, #tpu.memory_space<vmem>> -> memref<1x128xi32, #tpu.memory_space<vmem>>
      %dma_wait3A_143 = tpu.memref_squeeze %dma_wait3A_142 : memref<1x128xi32, #tpu.memory_space<vmem>> -> memref<128xi32, #tpu.memory_space<vmem>>
      %dma_wait3A_144 = arith.constant 0 : i32
      %dma_wait3A_145 = arith.constant 0 : i32
      %dma_wait3A_146 = tpu.memref_slice %arg2[%dma_wait3A_144, %dma_wait3A_145] : memref<10000x128xbf16, #tpu.memory_space<hbm>> -> memref<10000x128xbf16, #tpu.memory_space<hbm>>
      tpu.wait_indirect_dma semaphore(%arg19 : memref<!tpu.dma_semaphore, #tpu.memory_space<semaphore_mem>>) src(%dma_wait3A_146 : memref<10000x128xbf16, #tpu.memory_space<hbm>>) dst(%arg11 : memref<128x128xbf16, #tpu.memory_space<vmem>>)
      %dma_start3A_147 = arith.constant 0 : i32
      %dma_start3A_148 = tpu.memref_slice %arg8[%add3A_134, %dma_start3A_147] : memref<80x128xi32, #tpu.memory_space<vmem>> -> memref<1x128xi32, #tpu.memory_space<vmem>>
      %dma_start3A_149 = tpu.memref_squeeze %dma_start3A_148 : memref<1x128xi32, #tpu.memory_space<vmem>> -> memref<128xi32, #tpu.memory_space<vmem>>
      %dma_start3A_150 = arith.constant 0 : i32
      %dma_start3A_151 = arith.constant 0 : i32
      %dma_start3A_152 = tpu.memref_slice %arg10[%dma_start3A_150, %dma_start3A_151] : memref<10240x128xbf16, #tpu.memory_space<vmem_shared>> -> memref<10240x128xbf16, #tpu.memory_space<vmem_shared>>
      tpu.enqueue_indirect_dma source(%arg11 : memref<128x128xbf16, #tpu.memory_space<vmem>>) target(%dma_start3A_152 : memref<10240x128xbf16, #tpu.memory_space<vmem_shared>>) offsets(%dma_start3A_149 : memref<128xi32, #tpu.memory_space<vmem>>) semaphore(%arg27 : memref<!tpu.dma_semaphore, #tpu.memory_space<semaphore_mem>>) {add = true}
      %add3A_153 = arith.constant 1 : i32
      %add3A_154 = arith.addi %add3A_132, %add3A_153 : i32
      %add3A_155 = arith.constant 6 : i32
      %add3A_156 = arith.addi %add3A_154, %add3A_155 : i32
      %lt3A_157 = arith.constant 80 : i32
      %lt3A_158 = arith.cmpi slt, %add3A_156, %lt3A_157 : i32
      %convert_element_type3A_159 = arith.extui %lt3A_158 : i1 to i32
      %cond3A_160 = arith.constant 0 : i32
      %cond3A_161 = arith.cmpi ne, %convert_element_type3A_159, %cond3A_160 : i32
      scf.if %cond3A_161 {
        %add3A_300 = arith.constant 6 : i32
        %add3A_301 = arith.addi %add3A_154, %add3A_300 : i32
        %ge3A = arith.constant 8 : i32
        %ge3A_302 = arith.cmpi sge, %add3A_301, %ge3A : i32
        %convert_element_type3A_303 = arith.extui %ge3A_302 : i1 to i32
        %cond3A_304 = arith.constant 0 : i32
        %cond3A_305 = arith.cmpi ne, %convert_element_type3A_303, %cond3A_304 : i32
        scf.if %cond3A_305 {
          %add3A_314 = arith.constant 6 : i32
          %add3A_315 = arith.addi %add3A_154, %add3A_314 : i32
          %sub3A = arith.constant 8 : i32
          %sub3A_316 = arith.subi %add3A_315, %sub3A : i32
          %dma_wait3A_317 = arith.constant 0 : i32
          %dma_wait3A_318 = tpu.memref_slice %arg8[%sub3A_316, %dma_wait3A_317] : memref<80x128xi32, #tpu.memory_space<vmem>> -> memref<1x128xi32, #tpu.memory_space<vmem>>
          %dma_wait3A_319 = tpu.memref_squeeze %dma_wait3A_318 : memref<1x128xi32, #tpu.memory_space<vmem>> -> memref<128xi32, #tpu.memory_space<vmem>>
          %dma_wait3A_320 = arith.constant 0 : i32
          %dma_wait3A_321 = arith.constant 0 : i32
          %dma_wait3A_322 = tpu.memref_slice %arg10[%dma_wait3A_320, %dma_wait3A_321] : memref<10240x128xbf16, #tpu.memory_space<vmem_shared>> -> memref<10240x128xbf16, #tpu.memory_space<vmem_shared>>
          tpu.wait_indirect_dma semaphore(%arg34 : memref<!tpu.dma_semaphore, #tpu.memory_space<semaphore_mem>>) src(%arg18 : memref<128x128xbf16, #tpu.memory_space<vmem>>) dst(%dma_wait3A_322 : memref<10240x128xbf16, #tpu.memory_space<vmem_shared>>)
        } else {
        }
        %add3A_306 = arith.constant 6 : i32
        %add3A_307 = arith.addi %add3A_154, %add3A_306 : i32
        %dma_start3A_308 = arith.constant 0 : i32
        %dma_start3A_309 = tpu.memref_slice %arg7[%add3A_307, %dma_start3A_308] : memref<80x128xi32, #tpu.memory_space<vmem>> -> memref<1x128xi32, #tpu.memory_space<vmem>>
        %dma_start3A_310 = tpu.memref_squeeze %dma_start3A_309 : memref<1x128xi32, #tpu.memory_space<vmem>> -> memref<128xi32, #tpu.memory_space<vmem>>
        %dma_start3A_311 = arith.constant 0 : i32
        %dma_start3A_312 = arith.constant 0 : i32
        %dma_start3A_313 = tpu.memref_slice %arg2[%dma_start3A_311, %dma_start3A_312] : memref<10000x128xbf16, #tpu.memory_space<hbm>> -> memref<10000x128xbf16, #tpu.memory_space<hbm>>
        tpu.enqueue_indirect_dma source(%dma_start3A_313 : memref<10000x128xbf16, #tpu.memory_space<hbm>>) target(%arg18 : memref<128x128xbf16, #tpu.memory_space<vmem>>) offsets(%dma_start3A_310 : memref<128xi32, #tpu.memory_space<vmem>>) semaphore(%arg26 : memref<!tpu.dma_semaphore, #tpu.memory_space<semaphore_mem>>)
      } else {
      }
      %dma_wait3A_162 = arith.constant 0 : i32
      %dma_wait3A_163 = tpu.memref_slice %arg7[%add3A_154, %dma_wait3A_162] : memref<80x128xi32, #tpu.memory_space<vmem>> -> memref<1x128xi32, #tpu.memory_space<vmem>>
      %dma_wait3A_164 = tpu.memref_squeeze %dma_wait3A_163 : memref<1x128xi32, #tpu.memory_space<vmem>> -> memref<128xi32, #tpu.memory_space<vmem>>
      %dma_wait3A_165 = arith.constant 0 : i32
      %dma_wait3A_166 = arith.constant 0 : i32
      %dma_wait3A_167 = tpu.memref_slice %arg2[%dma_wait3A_165, %dma_wait3A_166] : memref<10000x128xbf16, #tpu.memory_space<hbm>> -> memref<10000x128xbf16, #tpu.memory_space<hbm>>
      tpu.wait_indirect_dma semaphore(%arg20 : memref<!tpu.dma_semaphore, #tpu.memory_space<semaphore_mem>>) src(%dma_wait3A_167 : memref<10000x128xbf16, #tpu.memory_space<hbm>>) dst(%arg12 : memref<128x128xbf16, #tpu.memory_space<vmem>>)
      %dma_start3A_168 = arith.constant 0 : i32
      %dma_start3A_169 = tpu.memref_slice %arg8[%add3A_154, %dma_start3A_168] : memref<80x128xi32, #tpu.memory_space<vmem>> -> memref<1x128xi32, #tpu.memory_space<vmem>>
      %dma_start3A_170 = tpu.memref_squeeze %dma_start3A_169 : memref<1x128xi32, #tpu.memory_space<vmem>> -> memref<128xi32, #tpu.memory_space<vmem>>
      %dma_start3A_171 = arith.constant 0 : i32
      %dma_start3A_172 = arith.constant 0 : i32
      %dma_start3A_173 = tpu.memref_slice %arg10[%dma_start3A_171, %dma_start3A_172] : memref<10240x128xbf16, #tpu.memory_space<vmem_shared>> -> memref<10240x128xbf16, #tpu.memory_space<vmem_shared>>
      tpu.enqueue_indirect_dma source(%arg12 : memref<128x128xbf16, #tpu.memory_space<vmem>>) target(%dma_start3A_173 : memref<10240x128xbf16, #tpu.memory_space<vmem_shared>>) offsets(%dma_start3A_170 : memref<128xi32, #tpu.memory_space<vmem>>) semaphore(%arg28 : memref<!tpu.dma_semaphore, #tpu.memory_space<semaphore_mem>>) {add = true}
      %add3A_174 = arith.constant 2 : i32
      %add3A_175 = arith.addi %add3A_132, %add3A_174 : i32
      %add3A_176 = arith.constant 6 : i32
      %add3A_177 = arith.addi %add3A_175, %add3A_176 : i32
      %lt3A_178 = arith.constant 80 : i32
      %lt3A_179 = arith.cmpi slt, %add3A_177, %lt3A_178 : i32
      %convert_element_type3A_180 = arith.extui %lt3A_179 : i1 to i32
      %cond3A_181 = arith.constant 0 : i32
      %cond3A_182 = arith.cmpi ne, %convert_element_type3A_180, %cond3A_181 : i32
      scf.if %cond3A_182 {
        %add3A_300 = arith.constant 6 : i32
        %add3A_301 = arith.addi %add3A_175, %add3A_300 : i32
        %ge3A = arith.constant 8 : i32
        %ge3A_302 = arith.cmpi sge, %add3A_301, %ge3A : i32
        %convert_element_type3A_303 = arith.extui %ge3A_302 : i1 to i32
        %cond3A_304 = arith.constant 0 : i32
        %cond3A_305 = arith.cmpi ne, %convert_element_type3A_303, %cond3A_304 : i32
        scf.if %cond3A_305 {
          %add3A_314 = arith.constant 6 : i32
          %add3A_315 = arith.addi %add3A_175, %add3A_314 : i32
          %sub3A = arith.constant 8 : i32
          %sub3A_316 = arith.subi %add3A_315, %sub3A : i32
          %dma_wait3A_317 = arith.constant 0 : i32
          %dma_wait3A_318 = tpu.memref_slice %arg8[%sub3A_316, %dma_wait3A_317] : memref<80x128xi32, #tpu.memory_space<vmem>> -> memref<1x128xi32, #tpu.memory_space<vmem>>
          %dma_wait3A_319 = tpu.memref_squeeze %dma_wait3A_318 : memref<1x128xi32, #tpu.memory_space<vmem>> -> memref<128xi32, #tpu.memory_space<vmem>>
          %dma_wait3A_320 = arith.constant 0 : i32
          %dma_wait3A_321 = arith.constant 0 : i32
          %dma_wait3A_322 = tpu.memref_slice %arg10[%dma_wait3A_320, %dma_wait3A_321] : memref<10240x128xbf16, #tpu.memory_space<vmem_shared>> -> memref<10240x128xbf16, #tpu.memory_space<vmem_shared>>
          tpu.wait_indirect_dma semaphore(%arg27 : memref<!tpu.dma_semaphore, #tpu.memory_space<semaphore_mem>>) src(%arg11 : memref<128x128xbf16, #tpu.memory_space<vmem>>) dst(%dma_wait3A_322 : memref<10240x128xbf16, #tpu.memory_space<vmem_shared>>)
        } else {
        }
        %add3A_306 = arith.constant 6 : i32
        %add3A_307 = arith.addi %add3A_175, %add3A_306 : i32
        %dma_start3A_308 = arith.constant 0 : i32
        %dma_start3A_309 = tpu.memref_slice %arg7[%add3A_307, %dma_start3A_308] : memref<80x128xi32, #tpu.memory_space<vmem>> -> memref<1x128xi32, #tpu.memory_space<vmem>>
        %dma_start3A_310 = tpu.memref_squeeze %dma_start3A_309 : memref<1x128xi32, #tpu.memory_space<vmem>> -> memref<128xi32, #tpu.memory_space<vmem>>
        %dma_start3A_311 = arith.constant 0 : i32
        %dma_start3A_312 = arith.constant 0 : i32
        %dma_start3A_313 = tpu.memref_slice %arg2[%dma_start3A_311, %dma_start3A_312] : memref<10000x128xbf16, #tpu.memory_space<hbm>> -> memref<10000x128xbf16, #tpu.memory_space<hbm>>
        tpu.enqueue_indirect_dma source(%dma_start3A_313 : memref<10000x128xbf16, #tpu.memory_space<hbm>>) target(%arg11 : memref<128x128xbf16, #tpu.memory_space<vmem>>) offsets(%dma_start3A_310 : memref<128xi32, #tpu.memory_space<vmem>>) semaphore(%arg19 : memref<!tpu.dma_semaphore, #tpu.memory_space<semaphore_mem>>)
      } else {
      }
      %dma_wait3A_183 = arith.constant 0 : i32
      %dma_wait3A_184 = tpu.memref_slice %arg7[%add3A_175, %dma_wait3A_183] : memref<80x128xi32, #tpu.memory_space<vmem>> -> memref<1x128xi32, #tpu.memory_space<vmem>>
      %dma_wait3A_185 = tpu.memref_squeeze %dma_wait3A_184 : memref<1x128xi32, #tpu.memory_space<vmem>> -> memref<128xi32, #tpu.memory_space<vmem>>
      %dma_wait3A_186 = arith.constant 0 : i32
      %dma_wait3A_187 = arith.constant 0 : i32
      %dma_wait3A_188 = tpu.memref_slice %arg2[%dma_wait3A_186, %dma_wait3A_187] : memref<10000x128xbf16, #tpu.memory_space<hbm>> -> memref<10000x128xbf16, #tpu.memory_space<hbm>>
      tpu.wait_indirect_dma semaphore(%arg21 : memref<!tpu.dma_semaphore, #tpu.memory_space<semaphore_mem>>) src(%dma_wait3A_188 : memref<10000x128xbf16, #tpu.memory_space<hbm>>) dst(%arg13 : memref<128x128xbf16, #tpu.memory_space<vmem>>)
      %dma_start3A_189 = arith.constant 0 : i32
      %dma_start3A_190 = tpu.memref_slice %arg8[%add3A_175, %dma_start3A_189] : memref<80x128xi32, #tpu.memory_space<vmem>> -> memref<1x128xi32, #tpu.memory_space<vmem>>
      %dma_start3A_191 = tpu.memref_squeeze %dma_start3A_190 : memref<1x128xi32, #tpu.memory_space<vmem>> -> memref<128xi32, #tpu.memory_space<vmem>>
      %dma_start3A_192 = arith.constant 0 : i32
      %dma_start3A_193 = arith.constant 0 : i32
      %dma_start3A_194 = tpu.memref_slice %arg10[%dma_start3A_192, %dma_start3A_193] : memref<10240x128xbf16, #tpu.memory_space<vmem_shared>> -> memref<10240x128xbf16, #tpu.memory_space<vmem_shared>>
      tpu.enqueue_indirect_dma source(%arg13 : memref<128x128xbf16, #tpu.memory_space<vmem>>) target(%dma_start3A_194 : memref<10240x128xbf16, #tpu.memory_space<vmem_shared>>) offsets(%dma_start3A_191 : memref<128xi32, #tpu.memory_space<vmem>>) semaphore(%arg29 : memref<!tpu.dma_semaphore, #tpu.memory_space<semaphore_mem>>) {add = true}
      %add3A_195 = arith.constant 3 : i32
      %add3A_196 = arith.addi %add3A_132, %add3A_195 : i32
      %add3A_197 = arith.constant 6 : i32
      %add3A_198 = arith.addi %add3A_196, %add3A_197 : i32
      %lt3A_199 = arith.constant 80 : i32
      %lt3A_200 = arith.cmpi slt, %add3A_198, %lt3A_199 : i32
      %convert_element_type3A_201 = arith.extui %lt3A_200 : i1 to i32
      %cond3A_202 = arith.constant 0 : i32
      %cond3A_203 = arith.cmpi ne, %convert_element_type3A_201, %cond3A_202 : i32
      scf.if %cond3A_203 {
        %add3A_300 = arith.constant 6 : i32
        %add3A_301 = arith.addi %add3A_196, %add3A_300 : i32
        %ge3A = arith.constant 8 : i32
        %ge3A_302 = arith.cmpi sge, %add3A_301, %ge3A : i32
        %convert_element_type3A_303 = arith.extui %ge3A_302 : i1 to i32
        %cond3A_304 = arith.constant 0 : i32
        %cond3A_305 = arith.cmpi ne, %convert_element_type3A_303, %cond3A_304 : i32
        scf.if %cond3A_305 {
          %add3A_314 = arith.constant 6 : i32
          %add3A_315 = arith.addi %add3A_196, %add3A_314 : i32
          %sub3A = arith.constant 8 : i32
          %sub3A_316 = arith.subi %add3A_315, %sub3A : i32
          %dma_wait3A_317 = arith.constant 0 : i32
          %dma_wait3A_318 = tpu.memref_slice %arg8[%sub3A_316, %dma_wait3A_317] : memref<80x128xi32, #tpu.memory_space<vmem>> -> memref<1x128xi32, #tpu.memory_space<vmem>>
          %dma_wait3A_319 = tpu.memref_squeeze %dma_wait3A_318 : memref<1x128xi32, #tpu.memory_space<vmem>> -> memref<128xi32, #tpu.memory_space<vmem>>
          %dma_wait3A_320 = arith.constant 0 : i32
          %dma_wait3A_321 = arith.constant 0 : i32
          %dma_wait3A_322 = tpu.memref_slice %arg10[%dma_wait3A_320, %dma_wait3A_321] : memref<10240x128xbf16, #tpu.memory_space<vmem_shared>> -> memref<10240x128xbf16, #tpu.memory_space<vmem_shared>>
          tpu.wait_indirect_dma semaphore(%arg28 : memref<!tpu.dma_semaphore, #tpu.memory_space<semaphore_mem>>) src(%arg12 : memref<128x128xbf16, #tpu.memory_space<vmem>>) dst(%dma_wait3A_322 : memref<10240x128xbf16, #tpu.memory_space<vmem_shared>>)
        } else {
        }
        %add3A_306 = arith.constant 6 : i32
        %add3A_307 = arith.addi %add3A_196, %add3A_306 : i32
        %dma_start3A_308 = arith.constant 0 : i32
        %dma_start3A_309 = tpu.memref_slice %arg7[%add3A_307, %dma_start3A_308] : memref<80x128xi32, #tpu.memory_space<vmem>> -> memref<1x128xi32, #tpu.memory_space<vmem>>
        %dma_start3A_310 = tpu.memref_squeeze %dma_start3A_309 : memref<1x128xi32, #tpu.memory_space<vmem>> -> memref<128xi32, #tpu.memory_space<vmem>>
        %dma_start3A_311 = arith.constant 0 : i32
        %dma_start3A_312 = arith.constant 0 : i32
        %dma_start3A_313 = tpu.memref_slice %arg2[%dma_start3A_311, %dma_start3A_312] : memref<10000x128xbf16, #tpu.memory_space<hbm>> -> memref<10000x128xbf16, #tpu.memory_space<hbm>>
        tpu.enqueue_indirect_dma source(%dma_start3A_313 : memref<10000x128xbf16, #tpu.memory_space<hbm>>) target(%arg12 : memref<128x128xbf16, #tpu.memory_space<vmem>>) offsets(%dma_start3A_310 : memref<128xi32, #tpu.memory_space<vmem>>) semaphore(%arg20 : memref<!tpu.dma_semaphore, #tpu.memory_space<semaphore_mem>>)
      } else {
      }
      %dma_wait3A_204 = arith.constant 0 : i32
      %dma_wait3A_205 = tpu.memref_slice %arg7[%add3A_196, %dma_wait3A_204] : memref<80x128xi32, #tpu.memory_space<vmem>> -> memref<1x128xi32, #tpu.memory_space<vmem>>
      %dma_wait3A_206 = tpu.memref_squeeze %dma_wait3A_205 : memref<1x128xi32, #tpu.memory_space<vmem>> -> memref<128xi32, #tpu.memory_space<vmem>>
      %dma_wait3A_207 = arith.constant 0 : i32
      %dma_wait3A_208 = arith.constant 0 : i32
      %dma_wait3A_209 = tpu.memref_slice %arg2[%dma_wait3A_207, %dma_wait3A_208] : memref<10000x128xbf16, #tpu.memory_space<hbm>> -> memref<10000x128xbf16, #tpu.memory_space<hbm>>
      tpu.wait_indirect_dma semaphore(%arg22 : memref<!tpu.dma_semaphore, #tpu.memory_space<semaphore_mem>>) src(%dma_wait3A_209 : memref<10000x128xbf16, #tpu.memory_space<hbm>>) dst(%arg14 : memref<128x128xbf16, #tpu.memory_space<vmem>>)
      %dma_start3A_210 = arith.constant 0 : i32
      %dma_start3A_211 = tpu.memref_slice %arg8[%add3A_196, %dma_start3A_210] : memref<80x128xi32, #tpu.memory_space<vmem>> -> memref<1x128xi32, #tpu.memory_space<vmem>>
      %dma_start3A_212 = tpu.memref_squeeze %dma_start3A_211 : memref<1x128xi32, #tpu.memory_space<vmem>> -> memref<128xi32, #tpu.memory_space<vmem>>
      %dma_start3A_213 = arith.constant 0 : i32
      %dma_start3A_214 = arith.constant 0 : i32
      %dma_start3A_215 = tpu.memref_slice %arg10[%dma_start3A_213, %dma_start3A_214] : memref<10240x128xbf16, #tpu.memory_space<vmem_shared>> -> memref<10240x128xbf16, #tpu.memory_space<vmem_shared>>
      tpu.enqueue_indirect_dma source(%arg14 : memref<128x128xbf16, #tpu.memory_space<vmem>>) target(%dma_start3A_215 : memref<10240x128xbf16, #tpu.memory_space<vmem_shared>>) offsets(%dma_start3A_212 : memref<128xi32, #tpu.memory_space<vmem>>) semaphore(%arg30 : memref<!tpu.dma_semaphore, #tpu.memory_space<semaphore_mem>>) {add = true}
      %add3A_216 = arith.constant 4 : i32
      %add3A_217 = arith.addi %add3A_132, %add3A_216 : i32
      %add3A_218 = arith.constant 6 : i32
      %add3A_219 = arith.addi %add3A_217, %add3A_218 : i32
      %lt3A_220 = arith.constant 80 : i32
      %lt3A_221 = arith.cmpi slt, %add3A_219, %lt3A_220 : i32
      %convert_element_type3A_222 = arith.extui %lt3A_221 : i1 to i32
      %cond3A_223 = arith.constant 0 : i32
      %cond3A_224 = arith.cmpi ne, %convert_element_type3A_222, %cond3A_223 : i32
      scf.if %cond3A_224 {
        %add3A_300 = arith.constant 6 : i32
        %add3A_301 = arith.addi %add3A_217, %add3A_300 : i32
        %ge3A = arith.constant 8 : i32
        %ge3A_302 = arith.cmpi sge, %add3A_301, %ge3A : i32
        %convert_element_type3A_303 = arith.extui %ge3A_302 : i1 to i32
        %cond3A_304 = arith.constant 0 : i32
        %cond3A_305 = arith.cmpi ne, %convert_element_type3A_303, %cond3A_304 : i32
        scf.if %cond3A_305 {
          %add3A_314 = arith.constant 6 : i32
          %add3A_315 = arith.addi %add3A_217, %add3A_314 : i32
          %sub3A = arith.constant 8 : i32
          %sub3A_316 = arith.subi %add3A_315, %sub3A : i32
          %dma_wait3A_317 = arith.constant 0 : i32
          %dma_wait3A_318 = tpu.memref_slice %arg8[%sub3A_316, %dma_wait3A_317] : memref<80x128xi32, #tpu.memory_space<vmem>> -> memref<1x128xi32, #tpu.memory_space<vmem>>
          %dma_wait3A_319 = tpu.memref_squeeze %dma_wait3A_318 : memref<1x128xi32, #tpu.memory_space<vmem>> -> memref<128xi32, #tpu.memory_space<vmem>>
          %dma_wait3A_320 = arith.constant 0 : i32
          %dma_wait3A_321 = arith.constant 0 : i32
          %dma_wait3A_322 = tpu.memref_slice %arg10[%dma_wait3A_320, %dma_wait3A_321] : memref<10240x128xbf16, #tpu.memory_space<vmem_shared>> -> memref<10240x128xbf16, #tpu.memory_space<vmem_shared>>
          tpu.wait_indirect_dma semaphore(%arg29 : memref<!tpu.dma_semaphore, #tpu.memory_space<semaphore_mem>>) src(%arg13 : memref<128x128xbf16, #tpu.memory_space<vmem>>) dst(%dma_wait3A_322 : memref<10240x128xbf16, #tpu.memory_space<vmem_shared>>)
        } else {
        }
        %add3A_306 = arith.constant 6 : i32
        %add3A_307 = arith.addi %add3A_217, %add3A_306 : i32
        %dma_start3A_308 = arith.constant 0 : i32
        %dma_start3A_309 = tpu.memref_slice %arg7[%add3A_307, %dma_start3A_308] : memref<80x128xi32, #tpu.memory_space<vmem>> -> memref<1x128xi32, #tpu.memory_space<vmem>>
        %dma_start3A_310 = tpu.memref_squeeze %dma_start3A_309 : memref<1x128xi32, #tpu.memory_space<vmem>> -> memref<128xi32, #tpu.memory_space<vmem>>
        %dma_start3A_311 = arith.constant 0 : i32
        %dma_start3A_312 = arith.constant 0 : i32
        %dma_start3A_313 = tpu.memref_slice %arg2[%dma_start3A_311, %dma_start3A_312] : memref<10000x128xbf16, #tpu.memory_space<hbm>> -> memref<10000x128xbf16, #tpu.memory_space<hbm>>
        tpu.enqueue_indirect_dma source(%dma_start3A_313 : memref<10000x128xbf16, #tpu.memory_space<hbm>>) target(%arg13 : memref<128x128xbf16, #tpu.memory_space<vmem>>) offsets(%dma_start3A_310 : memref<128xi32, #tpu.memory_space<vmem>>) semaphore(%arg21 : memref<!tpu.dma_semaphore, #tpu.memory_space<semaphore_mem>>)
      } else {
      }
      %dma_wait3A_225 = arith.constant 0 : i32
      %dma_wait3A_226 = tpu.memref_slice %arg7[%add3A_217, %dma_wait3A_225] : memref<80x128xi32, #tpu.memory_space<vmem>> -> memref<1x128xi32, #tpu.memory_space<vmem>>
      %dma_wait3A_227 = tpu.memref_squeeze %dma_wait3A_226 : memref<1x128xi32, #tpu.memory_space<vmem>> -> memref<128xi32, #tpu.memory_space<vmem>>
      %dma_wait3A_228 = arith.constant 0 : i32
      %dma_wait3A_229 = arith.constant 0 : i32
      %dma_wait3A_230 = tpu.memref_slice %arg2[%dma_wait3A_228, %dma_wait3A_229] : memref<10000x128xbf16, #tpu.memory_space<hbm>> -> memref<10000x128xbf16, #tpu.memory_space<hbm>>
      tpu.wait_indirect_dma semaphore(%arg23 : memref<!tpu.dma_semaphore, #tpu.memory_space<semaphore_mem>>) src(%dma_wait3A_230 : memref<10000x128xbf16, #tpu.memory_space<hbm>>) dst(%arg15 : memref<128x128xbf16, #tpu.memory_space<vmem>>)
      %dma_start3A_231 = arith.constant 0 : i32
      %dma_start3A_232 = tpu.memref_slice %arg8[%add3A_217, %dma_start3A_231] : memref<80x128xi32, #tpu.memory_space<vmem>> -> memref<1x128xi32, #tpu.memory_space<vmem>>
      %dma_start3A_233 = tpu.memref_squeeze %dma_start3A_232 : memref<1x128xi32, #tpu.memory_space<vmem>> -> memref<128xi32, #tpu.memory_space<vmem>>
      %dma_start3A_234 = arith.constant 0 : i32
      %dma_start3A_235 = arith.constant 0 : i32
      %dma_start3A_236 = tpu.memref_slice %arg10[%dma_start3A_234, %dma_start3A_235] : memref<10240x128xbf16, #tpu.memory_space<vmem_shared>> -> memref<10240x128xbf16, #tpu.memory_space<vmem_shared>>
      tpu.enqueue_indirect_dma source(%arg15 : memref<128x128xbf16, #tpu.memory_space<vmem>>) target(%dma_start3A_236 : memref<10240x128xbf16, #tpu.memory_space<vmem_shared>>) offsets(%dma_start3A_233 : memref<128xi32, #tpu.memory_space<vmem>>) semaphore(%arg31 : memref<!tpu.dma_semaphore, #tpu.memory_space<semaphore_mem>>) {add = true}
      %add3A_237 = arith.constant 5 : i32
      %add3A_238 = arith.addi %add3A_132, %add3A_237 : i32
      %add3A_239 = arith.constant 6 : i32
      %add3A_240 = arith.addi %add3A_238, %add3A_239 : i32
      %lt3A_241 = arith.constant 80 : i32
      %lt3A_242 = arith.cmpi slt, %add3A_240, %lt3A_241 : i32
      %convert_element_type3A_243 = arith.extui %lt3A_242 : i1 to i32
      %cond3A_244 = arith.constant 0 : i32
      %cond3A_245 = arith.cmpi ne, %convert_element_type3A_243, %cond3A_244 : i32
      scf.if %cond3A_245 {
        %add3A_300 = arith.constant 6 : i32
        %add3A_301 = arith.addi %add3A_238, %add3A_300 : i32
        %ge3A = arith.constant 8 : i32
        %ge3A_302 = arith.cmpi sge, %add3A_301, %ge3A : i32
        %convert_element_type3A_303 = arith.extui %ge3A_302 : i1 to i32
        %cond3A_304 = arith.constant 0 : i32
        %cond3A_305 = arith.cmpi ne, %convert_element_type3A_303, %cond3A_304 : i32
        scf.if %cond3A_305 {
          %add3A_314 = arith.constant 6 : i32
          %add3A_315 = arith.addi %add3A_238, %add3A_314 : i32
          %sub3A = arith.constant 8 : i32
          %sub3A_316 = arith.subi %add3A_315, %sub3A : i32
          %dma_wait3A_317 = arith.constant 0 : i32
          %dma_wait3A_318 = tpu.memref_slice %arg8[%sub3A_316, %dma_wait3A_317] : memref<80x128xi32, #tpu.memory_space<vmem>> -> memref<1x128xi32, #tpu.memory_space<vmem>>
          %dma_wait3A_319 = tpu.memref_squeeze %dma_wait3A_318 : memref<1x128xi32, #tpu.memory_space<vmem>> -> memref<128xi32, #tpu.memory_space<vmem>>
          %dma_wait3A_320 = arith.constant 0 : i32
          %dma_wait3A_321 = arith.constant 0 : i32
          %dma_wait3A_322 = tpu.memref_slice %arg10[%dma_wait3A_320, %dma_wait3A_321] : memref<10240x128xbf16, #tpu.memory_space<vmem_shared>> -> memref<10240x128xbf16, #tpu.memory_space<vmem_shared>>
          tpu.wait_indirect_dma semaphore(%arg30 : memref<!tpu.dma_semaphore, #tpu.memory_space<semaphore_mem>>) src(%arg14 : memref<128x128xbf16, #tpu.memory_space<vmem>>) dst(%dma_wait3A_322 : memref<10240x128xbf16, #tpu.memory_space<vmem_shared>>)
        } else {
        }
        %add3A_306 = arith.constant 6 : i32
        %add3A_307 = arith.addi %add3A_238, %add3A_306 : i32
        %dma_start3A_308 = arith.constant 0 : i32
        %dma_start3A_309 = tpu.memref_slice %arg7[%add3A_307, %dma_start3A_308] : memref<80x128xi32, #tpu.memory_space<vmem>> -> memref<1x128xi32, #tpu.memory_space<vmem>>
        %dma_start3A_310 = tpu.memref_squeeze %dma_start3A_309 : memref<1x128xi32, #tpu.memory_space<vmem>> -> memref<128xi32, #tpu.memory_space<vmem>>
        %dma_start3A_311 = arith.constant 0 : i32
        %dma_start3A_312 = arith.constant 0 : i32
        %dma_start3A_313 = tpu.memref_slice %arg2[%dma_start3A_311, %dma_start3A_312] : memref<10000x128xbf16, #tpu.memory_space<hbm>> -> memref<10000x128xbf16, #tpu.memory_space<hbm>>
        tpu.enqueue_indirect_dma source(%dma_start3A_313 : memref<10000x128xbf16, #tpu.memory_space<hbm>>) target(%arg14 : memref<128x128xbf16, #tpu.memory_space<vmem>>) offsets(%dma_start3A_310 : memref<128xi32, #tpu.memory_space<vmem>>) semaphore(%arg22 : memref<!tpu.dma_semaphore, #tpu.memory_space<semaphore_mem>>)
      } else {
      }
      %dma_wait3A_246 = arith.constant 0 : i32
      %dma_wait3A_247 = tpu.memref_slice %arg7[%add3A_238, %dma_wait3A_246] : memref<80x128xi32, #tpu.memory_space<vmem>> -> memref<1x128xi32, #tpu.memory_space<vmem>>
      %dma_wait3A_248 = tpu.memref_squeeze %dma_wait3A_247 : memref<1x128xi32, #tpu.memory_space<vmem>> -> memref<128xi32, #tpu.memory_space<vmem>>
      %dma_wait3A_249 = arith.constant 0 : i32
      %dma_wait3A_250 = arith.constant 0 : i32
      %dma_wait3A_251 = tpu.memref_slice %arg2[%dma_wait3A_249, %dma_wait3A_250] : memref<10000x128xbf16, #tpu.memory_space<hbm>> -> memref<10000x128xbf16, #tpu.memory_space<hbm>>
      tpu.wait_indirect_dma semaphore(%arg24 : memref<!tpu.dma_semaphore, #tpu.memory_space<semaphore_mem>>) src(%dma_wait3A_251 : memref<10000x128xbf16, #tpu.memory_space<hbm>>) dst(%arg16 : memref<128x128xbf16, #tpu.memory_space<vmem>>)
      %dma_start3A_252 = arith.constant 0 : i32
      %dma_start3A_253 = tpu.memref_slice %arg8[%add3A_238, %dma_start3A_252] : memref<80x128xi32, #tpu.memory_space<vmem>> -> memref<1x128xi32, #tpu.memory_space<vmem>>
      %dma_start3A_254 = tpu.memref_squeeze %dma_start3A_253 : memref<1x128xi32, #tpu.memory_space<vmem>> -> memref<128xi32, #tpu.memory_space<vmem>>
      %dma_start3A_255 = arith.constant 0 : i32
      %dma_start3A_256 = arith.constant 0 : i32
      %dma_start3A_257 = tpu.memref_slice %arg10[%dma_start3A_255, %dma_start3A_256] : memref<10240x128xbf16, #tpu.memory_space<vmem_shared>> -> memref<10240x128xbf16, #tpu.memory_space<vmem_shared>>
      tpu.enqueue_indirect_dma source(%arg16 : memref<128x128xbf16, #tpu.memory_space<vmem>>) target(%dma_start3A_257 : memref<10240x128xbf16, #tpu.memory_space<vmem_shared>>) offsets(%dma_start3A_254 : memref<128xi32, #tpu.memory_space<vmem>>) semaphore(%arg32 : memref<!tpu.dma_semaphore, #tpu.memory_space<semaphore_mem>>) {add = true}
      %add3A_258 = arith.constant 6 : i32
      %add3A_259 = arith.addi %add3A_132, %add3A_258 : i32
      %add3A_260 = arith.constant 6 : i32
      %add3A_261 = arith.addi %add3A_259, %add3A_260 : i32
      %lt3A_262 = arith.constant 80 : i32
      %lt3A_263 = arith.cmpi slt, %add3A_261, %lt3A_262 : i32
      %convert_element_type3A_264 = arith.extui %lt3A_263 : i1 to i32
      %cond3A_265 = arith.constant 0 : i32
      %cond3A_266 = arith.cmpi ne, %convert_element_type3A_264, %cond3A_265 : i32
      scf.if %cond3A_266 {
        %add3A_300 = arith.constant 6 : i32
        %add3A_301 = arith.addi %add3A_259, %add3A_300 : i32
        %ge3A = arith.constant 8 : i32
        %ge3A_302 = arith.cmpi sge, %add3A_301, %ge3A : i32
        %convert_element_type3A_303 = arith.extui %ge3A_302 : i1 to i32
        %cond3A_304 = arith.constant 0 : i32
        %cond3A_305 = arith.cmpi ne, %convert_element_type3A_303, %cond3A_304 : i32
        scf.if %cond3A_305 {
          %add3A_314 = arith.constant 6 : i32
          %add3A_315 = arith.addi %add3A_259, %add3A_314 : i32
          %sub3A = arith.constant 8 : i32
          %sub3A_316 = arith.subi %add3A_315, %sub3A : i32
          %dma_wait3A_317 = arith.constant 0 : i32
          %dma_wait3A_318 = tpu.memref_slice %arg8[%sub3A_316, %dma_wait3A_317] : memref<80x128xi32, #tpu.memory_space<vmem>> -> memref<1x128xi32, #tpu.memory_space<vmem>>
          %dma_wait3A_319 = tpu.memref_squeeze %dma_wait3A_318 : memref<1x128xi32, #tpu.memory_space<vmem>> -> memref<128xi32, #tpu.memory_space<vmem>>
          %dma_wait3A_320 = arith.constant 0 : i32
          %dma_wait3A_321 = arith.constant 0 : i32
          %dma_wait3A_322 = tpu.memref_slice %arg10[%dma_wait3A_320, %dma_wait3A_321] : memref<10240x128xbf16, #tpu.memory_space<vmem_shared>> -> memref<10240x128xbf16, #tpu.memory_space<vmem_shared>>
          tpu.wait_indirect_dma semaphore(%arg31 : memref<!tpu.dma_semaphore, #tpu.memory_space<semaphore_mem>>) src(%arg15 : memref<128x128xbf16, #tpu.memory_space<vmem>>) dst(%dma_wait3A_322 : memref<10240x128xbf16, #tpu.memory_space<vmem_shared>>)
        } else {
        }
        %add3A_306 = arith.constant 6 : i32
        %add3A_307 = arith.addi %add3A_259, %add3A_306 : i32
        %dma_start3A_308 = arith.constant 0 : i32
        %dma_start3A_309 = tpu.memref_slice %arg7[%add3A_307, %dma_start3A_308] : memref<80x128xi32, #tpu.memory_space<vmem>> -> memref<1x128xi32, #tpu.memory_space<vmem>>
        %dma_start3A_310 = tpu.memref_squeeze %dma_start3A_309 : memref<1x128xi32, #tpu.memory_space<vmem>> -> memref<128xi32, #tpu.memory_space<vmem>>
        %dma_start3A_311 = arith.constant 0 : i32
        %dma_start3A_312 = arith.constant 0 : i32
        %dma_start3A_313 = tpu.memref_slice %arg2[%dma_start3A_311, %dma_start3A_312] : memref<10000x128xbf16, #tpu.memory_space<hbm>> -> memref<10000x128xbf16, #tpu.memory_space<hbm>>
        tpu.enqueue_indirect_dma source(%dma_start3A_313 : memref<10000x128xbf16, #tpu.memory_space<hbm>>) target(%arg15 : memref<128x128xbf16, #tpu.memory_space<vmem>>) offsets(%dma_start3A_310 : memref<128xi32, #tpu.memory_space<vmem>>) semaphore(%arg23 : memref<!tpu.dma_semaphore, #tpu.memory_space<semaphore_mem>>)
      } else {
      }
      %dma_wait3A_267 = arith.constant 0 : i32
      %dma_wait3A_268 = tpu.memref_slice %arg7[%add3A_259, %dma_wait3A_267] : memref<80x128xi32, #tpu.memory_space<vmem>> -> memref<1x128xi32, #tpu.memory_space<vmem>>
      %dma_wait3A_269 = tpu.memref_squeeze %dma_wait3A_268 : memref<1x128xi32, #tpu.memory_space<vmem>> -> memref<128xi32, #tpu.memory_space<vmem>>
      %dma_wait3A_270 = arith.constant 0 : i32
      %dma_wait3A_271 = arith.constant 0 : i32
      %dma_wait3A_272 = tpu.memref_slice %arg2[%dma_wait3A_270, %dma_wait3A_271] : memref<10000x128xbf16, #tpu.memory_space<hbm>> -> memref<10000x128xbf16, #tpu.memory_space<hbm>>
      tpu.wait_indirect_dma semaphore(%arg25 : memref<!tpu.dma_semaphore, #tpu.memory_space<semaphore_mem>>) src(%dma_wait3A_272 : memref<10000x128xbf16, #tpu.memory_space<hbm>>) dst(%arg17 : memref<128x128xbf16, #tpu.memory_space<vmem>>)
      %dma_start3A_273 = arith.constant 0 : i32
      %dma_start3A_274 = tpu.memref_slice %arg8[%add3A_259, %dma_start3A_273] : memref<80x128xi32, #tpu.memory_space<vmem>> -> memref<1x128xi32, #tpu.memory_space<vmem>>
      %dma_start3A_275 = tpu.memref_squeeze %dma_start3A_274 : memref<1x128xi32, #tpu.memory_space<vmem>> -> memref<128xi32, #tpu.memory_space<vmem>>
      %dma_start3A_276 = arith.constant 0 : i32
      %dma_start3A_277 = arith.constant 0 : i32
      %dma_start3A_278 = tpu.memref_slice %arg10[%dma_start3A_276, %dma_start3A_277] : memref<10240x128xbf16, #tpu.memory_space<vmem_shared>> -> memref<10240x128xbf16, #tpu.memory_space<vmem_shared>>
      tpu.enqueue_indirect_dma source(%arg17 : memref<128x128xbf16, #tpu.memory_space<vmem>>) target(%dma_start3A_278 : memref<10240x128xbf16, #tpu.memory_space<vmem_shared>>) offsets(%dma_start3A_275 : memref<128xi32, #tpu.memory_space<vmem>>) semaphore(%arg33 : memref<!tpu.dma_semaphore, #tpu.memory_space<semaphore_mem>>) {add = true}
      %add3A_279 = arith.constant 7 : i32
      %add3A_280 = arith.addi %add3A_132, %add3A_279 : i32
      %add3A_281 = arith.constant 6 : i32
      %add3A_282 = arith.addi %add3A_280, %add3A_281 : i32
      %lt3A_283 = arith.constant 80 : i32
      %lt3A_284 = arith.cmpi slt, %add3A_282, %lt3A_283 : i32
      %convert_element_type3A_285 = arith.extui %lt3A_284 : i1 to i32
      %cond3A_286 = arith.constant 0 : i32
      %cond3A_287 = arith.cmpi ne, %convert_element_type3A_285, %cond3A_286 : i32
      scf.if %cond3A_287 {
        %add3A_300 = arith.constant 6 : i32
        %add3A_301 = arith.addi %add3A_280, %add3A_300 : i32
        %ge3A = arith.constant 8 : i32
        %ge3A_302 = arith.cmpi sge, %add3A_301, %ge3A : i32
        %convert_element_type3A_303 = arith.extui %ge3A_302 : i1 to i32
        %cond3A_304 = arith.constant 0 : i32
        %cond3A_305 = arith.cmpi ne, %convert_element_type3A_303, %cond3A_304 : i32
        scf.if %cond3A_305 {
          %add3A_314 = arith.constant 6 : i32
          %add3A_315 = arith.addi %add3A_280, %add3A_314 : i32
          %sub3A = arith.constant 8 : i32
          %sub3A_316 = arith.subi %add3A_315, %sub3A : i32
          %dma_wait3A_317 = arith.constant 0 : i32
          %dma_wait3A_318 = tpu.memref_slice %arg8[%sub3A_316, %dma_wait3A_317] : memref<80x128xi32, #tpu.memory_space<vmem>> -> memref<1x128xi32, #tpu.memory_space<vmem>>
          %dma_wait3A_319 = tpu.memref_squeeze %dma_wait3A_318 : memref<1x128xi32, #tpu.memory_space<vmem>> -> memref<128xi32, #tpu.memory_space<vmem>>
          %dma_wait3A_320 = arith.constant 0 : i32
          %dma_wait3A_321 = arith.constant 0 : i32
          %dma_wait3A_322 = tpu.memref_slice %arg10[%dma_wait3A_320, %dma_wait3A_321] : memref<10240x128xbf16, #tpu.memory_space<vmem_shared>> -> memref<10240x128xbf16, #tpu.memory_space<vmem_shared>>
          tpu.wait_indirect_dma semaphore(%arg32 : memref<!tpu.dma_semaphore, #tpu.memory_space<semaphore_mem>>) src(%arg16 : memref<128x128xbf16, #tpu.memory_space<vmem>>) dst(%dma_wait3A_322 : memref<10240x128xbf16, #tpu.memory_space<vmem_shared>>)
        } else {
        }
        %add3A_306 = arith.constant 6 : i32
        %add3A_307 = arith.addi %add3A_280, %add3A_306 : i32
        %dma_start3A_308 = arith.constant 0 : i32
        %dma_start3A_309 = tpu.memref_slice %arg7[%add3A_307, %dma_start3A_308] : memref<80x128xi32, #tpu.memory_space<vmem>> -> memref<1x128xi32, #tpu.memory_space<vmem>>
        %dma_start3A_310 = tpu.memref_squeeze %dma_start3A_309 : memref<1x128xi32, #tpu.memory_space<vmem>> -> memref<128xi32, #tpu.memory_space<vmem>>
        %dma_start3A_311 = arith.constant 0 : i32
        %dma_start3A_312 = arith.constant 0 : i32
        %dma_start3A_313 = tpu.memref_slice %arg2[%dma_start3A_311, %dma_start3A_312] : memref<10000x128xbf16, #tpu.memory_space<hbm>> -> memref<10000x128xbf16, #tpu.memory_space<hbm>>
        tpu.enqueue_indirect_dma source(%dma_start3A_313 : memref<10000x128xbf16, #tpu.memory_space<hbm>>) target(%arg16 : memref<128x128xbf16, #tpu.memory_space<vmem>>) offsets(%dma_start3A_310 : memref<128xi32, #tpu.memory_space<vmem>>) semaphore(%arg24 : memref<!tpu.dma_semaphore, #tpu.memory_space<semaphore_mem>>)
      } else {
      }
      %dma_wait3A_288 = arith.constant 0 : i32
      %dma_wait3A_289 = tpu.memref_slice %arg7[%add3A_280, %dma_wait3A_288] : memref<80x128xi32, #tpu.memory_space<vmem>> -> memref<1x128xi32, #tpu.memory_space<vmem>>
      %dma_wait3A_290 = tpu.memref_squeeze %dma_wait3A_289 : memref<1x128xi32, #tpu.memory_space<vmem>> -> memref<128xi32, #tpu.memory_space<vmem>>
      %dma_wait3A_291 = arith.constant 0 : i32
      %dma_wait3A_292 = arith.constant 0 : i32
      %dma_wait3A_293 = tpu.memref_slice %arg2[%dma_wait3A_291, %dma_wait3A_292] : memref<10000x128xbf16, #tpu.memory_space<hbm>> -> memref<10000x128xbf16, #tpu.memory_space<hbm>>
      tpu.wait_indirect_dma semaphore(%arg26 : memref<!tpu.dma_semaphore, #tpu.memory_space<semaphore_mem>>) src(%dma_wait3A_293 : memref<10000x128xbf16, #tpu.memory_space<hbm>>) dst(%arg18 : memref<128x128xbf16, #tpu.memory_space<vmem>>)
      %dma_start3A_294 = arith.constant 0 : i32
      %dma_start3A_295 = tpu.memref_slice %arg8[%add3A_280, %dma_start3A_294] : memref<80x128xi32, #tpu.memory_space<vmem>> -> memref<1x128xi32, #tpu.memory_space<vmem>>
      %dma_start3A_296 = tpu.memref_squeeze %dma_start3A_295 : memref<1x128xi32, #tpu.memory_space<vmem>> -> memref<128xi32, #tpu.memory_space<vmem>>
      %dma_start3A_297 = arith.constant 0 : i32
      %dma_start3A_298 = arith.constant 0 : i32
      %dma_start3A_299 = tpu.memref_slice %arg10[%dma_start3A_297, %dma_start3A_298] : memref<10240x128xbf16, #tpu.memory_space<vmem_shared>> -> memref<10240x128xbf16, #tpu.memory_space<vmem_shared>>
      tpu.enqueue_indirect_dma source(%arg18 : memref<128x128xbf16, #tpu.memory_space<vmem>>) target(%dma_start3A_299 : memref<10240x128xbf16, #tpu.memory_space<vmem_shared>>) offsets(%dma_start3A_296 : memref<128xi32, #tpu.memory_space<vmem>>) semaphore(%arg34 : memref<!tpu.dma_semaphore, #tpu.memory_space<semaphore_mem>>) {add = true}
    }
    %scan3A_67 = arith.constant 10 : i32
    %dma_wait3A = arith.constant 72 : i32
    %dma_wait3A_68 = arith.constant 0 : i32
    %dma_wait3A_69 = tpu.memref_slice %arg8[%dma_wait3A, %dma_wait3A_68] : memref<80x128xi32, #tpu.memory_space<vmem>> -> memref<1x128xi32, #tpu.memory_space<vmem>>
    %dma_wait3A_70 = tpu.memref_squeeze %dma_wait3A_69 : memref<1x128xi32, #tpu.memory_space<vmem>> -> memref<128xi32, #tpu.memory_space<vmem>>
    %dma_wait3A_71 = arith.constant 0 : i32
    %dma_wait3A_72 = arith.constant 0 : i32
    %dma_wait3A_73 = tpu.memref_slice %arg10[%dma_wait3A_71, %dma_wait3A_72] : memref<10240x128xbf16, #tpu.memory_space<vmem_shared>> -> memref<10240x128xbf16, #tpu.memory_space<vmem_shared>>
    tpu.wait_indirect_dma semaphore(%arg27 : memref<!tpu.dma_semaphore, #tpu.memory_space<semaphore_mem>>) src(%arg11 : memref<128x128xbf16, #tpu.memory_space<vmem>>) dst(%dma_wait3A_73 : memref<10240x128xbf16, #tpu.memory_space<vmem_shared>>)
    %dma_wait3A_74 = arith.constant 73 : i32
    %dma_wait3A_75 = arith.constant 0 : i32
    %dma_wait3A_76 = tpu.memref_slice %arg8[%dma_wait3A_74, %dma_wait3A_75] : memref<80x128xi32, #tpu.memory_space<vmem>> -> memref<1x128xi32, #tpu.memory_space<vmem>>
    %dma_wait3A_77 = tpu.memref_squeeze %dma_wait3A_76 : memref<1x128xi32, #tpu.memory_space<vmem>> -> memref<128xi32, #tpu.memory_space<vmem>>
    %dma_wait3A_78 = arith.constant 0 : i32
    %dma_wait3A_79 = arith.constant 0 : i32
    %dma_wait3A_80 = tpu.memref_slice %arg10[%dma_wait3A_78, %dma_wait3A_79] : memref<10240x128xbf16, #tpu.memory_space<vmem_shared>> -> memref<10240x128xbf16, #tpu.memory_space<vmem_shared>>
    tpu.wait_indirect_dma semaphore(%arg28 : memref<!tpu.dma_semaphore, #tpu.memory_space<semaphore_mem>>) src(%arg12 : memref<128x128xbf16, #tpu.memory_space<vmem>>) dst(%dma_wait3A_80 : memref<10240x128xbf16, #tpu.memory_space<vmem_shared>>)
    %dma_wait3A_81 = arith.constant 74 : i32
    %dma_wait3A_82 = arith.constant 0 : i32
    %dma_wait3A_83 = tpu.memref_slice %arg8[%dma_wait3A_81, %dma_wait3A_82] : memref<80x128xi32, #tpu.memory_space<vmem>> -> memref<1x128xi32, #tpu.memory_space<vmem>>
    %dma_wait3A_84 = tpu.memref_squeeze %dma_wait3A_83 : memref<1x128xi32, #tpu.memory_space<vmem>> -> memref<128xi32, #tpu.memory_space<vmem>>
    %dma_wait3A_85 = arith.constant 0 : i32
    %dma_wait3A_86 = arith.constant 0 : i32
    %dma_wait3A_87 = tpu.memref_slice %arg10[%dma_wait3A_85, %dma_wait3A_86] : memref<10240x128xbf16, #tpu.memory_space<vmem_shared>> -> memref<10240x128xbf16, #tpu.memory_space<vmem_shared>>
    tpu.wait_indirect_dma semaphore(%arg29 : memref<!tpu.dma_semaphore, #tpu.memory_space<semaphore_mem>>) src(%arg13 : memref<128x128xbf16, #tpu.memory_space<vmem>>) dst(%dma_wait3A_87 : memref<10240x128xbf16, #tpu.memory_space<vmem_shared>>)
    %dma_wait3A_88 = arith.constant 75 : i32
    %dma_wait3A_89 = arith.constant 0 : i32
    %dma_wait3A_90 = tpu.memref_slice %arg8[%dma_wait3A_88, %dma_wait3A_89] : memref<80x128xi32, #tpu.memory_space<vmem>> -> memref<1x128xi32, #tpu.memory_space<vmem>>
    %dma_wait3A_91 = tpu.memref_squeeze %dma_wait3A_90 : memref<1x128xi32, #tpu.memory_space<vmem>> -> memref<128xi32, #tpu.memory_space<vmem>>
    %dma_wait3A_92 = arith.constant 0 : i32
    %dma_wait3A_93 = arith.constant 0 : i32
    %dma_wait3A_94 = tpu.memref_slice %arg10[%dma_wait3A_92, %dma_wait3A_93] : memref<10240x128xbf16, #tpu.memory_space<vmem_shared>> -> memref<10240x128xbf16, #tpu.memory_space<vmem_shared>>
    tpu.wait_indirect_dma semaphore(%arg30 : memref<!tpu.dma_semaphore, #tpu.memory_space<semaphore_mem>>) src(%arg14 : memref<128x128xbf16, #tpu.memory_space<vmem>>) dst(%dma_wait3A_94 : memref<10240x128xbf16, #tpu.memory_space<vmem_shared>>)
    %dma_wait3A_95 = arith.constant 76 : i32
    %dma_wait3A_96 = arith.constant 0 : i32
    %dma_wait3A_97 = tpu.memref_slice %arg8[%dma_wait3A_95, %dma_wait3A_96] : memref<80x128xi32, #tpu.memory_space<vmem>> -> memref<1x128xi32, #tpu.memory_space<vmem>>
    %dma_wait3A_98 = tpu.memref_squeeze %dma_wait3A_97 : memref<1x128xi32, #tpu.memory_space<vmem>> -> memref<128xi32, #tpu.memory_space<vmem>>
    %dma_wait3A_99 = arith.constant 0 : i32
    %dma_wait3A_100 = arith.constant 0 : i32
    %dma_wait3A_101 = tpu.memref_slice %arg10[%dma_wait3A_99, %dma_wait3A_100] : memref<10240x128xbf16, #tpu.memory_space<vmem_shared>> -> memref<10240x128xbf16, #tpu.memory_space<vmem_shared>>
    tpu.wait_indirect_dma semaphore(%arg31 : memref<!tpu.dma_semaphore, #tpu.memory_space<semaphore_mem>>) src(%arg15 : memref<128x128xbf16, #tpu.memory_space<vmem>>) dst(%dma_wait3A_101 : memref<10240x128xbf16, #tpu.memory_space<vmem_shared>>)
    %dma_wait3A_102 = arith.constant 77 : i32
    %dma_wait3A_103 = arith.constant 0 : i32
    %dma_wait3A_104 = tpu.memref_slice %arg8[%dma_wait3A_102, %dma_wait3A_103] : memref<80x128xi32, #tpu.memory_space<vmem>> -> memref<1x128xi32, #tpu.memory_space<vmem>>
    %dma_wait3A_105 = tpu.memref_squeeze %dma_wait3A_104 : memref<1x128xi32, #tpu.memory_space<vmem>> -> memref<128xi32, #tpu.memory_space<vmem>>
    %dma_wait3A_106 = arith.constant 0 : i32
    %dma_wait3A_107 = arith.constant 0 : i32
    %dma_wait3A_108 = tpu.memref_slice %arg10[%dma_wait3A_106, %dma_wait3A_107] : memref<10240x128xbf16, #tpu.memory_space<vmem_shared>> -> memref<10240x128xbf16, #tpu.memory_space<vmem_shared>>
    tpu.wait_indirect_dma semaphore(%arg32 : memref<!tpu.dma_semaphore, #tpu.memory_space<semaphore_mem>>) src(%arg16 : memref<128x128xbf16, #tpu.memory_space<vmem>>) dst(%dma_wait3A_108 : memref<10240x128xbf16, #tpu.memory_space<vmem_shared>>)
    %dma_wait3A_109 = arith.constant 78 : i32
    %dma_wait3A_110 = arith.constant 0 : i32
    %dma_wait3A_111 = tpu.memref_slice %arg8[%dma_wait3A_109, %dma_wait3A_110] : memref<80x128xi32, #tpu.memory_space<vmem>> -> memref<1x128xi32, #tpu.memory_space<vmem>>
    %dma_wait3A_112 = tpu.memref_squeeze %dma_wait3A_111 : memref<1x128xi32, #tpu.memory_space<vmem>> -> memref<128xi32, #tpu.memory_space<vmem>>
    %dma_wait3A_113 = arith.constant 0 : i32
    %dma_wait3A_114 = arith.constant 0 : i32
    %dma_wait3A_115 = tpu.memref_slice %arg10[%dma_wait3A_113, %dma_wait3A_114] : memref<10240x128xbf16, #tpu.memory_space<vmem_shared>> -> memref<10240x128xbf16, #tpu.memory_space<vmem_shared>>
    tpu.wait_indirect_dma semaphore(%arg33 : memref<!tpu.dma_semaphore, #tpu.memory_space<semaphore_mem>>) src(%arg17 : memref<128x128xbf16, #tpu.memory_space<vmem>>) dst(%dma_wait3A_115 : memref<10240x128xbf16, #tpu.memory_space<vmem_shared>>)
    %dma_wait3A_116 = arith.constant 79 : i32
    %dma_wait3A_117 = arith.constant 0 : i32
    %dma_wait3A_118 = tpu.memref_slice %arg8[%dma_wait3A_116, %dma_wait3A_117] : memref<80x128xi32, #tpu.memory_space<vmem>> -> memref<1x128xi32, #tpu.memory_space<vmem>>
    %dma_wait3A_119 = tpu.memref_squeeze %dma_wait3A_118 : memref<1x128xi32, #tpu.memory_space<vmem>> -> memref<128xi32, #tpu.memory_space<vmem>>
    %dma_wait3A_120 = arith.constant 0 : i32
    %dma_wait3A_121 = arith.constant 0 : i32
    %dma_wait3A_122 = tpu.memref_slice %arg10[%dma_wait3A_120, %dma_wait3A_121] : memref<10240x128xbf16, #tpu.memory_space<vmem_shared>> -> memref<10240x128xbf16, #tpu.memory_space<vmem_shared>>
    tpu.wait_indirect_dma semaphore(%arg34 : memref<!tpu.dma_semaphore, #tpu.memory_space<semaphore_mem>>) src(%arg18 : memref<128x128xbf16, #tpu.memory_space<vmem>>) dst(%dma_wait3A_122 : memref<10240x128xbf16, #tpu.memory_space<vmem_shared>>)
    %barrier3A_123 = arith.constant 0 : index
    tpu.barrier barrier_id(%barrier3A_123)
    %mul3A_124 = arith.constant 624 : i32
    %mul3A_125 = arith.muli %arg1, %mul3A_124 : i32
    "tpu.region"() ({
      %run_scoped3A = tpu.sem_alloc : memref<!tpu.dma_semaphore, #tpu.memory_space<semaphore_mem>>
      %dma_start3A_128 = arith.constant 0 : i32
      %dma_start3A_129 = arith.constant 0 : i32
      %dma_start3A_130 = tpu.memref_slice %arg6[%arg0, %dma_start3A_128, %dma_start3A_129] : memref<2x10000x128xbf16, #tpu.memory_space<hbm>> -> memref<1x10000x128xbf16, #tpu.memory_space<hbm>>
      %dma_start3A_131 = tpu.memref_squeeze %dma_start3A_130 : memref<1x10000x128xbf16, #tpu.memory_space<hbm>> -> memref<10000x128xbf16, #tpu.memory_space<hbm>>
      %dma_start3A_132 = arith.constant 0 : i32
      %dma_start3A_133 = tpu.memref_slice %dma_start3A_131[%mul3A_125, %dma_start3A_132] : memref<10000x128xbf16, #tpu.memory_space<hbm>> -> memref<624x128xbf16, #tpu.memory_space<hbm>>
      %dma_start3A_134 = arith.constant 0 : i32
      %dma_start3A_135 = tpu.memref_slice %arg10[%mul3A_125, %dma_start3A_134] : memref<10240x128xbf16, #tpu.memory_space<vmem_shared>> -> memref<624x128xbf16, #tpu.memory_space<vmem_shared>>
      tpu.enqueue_dma source(%dma_start3A_135 : memref<624x128xbf16, #tpu.memory_space<vmem_shared>>) target(%dma_start3A_133 : memref<624x128xbf16, #tpu.memory_space<hbm>>) target_semaphore(%run_scoped3A : memref<!tpu.dma_semaphore, #tpu.memory_space<semaphore_mem>>)
      %dma_wait3A_136 = arith.constant 0 : i32
      %dma_wait3A_137 = arith.constant 0 : i32
      %dma_wait3A_138 = tpu.memref_slice %arg6[%arg0, %dma_wait3A_136, %dma_wait3A_137] : memref<2x10000x128xbf16, #tpu.memory_space<hbm>> -> memref<1x10000x128xbf16, #tpu.memory_space<hbm>>
      %dma_wait3A_139 = tpu.memref_squeeze %dma_wait3A_138 : memref<1x10000x128xbf16, #tpu.memory_space<hbm>> -> memref<10000x128xbf16, #tpu.memory_space<hbm>>
      %dma_wait3A_140 = arith.constant 0 : i32
      %dma_wait3A_141 = tpu.memref_slice %dma_wait3A_139[%mul3A_125, %dma_wait3A_140] : memref<10000x128xbf16, #tpu.memory_space<hbm>> -> memref<624x128xbf16, #tpu.memory_space<hbm>>
      %dma_wait3A_142 = arith.constant 0 : i32
      %dma_wait3A_143 = tpu.memref_slice %arg10[%mul3A_125, %dma_wait3A_142] : memref<10240x128xbf16, #tpu.memory_space<vmem_shared>> -> memref<624x128xbf16, #tpu.memory_space<vmem_shared>>
      tpu.wait_dma2 semaphore(%run_scoped3A : memref<!tpu.dma_semaphore, #tpu.memory_space<semaphore_mem>>) src(%dma_wait3A_143 : memref<624x128xbf16, #tpu.memory_space<vmem_shared>>) dst(%dma_wait3A_141 : memref<624x128xbf16, #tpu.memory_space<hbm>>)
      tpu.yield
    }) : () -> ()
    %eq3A = arith.constant 15 : i32
    %eq3A_126 = arith.cmpi eq, %arg1, %eq3A : i32
    %convert_element_type3A = arith.extui %eq3A_126 : i1 to i32
    %cond3A = arith.constant 0 : i32
    %cond3A_127 = arith.cmpi ne, %convert_element_type3A, %cond3A : i32
    scf.if %cond3A_127 {
      "tpu.region"() ({
        %run_scoped3A = tpu.sem_alloc : memref<!tpu.dma_semaphore, #tpu.memory_space<semaphore_mem>>
        %dma_start3A_128 = arith.constant 0 : i32
        %dma_start3A_129 = arith.constant 0 : i32
        %dma_start3A_130 = tpu.memref_slice %arg6[%arg0, %dma_start3A_128, %dma_start3A_129] : memref<2x10000x128xbf16, #tpu.memory_space<hbm>> -> memref<1x10000x128xbf16, #tpu.memory_space<hbm>>
        %dma_start3A_131 = tpu.memref_squeeze %dma_start3A_130 : memref<1x10000x128xbf16, #tpu.memory_space<hbm>> -> memref<10000x128xbf16, #tpu.memory_space<hbm>>
        %dma_start3A_132 = arith.constant 9984 : i32
        %dma_start3A_133 = arith.constant 0 : i32
        %dma_start3A_134 = tpu.memref_slice %dma_start3A_131[%dma_start3A_132, %dma_start3A_133] : memref<10000x128xbf16, #tpu.memory_space<hbm>> -> memref<16x128xbf16, #tpu.memory_space<hbm>>
        %dma_start3A_135 = arith.constant 9984 : i32
        %dma_start3A_136 = arith.constant 0 : i32
        %dma_start3A_137 = tpu.memref_slice %arg10[%dma_start3A_135, %dma_start3A_136] : memref<10240x128xbf16, #tpu.memory_space<vmem_shared>> -> memref<16x128xbf16, #tpu.memory_space<vmem_shared>>
        tpu.enqueue_dma source(%dma_start3A_137 : memref<16x128xbf16, #tpu.memory_space<vmem_shared>>) target(%dma_start3A_134 : memref<16x128xbf16, #tpu.memory_space<hbm>>) target_semaphore(%run_scoped3A : memref<!tpu.dma_semaphore, #tpu.memory_space<semaphore_mem>>)
        %dma_wait3A_138 = arith.constant 0 : i32
        %dma_wait3A_139 = arith.constant 0 : i32
        %dma_wait3A_140 = tpu.memref_slice %arg6[%arg0, %dma_wait3A_138, %dma_wait3A_139] : memref<2x10000x128xbf16, #tpu.memory_space<hbm>> -> memref<1x10000x128xbf16, #tpu.memory_space<hbm>>
        %dma_wait3A_141 = tpu.memref_squeeze %dma_wait3A_140 : memref<1x10000x128xbf16, #tpu.memory_space<hbm>> -> memref<10000x128xbf16, #tpu.memory_space<hbm>>
        %dma_wait3A_142 = arith.constant 9984 : i32
        %dma_wait3A_143 = arith.constant 0 : i32
        %dma_wait3A_144 = tpu.memref_slice %dma_wait3A_141[%dma_wait3A_142, %dma_wait3A_143] : memref<10000x128xbf16, #tpu.memory_space<hbm>> -> memref<16x128xbf16, #tpu.memory_space<hbm>>
        %dma_wait3A_145 = arith.constant 9984 : i32
        %dma_wait3A_146 = arith.constant 0 : i32
        %dma_wait3A_147 = tpu.memref_slice %arg10[%dma_wait3A_145, %dma_wait3A_146] : memref<10240x128xbf16, #tpu.memory_space<vmem_shared>> -> memref<16x128xbf16, #tpu.memory_space<vmem_shared>>
        tpu.wait_dma2 semaphore(%run_scoped3A : memref<!tpu.dma_semaphore, #tpu.memory_space<semaphore_mem>>) src(%dma_wait3A_147 : memref<16x128xbf16, #tpu.memory_space<vmem_shared>>) dst(%dma_wait3A_144 : memref<16x128xbf16, #tpu.memory_space<hbm>>)
        tpu.yield
      }) : () -> ()
    } else {
    }
    return
  }
}

#map = affine_map<(d0, d1) -> (0, 0)>
#map1 = affine_map<(d0, d1) -> (0, 0, 0)>
module attributes {stable_mosaic.version = 14 : i64} {
  func.func @agg(%arg0: i32, %arg1: i32, %arg2: memref<10000x64xbf16, #tpu.memory_space<hbm>>, %arg3: memref<32x80x128xi32, #tpu.memory_space<hbm>>, %arg4: memref<32x80x128xi32, #tpu.memory_space<hbm>>, %arg5: memref<64x64xbf16, #tpu.memory_space<hbm>>, %arg6: memref<2x10000x64xbf16, #tpu.memory_space<hbm>>, %arg7: memref<80x128xi32, #tpu.memory_space<vmem>>, %arg8: memref<80x128xi32, #tpu.memory_space<vmem>>, %arg9: memref<64x64xbf16, #tpu.memory_space<vmem>>, %arg10: memref<10240x64xbf16, #tpu.memory_space<vmem_shared>>, %arg11: memref<128x64xbf16, #tpu.memory_space<vmem>>, %arg12: memref<128x64xbf16, #tpu.memory_space<vmem>>, %arg13: memref<128x64xbf16, #tpu.memory_space<vmem>>, %arg14: memref<128x64xbf16, #tpu.memory_space<vmem>>, %arg15: memref<128x64xbf16, #tpu.memory_space<vmem>>, %arg16: memref<128x64xbf16, #tpu.memory_space<vmem>>, %arg17: memref<128x64xbf16, #tpu.memory_space<vmem>>, %arg18: memref<128x64xbf16, #tpu.memory_space<vmem>>, %arg19: memref<!tpu.dma_semaphore, #tpu.memory_space<semaphore_mem>>, %arg20: memref<!tpu.dma_semaphore, #tpu.memory_space<semaphore_mem>>, %arg21: memref<!tpu.dma_semaphore, #tpu.memory_space<semaphore_mem>>, %arg22: memref<!tpu.dma_semaphore, #tpu.memory_space<semaphore_mem>>, %arg23: memref<!tpu.dma_semaphore, #tpu.memory_space<semaphore_mem>>, %arg24: memref<!tpu.dma_semaphore, #tpu.memory_space<semaphore_mem>>, %arg25: memref<!tpu.dma_semaphore, #tpu.memory_space<semaphore_mem>>, %arg26: memref<!tpu.dma_semaphore, #tpu.memory_space<semaphore_mem>>, %arg27: memref<!tpu.dma_semaphore, #tpu.memory_space<semaphore_mem>>, %arg28: memref<!tpu.dma_semaphore, #tpu.memory_space<semaphore_mem>>, %arg29: memref<!tpu.dma_semaphore, #tpu.memory_space<semaphore_mem>>, %arg30: memref<!tpu.dma_semaphore, #tpu.memory_space<semaphore_mem>>, %arg31: memref<!tpu.dma_semaphore, #tpu.memory_space<semaphore_mem>>, %arg32: memref<!tpu.dma_semaphore, #tpu.memory_space<semaphore_mem>>, %arg33: memref<!tpu.dma_semaphore, #tpu.memory_space<semaphore_mem>>, %arg34: memref<!tpu.dma_semaphore, #tpu.memory_space<semaphore_mem>>) attributes {dimension_semantics = [#tpu.dimension_semantics<core_parallel>, #tpu.dimension_semantics<subcore_parallel>], iteration_bounds = array<i64: 2, 16>, scalar_prefetch = 0 : i64, scratch_operands = 28 : i64, tpu.core_type = #tpu.core_type<sc_vector_subcore>, window_params = [{transform_indices = #map}, {transform_indices = #map1}, {transform_indices = #map1}, {transform_indices = #map}, {transform_indices = #map1}]} {
    %mul3A = arith.constant 16 : i32
    %mul3A_0 = arith.muli %arg0, %mul3A : i32
    %add3A = arith.addi %mul3A_0, %arg1 : i32
    "tpu.region"() ({
      %run_scoped3A = tpu.sem_alloc : memref<!tpu.dma_semaphore, #tpu.memory_space<semaphore_mem>>
      tpu.enqueue_dma source(%arg5 : memref<64x64xbf16, #tpu.memory_space<hbm>>) target(%arg9 : memref<64x64xbf16, #tpu.memory_space<vmem>>) target_semaphore(%run_scoped3A : memref<!tpu.dma_semaphore, #tpu.memory_space<semaphore_mem>>)
      tpu.wait_dma2 semaphore(%run_scoped3A : memref<!tpu.dma_semaphore, #tpu.memory_space<semaphore_mem>>) src(%arg5 : memref<64x64xbf16, #tpu.memory_space<hbm>>) dst(%arg9 : memref<64x64xbf16, #tpu.memory_space<vmem>>)
      tpu.yield
    }) : () -> ()
    %mul3A_1 = arith.constant 640 : i32
    %mul3A_2 = arith.muli %arg1, %mul3A_1 : i32
    %add3A_3 = arith.constant 0 : i32
    %add3A_4 = arith.addi %mul3A_2, %add3A_3 : i32
    "tpu.region"() ({
      %run_scoped3A = tpu.sem_alloc : memref<!tpu.dma_semaphore, #tpu.memory_space<semaphore_mem>>
      %dma_start3A_128 = arith.constant 0 : i32
      %dma_start3A_129 = tpu.memref_slice %arg10[%add3A_4, %dma_start3A_128] : memref<10240x64xbf16, #tpu.memory_space<vmem_shared>> -> memref<64x64xbf16, #tpu.memory_space<vmem_shared>>
      %dma_start3A_130 = arith.constant 0 : i32
      %dma_start3A_131 = tpu.memref_slice %arg10[%add3A_4, %dma_start3A_130] : memref<10240x64xbf16, #tpu.memory_space<vmem_shared>> -> memref<64x64xbf16, #tpu.memory_space<vmem_shared>>
      tpu.enqueue_dma source(%arg9 : memref<64x64xbf16, #tpu.memory_space<vmem>>) target(%dma_start3A_131 : memref<64x64xbf16, #tpu.memory_space<vmem_shared>>) target_semaphore(%run_scoped3A : memref<!tpu.dma_semaphore, #tpu.memory_space<semaphore_mem>>)
      %dma_wait3A_132 = arith.constant 0 : i32
      %dma_wait3A_133 = tpu.memref_slice %arg10[%add3A_4, %dma_wait3A_132] : memref<10240x64xbf16, #tpu.memory_space<vmem_shared>> -> memref<64x64xbf16, #tpu.memory_space<vmem_shared>>
      %dma_wait3A_134 = arith.constant 0 : i32
      %dma_wait3A_135 = tpu.memref_slice %arg10[%add3A_4, %dma_wait3A_134] : memref<10240x64xbf16, #tpu.memory_space<vmem_shared>> -> memref<64x64xbf16, #tpu.memory_space<vmem_shared>>
      tpu.wait_dma2 semaphore(%run_scoped3A : memref<!tpu.dma_semaphore, #tpu.memory_space<semaphore_mem>>) src(%arg9 : memref<64x64xbf16, #tpu.memory_space<vmem>>) dst(%dma_wait3A_135 : memref<64x64xbf16, #tpu.memory_space<vmem_shared>>)
      tpu.yield
    }) : () -> ()
    %add3A_5 = arith.constant 64 : i32
    %add3A_6 = arith.addi %mul3A_2, %add3A_5 : i32
    "tpu.region"() ({
      %run_scoped3A = tpu.sem_alloc : memref<!tpu.dma_semaphore, #tpu.memory_space<semaphore_mem>>
      %dma_start3A_128 = arith.constant 0 : i32
      %dma_start3A_129 = tpu.memref_slice %arg10[%add3A_6, %dma_start3A_128] : memref<10240x64xbf16, #tpu.memory_space<vmem_shared>> -> memref<64x64xbf16, #tpu.memory_space<vmem_shared>>
      %dma_start3A_130 = arith.constant 0 : i32
      %dma_start3A_131 = tpu.memref_slice %arg10[%add3A_6, %dma_start3A_130] : memref<10240x64xbf16, #tpu.memory_space<vmem_shared>> -> memref<64x64xbf16, #tpu.memory_space<vmem_shared>>
      tpu.enqueue_dma source(%arg9 : memref<64x64xbf16, #tpu.memory_space<vmem>>) target(%dma_start3A_131 : memref<64x64xbf16, #tpu.memory_space<vmem_shared>>) target_semaphore(%run_scoped3A : memref<!tpu.dma_semaphore, #tpu.memory_space<semaphore_mem>>)
      %dma_wait3A_132 = arith.constant 0 : i32
      %dma_wait3A_133 = tpu.memref_slice %arg10[%add3A_6, %dma_wait3A_132] : memref<10240x64xbf16, #tpu.memory_space<vmem_shared>> -> memref<64x64xbf16, #tpu.memory_space<vmem_shared>>
      %dma_wait3A_134 = arith.constant 0 : i32
      %dma_wait3A_135 = tpu.memref_slice %arg10[%add3A_6, %dma_wait3A_134] : memref<10240x64xbf16, #tpu.memory_space<vmem_shared>> -> memref<64x64xbf16, #tpu.memory_space<vmem_shared>>
      tpu.wait_dma2 semaphore(%run_scoped3A : memref<!tpu.dma_semaphore, #tpu.memory_space<semaphore_mem>>) src(%arg9 : memref<64x64xbf16, #tpu.memory_space<vmem>>) dst(%dma_wait3A_135 : memref<64x64xbf16, #tpu.memory_space<vmem_shared>>)
      tpu.yield
    }) : () -> ()
    %add3A_7 = arith.constant 128 : i32
    %add3A_8 = arith.addi %mul3A_2, %add3A_7 : i32
    "tpu.region"() ({
      %run_scoped3A = tpu.sem_alloc : memref<!tpu.dma_semaphore, #tpu.memory_space<semaphore_mem>>
      %dma_start3A_128 = arith.constant 0 : i32
      %dma_start3A_129 = tpu.memref_slice %arg10[%add3A_8, %dma_start3A_128] : memref<10240x64xbf16, #tpu.memory_space<vmem_shared>> -> memref<64x64xbf16, #tpu.memory_space<vmem_shared>>
      %dma_start3A_130 = arith.constant 0 : i32
      %dma_start3A_131 = tpu.memref_slice %arg10[%add3A_8, %dma_start3A_130] : memref<10240x64xbf16, #tpu.memory_space<vmem_shared>> -> memref<64x64xbf16, #tpu.memory_space<vmem_shared>>
      tpu.enqueue_dma source(%arg9 : memref<64x64xbf16, #tpu.memory_space<vmem>>) target(%dma_start3A_131 : memref<64x64xbf16, #tpu.memory_space<vmem_shared>>) target_semaphore(%run_scoped3A : memref<!tpu.dma_semaphore, #tpu.memory_space<semaphore_mem>>)
      %dma_wait3A_132 = arith.constant 0 : i32
      %dma_wait3A_133 = tpu.memref_slice %arg10[%add3A_8, %dma_wait3A_132] : memref<10240x64xbf16, #tpu.memory_space<vmem_shared>> -> memref<64x64xbf16, #tpu.memory_space<vmem_shared>>
      %dma_wait3A_134 = arith.constant 0 : i32
      %dma_wait3A_135 = tpu.memref_slice %arg10[%add3A_8, %dma_wait3A_134] : memref<10240x64xbf16, #tpu.memory_space<vmem_shared>> -> memref<64x64xbf16, #tpu.memory_space<vmem_shared>>
      tpu.wait_dma2 semaphore(%run_scoped3A : memref<!tpu.dma_semaphore, #tpu.memory_space<semaphore_mem>>) src(%arg9 : memref<64x64xbf16, #tpu.memory_space<vmem>>) dst(%dma_wait3A_135 : memref<64x64xbf16, #tpu.memory_space<vmem_shared>>)
      tpu.yield
    }) : () -> ()
    %add3A_9 = arith.constant 192 : i32
    %add3A_10 = arith.addi %mul3A_2, %add3A_9 : i32
    "tpu.region"() ({
      %run_scoped3A = tpu.sem_alloc : memref<!tpu.dma_semaphore, #tpu.memory_space<semaphore_mem>>
      %dma_start3A_128 = arith.constant 0 : i32
      %dma_start3A_129 = tpu.memref_slice %arg10[%add3A_10, %dma_start3A_128] : memref<10240x64xbf16, #tpu.memory_space<vmem_shared>> -> memref<64x64xbf16, #tpu.memory_space<vmem_shared>>
      %dma_start3A_130 = arith.constant 0 : i32
      %dma_start3A_131 = tpu.memref_slice %arg10[%add3A_10, %dma_start3A_130] : memref<10240x64xbf16, #tpu.memory_space<vmem_shared>> -> memref<64x64xbf16, #tpu.memory_space<vmem_shared>>
      tpu.enqueue_dma source(%arg9 : memref<64x64xbf16, #tpu.memory_space<vmem>>) target(%dma_start3A_131 : memref<64x64xbf16, #tpu.memory_space<vmem_shared>>) target_semaphore(%run_scoped3A : memref<!tpu.dma_semaphore, #tpu.memory_space<semaphore_mem>>)
      %dma_wait3A_132 = arith.constant 0 : i32
      %dma_wait3A_133 = tpu.memref_slice %arg10[%add3A_10, %dma_wait3A_132] : memref<10240x64xbf16, #tpu.memory_space<vmem_shared>> -> memref<64x64xbf16, #tpu.memory_space<vmem_shared>>
      %dma_wait3A_134 = arith.constant 0 : i32
      %dma_wait3A_135 = tpu.memref_slice %arg10[%add3A_10, %dma_wait3A_134] : memref<10240x64xbf16, #tpu.memory_space<vmem_shared>> -> memref<64x64xbf16, #tpu.memory_space<vmem_shared>>
      tpu.wait_dma2 semaphore(%run_scoped3A : memref<!tpu.dma_semaphore, #tpu.memory_space<semaphore_mem>>) src(%arg9 : memref<64x64xbf16, #tpu.memory_space<vmem>>) dst(%dma_wait3A_135 : memref<64x64xbf16, #tpu.memory_space<vmem_shared>>)
      tpu.yield
    }) : () -> ()
    %add3A_11 = arith.constant 256 : i32
    %add3A_12 = arith.addi %mul3A_2, %add3A_11 : i32
    "tpu.region"() ({
      %run_scoped3A = tpu.sem_alloc : memref<!tpu.dma_semaphore, #tpu.memory_space<semaphore_mem>>
      %dma_start3A_128 = arith.constant 0 : i32
      %dma_start3A_129 = tpu.memref_slice %arg10[%add3A_12, %dma_start3A_128] : memref<10240x64xbf16, #tpu.memory_space<vmem_shared>> -> memref<64x64xbf16, #tpu.memory_space<vmem_shared>>
      %dma_start3A_130 = arith.constant 0 : i32
      %dma_start3A_131 = tpu.memref_slice %arg10[%add3A_12, %dma_start3A_130] : memref<10240x64xbf16, #tpu.memory_space<vmem_shared>> -> memref<64x64xbf16, #tpu.memory_space<vmem_shared>>
      tpu.enqueue_dma source(%arg9 : memref<64x64xbf16, #tpu.memory_space<vmem>>) target(%dma_start3A_131 : memref<64x64xbf16, #tpu.memory_space<vmem_shared>>) target_semaphore(%run_scoped3A : memref<!tpu.dma_semaphore, #tpu.memory_space<semaphore_mem>>)
      %dma_wait3A_132 = arith.constant 0 : i32
      %dma_wait3A_133 = tpu.memref_slice %arg10[%add3A_12, %dma_wait3A_132] : memref<10240x64xbf16, #tpu.memory_space<vmem_shared>> -> memref<64x64xbf16, #tpu.memory_space<vmem_shared>>
      %dma_wait3A_134 = arith.constant 0 : i32
      %dma_wait3A_135 = tpu.memref_slice %arg10[%add3A_12, %dma_wait3A_134] : memref<10240x64xbf16, #tpu.memory_space<vmem_shared>> -> memref<64x64xbf16, #tpu.memory_space<vmem_shared>>
      tpu.wait_dma2 semaphore(%run_scoped3A : memref<!tpu.dma_semaphore, #tpu.memory_space<semaphore_mem>>) src(%arg9 : memref<64x64xbf16, #tpu.memory_space<vmem>>) dst(%dma_wait3A_135 : memref<64x64xbf16, #tpu.memory_space<vmem_shared>>)
      tpu.yield
    }) : () -> ()
    %add3A_13 = arith.constant 320 : i32
    %add3A_14 = arith.addi %mul3A_2, %add3A_13 : i32
    "tpu.region"() ({
      %run_scoped3A = tpu.sem_alloc : memref<!tpu.dma_semaphore, #tpu.memory_space<semaphore_mem>>
      %dma_start3A_128 = arith.constant 0 : i32
      %dma_start3A_129 = tpu.memref_slice %arg10[%add3A_14, %dma_start3A_128] : memref<10240x64xbf16, #tpu.memory_space<vmem_shared>> -> memref<64x64xbf16, #tpu.memory_space<vmem_shared>>
      %dma_start3A_130 = arith.constant 0 : i32
      %dma_start3A_131 = tpu.memref_slice %arg10[%add3A_14, %dma_start3A_130] : memref<10240x64xbf16, #tpu.memory_space<vmem_shared>> -> memref<64x64xbf16, #tpu.memory_space<vmem_shared>>
      tpu.enqueue_dma source(%arg9 : memref<64x64xbf16, #tpu.memory_space<vmem>>) target(%dma_start3A_131 : memref<64x64xbf16, #tpu.memory_space<vmem_shared>>) target_semaphore(%run_scoped3A : memref<!tpu.dma_semaphore, #tpu.memory_space<semaphore_mem>>)
      %dma_wait3A_132 = arith.constant 0 : i32
      %dma_wait3A_133 = tpu.memref_slice %arg10[%add3A_14, %dma_wait3A_132] : memref<10240x64xbf16, #tpu.memory_space<vmem_shared>> -> memref<64x64xbf16, #tpu.memory_space<vmem_shared>>
      %dma_wait3A_134 = arith.constant 0 : i32
      %dma_wait3A_135 = tpu.memref_slice %arg10[%add3A_14, %dma_wait3A_134] : memref<10240x64xbf16, #tpu.memory_space<vmem_shared>> -> memref<64x64xbf16, #tpu.memory_space<vmem_shared>>
      tpu.wait_dma2 semaphore(%run_scoped3A : memref<!tpu.dma_semaphore, #tpu.memory_space<semaphore_mem>>) src(%arg9 : memref<64x64xbf16, #tpu.memory_space<vmem>>) dst(%dma_wait3A_135 : memref<64x64xbf16, #tpu.memory_space<vmem_shared>>)
      tpu.yield
    }) : () -> ()
    %add3A_15 = arith.constant 384 : i32
    %add3A_16 = arith.addi %mul3A_2, %add3A_15 : i32
    "tpu.region"() ({
      %run_scoped3A = tpu.sem_alloc : memref<!tpu.dma_semaphore, #tpu.memory_space<semaphore_mem>>
      %dma_start3A_128 = arith.constant 0 : i32
      %dma_start3A_129 = tpu.memref_slice %arg10[%add3A_16, %dma_start3A_128] : memref<10240x64xbf16, #tpu.memory_space<vmem_shared>> -> memref<64x64xbf16, #tpu.memory_space<vmem_shared>>
      %dma_start3A_130 = arith.constant 0 : i32
      %dma_start3A_131 = tpu.memref_slice %arg10[%add3A_16, %dma_start3A_130] : memref<10240x64xbf16, #tpu.memory_space<vmem_shared>> -> memref<64x64xbf16, #tpu.memory_space<vmem_shared>>
      tpu.enqueue_dma source(%arg9 : memref<64x64xbf16, #tpu.memory_space<vmem>>) target(%dma_start3A_131 : memref<64x64xbf16, #tpu.memory_space<vmem_shared>>) target_semaphore(%run_scoped3A : memref<!tpu.dma_semaphore, #tpu.memory_space<semaphore_mem>>)
      %dma_wait3A_132 = arith.constant 0 : i32
      %dma_wait3A_133 = tpu.memref_slice %arg10[%add3A_16, %dma_wait3A_132] : memref<10240x64xbf16, #tpu.memory_space<vmem_shared>> -> memref<64x64xbf16, #tpu.memory_space<vmem_shared>>
      %dma_wait3A_134 = arith.constant 0 : i32
      %dma_wait3A_135 = tpu.memref_slice %arg10[%add3A_16, %dma_wait3A_134] : memref<10240x64xbf16, #tpu.memory_space<vmem_shared>> -> memref<64x64xbf16, #tpu.memory_space<vmem_shared>>
      tpu.wait_dma2 semaphore(%run_scoped3A : memref<!tpu.dma_semaphore, #tpu.memory_space<semaphore_mem>>) src(%arg9 : memref<64x64xbf16, #tpu.memory_space<vmem>>) dst(%dma_wait3A_135 : memref<64x64xbf16, #tpu.memory_space<vmem_shared>>)
      tpu.yield
    }) : () -> ()
    %add3A_17 = arith.constant 448 : i32
    %add3A_18 = arith.addi %mul3A_2, %add3A_17 : i32
    "tpu.region"() ({
      %run_scoped3A = tpu.sem_alloc : memref<!tpu.dma_semaphore, #tpu.memory_space<semaphore_mem>>
      %dma_start3A_128 = arith.constant 0 : i32
      %dma_start3A_129 = tpu.memref_slice %arg10[%add3A_18, %dma_start3A_128] : memref<10240x64xbf16, #tpu.memory_space<vmem_shared>> -> memref<64x64xbf16, #tpu.memory_space<vmem_shared>>
      %dma_start3A_130 = arith.constant 0 : i32
      %dma_start3A_131 = tpu.memref_slice %arg10[%add3A_18, %dma_start3A_130] : memref<10240x64xbf16, #tpu.memory_space<vmem_shared>> -> memref<64x64xbf16, #tpu.memory_space<vmem_shared>>
      tpu.enqueue_dma source(%arg9 : memref<64x64xbf16, #tpu.memory_space<vmem>>) target(%dma_start3A_131 : memref<64x64xbf16, #tpu.memory_space<vmem_shared>>) target_semaphore(%run_scoped3A : memref<!tpu.dma_semaphore, #tpu.memory_space<semaphore_mem>>)
      %dma_wait3A_132 = arith.constant 0 : i32
      %dma_wait3A_133 = tpu.memref_slice %arg10[%add3A_18, %dma_wait3A_132] : memref<10240x64xbf16, #tpu.memory_space<vmem_shared>> -> memref<64x64xbf16, #tpu.memory_space<vmem_shared>>
      %dma_wait3A_134 = arith.constant 0 : i32
      %dma_wait3A_135 = tpu.memref_slice %arg10[%add3A_18, %dma_wait3A_134] : memref<10240x64xbf16, #tpu.memory_space<vmem_shared>> -> memref<64x64xbf16, #tpu.memory_space<vmem_shared>>
      tpu.wait_dma2 semaphore(%run_scoped3A : memref<!tpu.dma_semaphore, #tpu.memory_space<semaphore_mem>>) src(%arg9 : memref<64x64xbf16, #tpu.memory_space<vmem>>) dst(%dma_wait3A_135 : memref<64x64xbf16, #tpu.memory_space<vmem_shared>>)
      tpu.yield
    }) : () -> ()
    %add3A_19 = arith.constant 512 : i32
    %add3A_20 = arith.addi %mul3A_2, %add3A_19 : i32
    "tpu.region"() ({
      %run_scoped3A = tpu.sem_alloc : memref<!tpu.dma_semaphore, #tpu.memory_space<semaphore_mem>>
      %dma_start3A_128 = arith.constant 0 : i32
      %dma_start3A_129 = tpu.memref_slice %arg10[%add3A_20, %dma_start3A_128] : memref<10240x64xbf16, #tpu.memory_space<vmem_shared>> -> memref<64x64xbf16, #tpu.memory_space<vmem_shared>>
      %dma_start3A_130 = arith.constant 0 : i32
      %dma_start3A_131 = tpu.memref_slice %arg10[%add3A_20, %dma_start3A_130] : memref<10240x64xbf16, #tpu.memory_space<vmem_shared>> -> memref<64x64xbf16, #tpu.memory_space<vmem_shared>>
      tpu.enqueue_dma source(%arg9 : memref<64x64xbf16, #tpu.memory_space<vmem>>) target(%dma_start3A_131 : memref<64x64xbf16, #tpu.memory_space<vmem_shared>>) target_semaphore(%run_scoped3A : memref<!tpu.dma_semaphore, #tpu.memory_space<semaphore_mem>>)
      %dma_wait3A_132 = arith.constant 0 : i32
      %dma_wait3A_133 = tpu.memref_slice %arg10[%add3A_20, %dma_wait3A_132] : memref<10240x64xbf16, #tpu.memory_space<vmem_shared>> -> memref<64x64xbf16, #tpu.memory_space<vmem_shared>>
      %dma_wait3A_134 = arith.constant 0 : i32
      %dma_wait3A_135 = tpu.memref_slice %arg10[%add3A_20, %dma_wait3A_134] : memref<10240x64xbf16, #tpu.memory_space<vmem_shared>> -> memref<64x64xbf16, #tpu.memory_space<vmem_shared>>
      tpu.wait_dma2 semaphore(%run_scoped3A : memref<!tpu.dma_semaphore, #tpu.memory_space<semaphore_mem>>) src(%arg9 : memref<64x64xbf16, #tpu.memory_space<vmem>>) dst(%dma_wait3A_135 : memref<64x64xbf16, #tpu.memory_space<vmem_shared>>)
      tpu.yield
    }) : () -> ()
    %add3A_21 = arith.constant 576 : i32
    %add3A_22 = arith.addi %mul3A_2, %add3A_21 : i32
    "tpu.region"() ({
      %run_scoped3A = tpu.sem_alloc : memref<!tpu.dma_semaphore, #tpu.memory_space<semaphore_mem>>
      %dma_start3A_128 = arith.constant 0 : i32
      %dma_start3A_129 = tpu.memref_slice %arg10[%add3A_22, %dma_start3A_128] : memref<10240x64xbf16, #tpu.memory_space<vmem_shared>> -> memref<64x64xbf16, #tpu.memory_space<vmem_shared>>
      %dma_start3A_130 = arith.constant 0 : i32
      %dma_start3A_131 = tpu.memref_slice %arg10[%add3A_22, %dma_start3A_130] : memref<10240x64xbf16, #tpu.memory_space<vmem_shared>> -> memref<64x64xbf16, #tpu.memory_space<vmem_shared>>
      tpu.enqueue_dma source(%arg9 : memref<64x64xbf16, #tpu.memory_space<vmem>>) target(%dma_start3A_131 : memref<64x64xbf16, #tpu.memory_space<vmem_shared>>) target_semaphore(%run_scoped3A : memref<!tpu.dma_semaphore, #tpu.memory_space<semaphore_mem>>)
      %dma_wait3A_132 = arith.constant 0 : i32
      %dma_wait3A_133 = tpu.memref_slice %arg10[%add3A_22, %dma_wait3A_132] : memref<10240x64xbf16, #tpu.memory_space<vmem_shared>> -> memref<64x64xbf16, #tpu.memory_space<vmem_shared>>
      %dma_wait3A_134 = arith.constant 0 : i32
      %dma_wait3A_135 = tpu.memref_slice %arg10[%add3A_22, %dma_wait3A_134] : memref<10240x64xbf16, #tpu.memory_space<vmem_shared>> -> memref<64x64xbf16, #tpu.memory_space<vmem_shared>>
      tpu.wait_dma2 semaphore(%run_scoped3A : memref<!tpu.dma_semaphore, #tpu.memory_space<semaphore_mem>>) src(%arg9 : memref<64x64xbf16, #tpu.memory_space<vmem>>) dst(%dma_wait3A_135 : memref<64x64xbf16, #tpu.memory_space<vmem_shared>>)
      tpu.yield
    }) : () -> ()
    %barrier3A = arith.constant 0 : index
    tpu.barrier barrier_id(%barrier3A)
    "tpu.region"() ({
      %run_scoped3A = tpu.sem_alloc : memref<!tpu.dma_semaphore, #tpu.memory_space<semaphore_mem>>
      %dma_start3A_128 = arith.constant 0 : i32
      %dma_start3A_129 = arith.constant 0 : i32
      %dma_start3A_130 = tpu.memref_slice %arg3[%add3A, %dma_start3A_128, %dma_start3A_129] : memref<32x80x128xi32, #tpu.memory_space<hbm>> -> memref<1x80x128xi32, #tpu.memory_space<hbm>>
      %dma_start3A_131 = tpu.memref_squeeze %dma_start3A_130 : memref<1x80x128xi32, #tpu.memory_space<hbm>> -> memref<80x128xi32, #tpu.memory_space<hbm>>
      %dma_start3A_132 = arith.constant 0 : i32
      %dma_start3A_133 = arith.constant 0 : i32
      %dma_start3A_134 = tpu.memref_slice %arg3[%add3A, %dma_start3A_132, %dma_start3A_133] : memref<32x80x128xi32, #tpu.memory_space<hbm>> -> memref<1x80x128xi32, #tpu.memory_space<hbm>>
      %dma_start3A_135 = tpu.memref_squeeze %dma_start3A_134 : memref<1x80x128xi32, #tpu.memory_space<hbm>> -> memref<80x128xi32, #tpu.memory_space<hbm>>
      tpu.enqueue_dma source(%dma_start3A_135 : memref<80x128xi32, #tpu.memory_space<hbm>>) target(%arg7 : memref<80x128xi32, #tpu.memory_space<vmem>>) target_semaphore(%run_scoped3A : memref<!tpu.dma_semaphore, #tpu.memory_space<semaphore_mem>>)
      %dma_wait3A_136 = arith.constant 0 : i32
      %dma_wait3A_137 = arith.constant 0 : i32
      %dma_wait3A_138 = tpu.memref_slice %arg3[%add3A, %dma_wait3A_136, %dma_wait3A_137] : memref<32x80x128xi32, #tpu.memory_space<hbm>> -> memref<1x80x128xi32, #tpu.memory_space<hbm>>
      %dma_wait3A_139 = tpu.memref_squeeze %dma_wait3A_138 : memref<1x80x128xi32, #tpu.memory_space<hbm>> -> memref<80x128xi32, #tpu.memory_space<hbm>>
      %dma_wait3A_140 = arith.constant 0 : i32
      %dma_wait3A_141 = arith.constant 0 : i32
      %dma_wait3A_142 = tpu.memref_slice %arg3[%add3A, %dma_wait3A_140, %dma_wait3A_141] : memref<32x80x128xi32, #tpu.memory_space<hbm>> -> memref<1x80x128xi32, #tpu.memory_space<hbm>>
      %dma_wait3A_143 = tpu.memref_squeeze %dma_wait3A_142 : memref<1x80x128xi32, #tpu.memory_space<hbm>> -> memref<80x128xi32, #tpu.memory_space<hbm>>
      tpu.wait_dma2 semaphore(%run_scoped3A : memref<!tpu.dma_semaphore, #tpu.memory_space<semaphore_mem>>) src(%dma_wait3A_143 : memref<80x128xi32, #tpu.memory_space<hbm>>) dst(%arg7 : memref<80x128xi32, #tpu.memory_space<vmem>>)
      tpu.yield
    }) : () -> ()
    "tpu.region"() ({
      %run_scoped3A = tpu.sem_alloc : memref<!tpu.dma_semaphore, #tpu.memory_space<semaphore_mem>>
      %dma_start3A_128 = arith.constant 0 : i32
      %dma_start3A_129 = arith.constant 0 : i32
      %dma_start3A_130 = tpu.memref_slice %arg4[%add3A, %dma_start3A_128, %dma_start3A_129] : memref<32x80x128xi32, #tpu.memory_space<hbm>> -> memref<1x80x128xi32, #tpu.memory_space<hbm>>
      %dma_start3A_131 = tpu.memref_squeeze %dma_start3A_130 : memref<1x80x128xi32, #tpu.memory_space<hbm>> -> memref<80x128xi32, #tpu.memory_space<hbm>>
      %dma_start3A_132 = arith.constant 0 : i32
      %dma_start3A_133 = arith.constant 0 : i32
      %dma_start3A_134 = tpu.memref_slice %arg4[%add3A, %dma_start3A_132, %dma_start3A_133] : memref<32x80x128xi32, #tpu.memory_space<hbm>> -> memref<1x80x128xi32, #tpu.memory_space<hbm>>
      %dma_start3A_135 = tpu.memref_squeeze %dma_start3A_134 : memref<1x80x128xi32, #tpu.memory_space<hbm>> -> memref<80x128xi32, #tpu.memory_space<hbm>>
      tpu.enqueue_dma source(%dma_start3A_135 : memref<80x128xi32, #tpu.memory_space<hbm>>) target(%arg8 : memref<80x128xi32, #tpu.memory_space<vmem>>) target_semaphore(%run_scoped3A : memref<!tpu.dma_semaphore, #tpu.memory_space<semaphore_mem>>)
      %dma_wait3A_136 = arith.constant 0 : i32
      %dma_wait3A_137 = arith.constant 0 : i32
      %dma_wait3A_138 = tpu.memref_slice %arg4[%add3A, %dma_wait3A_136, %dma_wait3A_137] : memref<32x80x128xi32, #tpu.memory_space<hbm>> -> memref<1x80x128xi32, #tpu.memory_space<hbm>>
      %dma_wait3A_139 = tpu.memref_squeeze %dma_wait3A_138 : memref<1x80x128xi32, #tpu.memory_space<hbm>> -> memref<80x128xi32, #tpu.memory_space<hbm>>
      %dma_wait3A_140 = arith.constant 0 : i32
      %dma_wait3A_141 = arith.constant 0 : i32
      %dma_wait3A_142 = tpu.memref_slice %arg4[%add3A, %dma_wait3A_140, %dma_wait3A_141] : memref<32x80x128xi32, #tpu.memory_space<hbm>> -> memref<1x80x128xi32, #tpu.memory_space<hbm>>
      %dma_wait3A_143 = tpu.memref_squeeze %dma_wait3A_142 : memref<1x80x128xi32, #tpu.memory_space<hbm>> -> memref<80x128xi32, #tpu.memory_space<hbm>>
      tpu.wait_dma2 semaphore(%run_scoped3A : memref<!tpu.dma_semaphore, #tpu.memory_space<semaphore_mem>>) src(%dma_wait3A_143 : memref<80x128xi32, #tpu.memory_space<hbm>>) dst(%arg8 : memref<80x128xi32, #tpu.memory_space<vmem>>)
      tpu.yield
    }) : () -> ()
    %dma_start3A = arith.constant 0 : i32
    %dma_start3A_23 = arith.constant 0 : i32
    %dma_start3A_24 = tpu.memref_slice %arg7[%dma_start3A, %dma_start3A_23] : memref<80x128xi32, #tpu.memory_space<vmem>> -> memref<1x128xi32, #tpu.memory_space<vmem>>
    %dma_start3A_25 = tpu.memref_squeeze %dma_start3A_24 : memref<1x128xi32, #tpu.memory_space<vmem>> -> memref<128xi32, #tpu.memory_space<vmem>>
    %dma_start3A_26 = arith.constant 0 : i32
    %dma_start3A_27 = arith.constant 0 : i32
    %dma_start3A_28 = tpu.memref_slice %arg2[%dma_start3A_26, %dma_start3A_27] : memref<10000x64xbf16, #tpu.memory_space<hbm>> -> memref<10000x64xbf16, #tpu.memory_space<hbm>>
    tpu.enqueue_indirect_dma source(%dma_start3A_28 : memref<10000x64xbf16, #tpu.memory_space<hbm>>) target(%arg11 : memref<128x64xbf16, #tpu.memory_space<vmem>>) offsets(%dma_start3A_25 : memref<128xi32, #tpu.memory_space<vmem>>) semaphore(%arg19 : memref<!tpu.dma_semaphore, #tpu.memory_space<semaphore_mem>>)
    %dma_start3A_29 = arith.constant 1 : i32
    %dma_start3A_30 = arith.constant 0 : i32
    %dma_start3A_31 = tpu.memref_slice %arg7[%dma_start3A_29, %dma_start3A_30] : memref<80x128xi32, #tpu.memory_space<vmem>> -> memref<1x128xi32, #tpu.memory_space<vmem>>
    %dma_start3A_32 = tpu.memref_squeeze %dma_start3A_31 : memref<1x128xi32, #tpu.memory_space<vmem>> -> memref<128xi32, #tpu.memory_space<vmem>>
    %dma_start3A_33 = arith.constant 0 : i32
    %dma_start3A_34 = arith.constant 0 : i32
    %dma_start3A_35 = tpu.memref_slice %arg2[%dma_start3A_33, %dma_start3A_34] : memref<10000x64xbf16, #tpu.memory_space<hbm>> -> memref<10000x64xbf16, #tpu.memory_space<hbm>>
    tpu.enqueue_indirect_dma source(%dma_start3A_35 : memref<10000x64xbf16, #tpu.memory_space<hbm>>) target(%arg12 : memref<128x64xbf16, #tpu.memory_space<vmem>>) offsets(%dma_start3A_32 : memref<128xi32, #tpu.memory_space<vmem>>) semaphore(%arg20 : memref<!tpu.dma_semaphore, #tpu.memory_space<semaphore_mem>>)
    %dma_start3A_36 = arith.constant 2 : i32
    %dma_start3A_37 = arith.constant 0 : i32
    %dma_start3A_38 = tpu.memref_slice %arg7[%dma_start3A_36, %dma_start3A_37] : memref<80x128xi32, #tpu.memory_space<vmem>> -> memref<1x128xi32, #tpu.memory_space<vmem>>
    %dma_start3A_39 = tpu.memref_squeeze %dma_start3A_38 : memref<1x128xi32, #tpu.memory_space<vmem>> -> memref<128xi32, #tpu.memory_space<vmem>>
    %dma_start3A_40 = arith.constant 0 : i32
    %dma_start3A_41 = arith.constant 0 : i32
    %dma_start3A_42 = tpu.memref_slice %arg2[%dma_start3A_40, %dma_start3A_41] : memref<10000x64xbf16, #tpu.memory_space<hbm>> -> memref<10000x64xbf16, #tpu.memory_space<hbm>>
    tpu.enqueue_indirect_dma source(%dma_start3A_42 : memref<10000x64xbf16, #tpu.memory_space<hbm>>) target(%arg13 : memref<128x64xbf16, #tpu.memory_space<vmem>>) offsets(%dma_start3A_39 : memref<128xi32, #tpu.memory_space<vmem>>) semaphore(%arg21 : memref<!tpu.dma_semaphore, #tpu.memory_space<semaphore_mem>>)
    %dma_start3A_43 = arith.constant 3 : i32
    %dma_start3A_44 = arith.constant 0 : i32
    %dma_start3A_45 = tpu.memref_slice %arg7[%dma_start3A_43, %dma_start3A_44] : memref<80x128xi32, #tpu.memory_space<vmem>> -> memref<1x128xi32, #tpu.memory_space<vmem>>
    %dma_start3A_46 = tpu.memref_squeeze %dma_start3A_45 : memref<1x128xi32, #tpu.memory_space<vmem>> -> memref<128xi32, #tpu.memory_space<vmem>>
    %dma_start3A_47 = arith.constant 0 : i32
    %dma_start3A_48 = arith.constant 0 : i32
    %dma_start3A_49 = tpu.memref_slice %arg2[%dma_start3A_47, %dma_start3A_48] : memref<10000x64xbf16, #tpu.memory_space<hbm>> -> memref<10000x64xbf16, #tpu.memory_space<hbm>>
    tpu.enqueue_indirect_dma source(%dma_start3A_49 : memref<10000x64xbf16, #tpu.memory_space<hbm>>) target(%arg14 : memref<128x64xbf16, #tpu.memory_space<vmem>>) offsets(%dma_start3A_46 : memref<128xi32, #tpu.memory_space<vmem>>) semaphore(%arg22 : memref<!tpu.dma_semaphore, #tpu.memory_space<semaphore_mem>>)
    %dma_start3A_50 = arith.constant 4 : i32
    %dma_start3A_51 = arith.constant 0 : i32
    %dma_start3A_52 = tpu.memref_slice %arg7[%dma_start3A_50, %dma_start3A_51] : memref<80x128xi32, #tpu.memory_space<vmem>> -> memref<1x128xi32, #tpu.memory_space<vmem>>
    %dma_start3A_53 = tpu.memref_squeeze %dma_start3A_52 : memref<1x128xi32, #tpu.memory_space<vmem>> -> memref<128xi32, #tpu.memory_space<vmem>>
    %dma_start3A_54 = arith.constant 0 : i32
    %dma_start3A_55 = arith.constant 0 : i32
    %dma_start3A_56 = tpu.memref_slice %arg2[%dma_start3A_54, %dma_start3A_55] : memref<10000x64xbf16, #tpu.memory_space<hbm>> -> memref<10000x64xbf16, #tpu.memory_space<hbm>>
    tpu.enqueue_indirect_dma source(%dma_start3A_56 : memref<10000x64xbf16, #tpu.memory_space<hbm>>) target(%arg15 : memref<128x64xbf16, #tpu.memory_space<vmem>>) offsets(%dma_start3A_53 : memref<128xi32, #tpu.memory_space<vmem>>) semaphore(%arg23 : memref<!tpu.dma_semaphore, #tpu.memory_space<semaphore_mem>>)
    %dma_start3A_57 = arith.constant 5 : i32
    %dma_start3A_58 = arith.constant 0 : i32
    %dma_start3A_59 = tpu.memref_slice %arg7[%dma_start3A_57, %dma_start3A_58] : memref<80x128xi32, #tpu.memory_space<vmem>> -> memref<1x128xi32, #tpu.memory_space<vmem>>
    %dma_start3A_60 = tpu.memref_squeeze %dma_start3A_59 : memref<1x128xi32, #tpu.memory_space<vmem>> -> memref<128xi32, #tpu.memory_space<vmem>>
    %dma_start3A_61 = arith.constant 0 : i32
    %dma_start3A_62 = arith.constant 0 : i32
    %dma_start3A_63 = tpu.memref_slice %arg2[%dma_start3A_61, %dma_start3A_62] : memref<10000x64xbf16, #tpu.memory_space<hbm>> -> memref<10000x64xbf16, #tpu.memory_space<hbm>>
    tpu.enqueue_indirect_dma source(%dma_start3A_63 : memref<10000x64xbf16, #tpu.memory_space<hbm>>) target(%arg16 : memref<128x64xbf16, #tpu.memory_space<vmem>>) offsets(%dma_start3A_60 : memref<128xi32, #tpu.memory_space<vmem>>) semaphore(%arg24 : memref<!tpu.dma_semaphore, #tpu.memory_space<semaphore_mem>>)
    %scan3A = arith.constant 0 : i32
    %scan3A_64 = arith.constant 10 : i32
    %scan3A_65 = arith.addi %scan3A, %scan3A_64 : i32
    %scan3A_66 = arith.constant 1 : i32
    scf.for %scan3A_128 = %scan3A to %scan3A_65 step %scan3A_66  : i32 {
      %mul3A_129 = arith.constant 8 : i32
      %mul3A_130 = arith.muli %scan3A_128, %mul3A_129 : i32
      %add3A_131 = arith.constant 0 : i32
      %add3A_132 = arith.addi %add3A_131, %mul3A_130 : i32
      %add3A_133 = arith.constant 0 : i32
      %add3A_134 = arith.addi %add3A_132, %add3A_133 : i32
      %add3A_135 = arith.constant 6 : i32
      %add3A_136 = arith.addi %add3A_134, %add3A_135 : i32
      %lt3A = arith.constant 80 : i32
      %lt3A_137 = arith.cmpi slt, %add3A_136, %lt3A : i32
      %convert_element_type3A_138 = arith.extui %lt3A_137 : i1 to i32
      %cond3A_139 = arith.constant 0 : i32
      %cond3A_140 = arith.cmpi ne, %convert_element_type3A_138, %cond3A_139 : i32
      scf.if %cond3A_140 {
        %add3A_300 = arith.constant 6 : i32
        %add3A_301 = arith.addi %add3A_134, %add3A_300 : i32
        %ge3A = arith.constant 8 : i32
        %ge3A_302 = arith.cmpi sge, %add3A_301, %ge3A : i32
        %convert_element_type3A_303 = arith.extui %ge3A_302 : i1 to i32
        %cond3A_304 = arith.constant 0 : i32
        %cond3A_305 = arith.cmpi ne, %convert_element_type3A_303, %cond3A_304 : i32
        scf.if %cond3A_305 {
          %add3A_314 = arith.constant 6 : i32
          %add3A_315 = arith.addi %add3A_134, %add3A_314 : i32
          %sub3A = arith.constant 8 : i32
          %sub3A_316 = arith.subi %add3A_315, %sub3A : i32
          %dma_wait3A_317 = arith.constant 0 : i32
          %dma_wait3A_318 = tpu.memref_slice %arg8[%sub3A_316, %dma_wait3A_317] : memref<80x128xi32, #tpu.memory_space<vmem>> -> memref<1x128xi32, #tpu.memory_space<vmem>>
          %dma_wait3A_319 = tpu.memref_squeeze %dma_wait3A_318 : memref<1x128xi32, #tpu.memory_space<vmem>> -> memref<128xi32, #tpu.memory_space<vmem>>
          %dma_wait3A_320 = arith.constant 0 : i32
          %dma_wait3A_321 = arith.constant 0 : i32
          %dma_wait3A_322 = tpu.memref_slice %arg10[%dma_wait3A_320, %dma_wait3A_321] : memref<10240x64xbf16, #tpu.memory_space<vmem_shared>> -> memref<10240x64xbf16, #tpu.memory_space<vmem_shared>>
          tpu.wait_indirect_dma semaphore(%arg33 : memref<!tpu.dma_semaphore, #tpu.memory_space<semaphore_mem>>) src(%arg17 : memref<128x64xbf16, #tpu.memory_space<vmem>>) dst(%dma_wait3A_322 : memref<10240x64xbf16, #tpu.memory_space<vmem_shared>>)
        } else {
        }
        %add3A_306 = arith.constant 6 : i32
        %add3A_307 = arith.addi %add3A_134, %add3A_306 : i32
        %dma_start3A_308 = arith.constant 0 : i32
        %dma_start3A_309 = tpu.memref_slice %arg7[%add3A_307, %dma_start3A_308] : memref<80x128xi32, #tpu.memory_space<vmem>> -> memref<1x128xi32, #tpu.memory_space<vmem>>
        %dma_start3A_310 = tpu.memref_squeeze %dma_start3A_309 : memref<1x128xi32, #tpu.memory_space<vmem>> -> memref<128xi32, #tpu.memory_space<vmem>>
        %dma_start3A_311 = arith.constant 0 : i32
        %dma_start3A_312 = arith.constant 0 : i32
        %dma_start3A_313 = tpu.memref_slice %arg2[%dma_start3A_311, %dma_start3A_312] : memref<10000x64xbf16, #tpu.memory_space<hbm>> -> memref<10000x64xbf16, #tpu.memory_space<hbm>>
        tpu.enqueue_indirect_dma source(%dma_start3A_313 : memref<10000x64xbf16, #tpu.memory_space<hbm>>) target(%arg17 : memref<128x64xbf16, #tpu.memory_space<vmem>>) offsets(%dma_start3A_310 : memref<128xi32, #tpu.memory_space<vmem>>) semaphore(%arg25 : memref<!tpu.dma_semaphore, #tpu.memory_space<semaphore_mem>>)
      } else {
      }
      %dma_wait3A_141 = arith.constant 0 : i32
      %dma_wait3A_142 = tpu.memref_slice %arg7[%add3A_134, %dma_wait3A_141] : memref<80x128xi32, #tpu.memory_space<vmem>> -> memref<1x128xi32, #tpu.memory_space<vmem>>
      %dma_wait3A_143 = tpu.memref_squeeze %dma_wait3A_142 : memref<1x128xi32, #tpu.memory_space<vmem>> -> memref<128xi32, #tpu.memory_space<vmem>>
      %dma_wait3A_144 = arith.constant 0 : i32
      %dma_wait3A_145 = arith.constant 0 : i32
      %dma_wait3A_146 = tpu.memref_slice %arg2[%dma_wait3A_144, %dma_wait3A_145] : memref<10000x64xbf16, #tpu.memory_space<hbm>> -> memref<10000x64xbf16, #tpu.memory_space<hbm>>
      tpu.wait_indirect_dma semaphore(%arg19 : memref<!tpu.dma_semaphore, #tpu.memory_space<semaphore_mem>>) src(%dma_wait3A_146 : memref<10000x64xbf16, #tpu.memory_space<hbm>>) dst(%arg11 : memref<128x64xbf16, #tpu.memory_space<vmem>>)
      %dma_start3A_147 = arith.constant 0 : i32
      %dma_start3A_148 = tpu.memref_slice %arg8[%add3A_134, %dma_start3A_147] : memref<80x128xi32, #tpu.memory_space<vmem>> -> memref<1x128xi32, #tpu.memory_space<vmem>>
      %dma_start3A_149 = tpu.memref_squeeze %dma_start3A_148 : memref<1x128xi32, #tpu.memory_space<vmem>> -> memref<128xi32, #tpu.memory_space<vmem>>
      %dma_start3A_150 = arith.constant 0 : i32
      %dma_start3A_151 = arith.constant 0 : i32
      %dma_start3A_152 = tpu.memref_slice %arg10[%dma_start3A_150, %dma_start3A_151] : memref<10240x64xbf16, #tpu.memory_space<vmem_shared>> -> memref<10240x64xbf16, #tpu.memory_space<vmem_shared>>
      tpu.enqueue_indirect_dma source(%arg11 : memref<128x64xbf16, #tpu.memory_space<vmem>>) target(%dma_start3A_152 : memref<10240x64xbf16, #tpu.memory_space<vmem_shared>>) offsets(%dma_start3A_149 : memref<128xi32, #tpu.memory_space<vmem>>) semaphore(%arg27 : memref<!tpu.dma_semaphore, #tpu.memory_space<semaphore_mem>>) {add = true}
      %add3A_153 = arith.constant 1 : i32
      %add3A_154 = arith.addi %add3A_132, %add3A_153 : i32
      %add3A_155 = arith.constant 6 : i32
      %add3A_156 = arith.addi %add3A_154, %add3A_155 : i32
      %lt3A_157 = arith.constant 80 : i32
      %lt3A_158 = arith.cmpi slt, %add3A_156, %lt3A_157 : i32
      %convert_element_type3A_159 = arith.extui %lt3A_158 : i1 to i32
      %cond3A_160 = arith.constant 0 : i32
      %cond3A_161 = arith.cmpi ne, %convert_element_type3A_159, %cond3A_160 : i32
      scf.if %cond3A_161 {
        %add3A_300 = arith.constant 6 : i32
        %add3A_301 = arith.addi %add3A_154, %add3A_300 : i32
        %ge3A = arith.constant 8 : i32
        %ge3A_302 = arith.cmpi sge, %add3A_301, %ge3A : i32
        %convert_element_type3A_303 = arith.extui %ge3A_302 : i1 to i32
        %cond3A_304 = arith.constant 0 : i32
        %cond3A_305 = arith.cmpi ne, %convert_element_type3A_303, %cond3A_304 : i32
        scf.if %cond3A_305 {
          %add3A_314 = arith.constant 6 : i32
          %add3A_315 = arith.addi %add3A_154, %add3A_314 : i32
          %sub3A = arith.constant 8 : i32
          %sub3A_316 = arith.subi %add3A_315, %sub3A : i32
          %dma_wait3A_317 = arith.constant 0 : i32
          %dma_wait3A_318 = tpu.memref_slice %arg8[%sub3A_316, %dma_wait3A_317] : memref<80x128xi32, #tpu.memory_space<vmem>> -> memref<1x128xi32, #tpu.memory_space<vmem>>
          %dma_wait3A_319 = tpu.memref_squeeze %dma_wait3A_318 : memref<1x128xi32, #tpu.memory_space<vmem>> -> memref<128xi32, #tpu.memory_space<vmem>>
          %dma_wait3A_320 = arith.constant 0 : i32
          %dma_wait3A_321 = arith.constant 0 : i32
          %dma_wait3A_322 = tpu.memref_slice %arg10[%dma_wait3A_320, %dma_wait3A_321] : memref<10240x64xbf16, #tpu.memory_space<vmem_shared>> -> memref<10240x64xbf16, #tpu.memory_space<vmem_shared>>
          tpu.wait_indirect_dma semaphore(%arg34 : memref<!tpu.dma_semaphore, #tpu.memory_space<semaphore_mem>>) src(%arg18 : memref<128x64xbf16, #tpu.memory_space<vmem>>) dst(%dma_wait3A_322 : memref<10240x64xbf16, #tpu.memory_space<vmem_shared>>)
        } else {
        }
        %add3A_306 = arith.constant 6 : i32
        %add3A_307 = arith.addi %add3A_154, %add3A_306 : i32
        %dma_start3A_308 = arith.constant 0 : i32
        %dma_start3A_309 = tpu.memref_slice %arg7[%add3A_307, %dma_start3A_308] : memref<80x128xi32, #tpu.memory_space<vmem>> -> memref<1x128xi32, #tpu.memory_space<vmem>>
        %dma_start3A_310 = tpu.memref_squeeze %dma_start3A_309 : memref<1x128xi32, #tpu.memory_space<vmem>> -> memref<128xi32, #tpu.memory_space<vmem>>
        %dma_start3A_311 = arith.constant 0 : i32
        %dma_start3A_312 = arith.constant 0 : i32
        %dma_start3A_313 = tpu.memref_slice %arg2[%dma_start3A_311, %dma_start3A_312] : memref<10000x64xbf16, #tpu.memory_space<hbm>> -> memref<10000x64xbf16, #tpu.memory_space<hbm>>
        tpu.enqueue_indirect_dma source(%dma_start3A_313 : memref<10000x64xbf16, #tpu.memory_space<hbm>>) target(%arg18 : memref<128x64xbf16, #tpu.memory_space<vmem>>) offsets(%dma_start3A_310 : memref<128xi32, #tpu.memory_space<vmem>>) semaphore(%arg26 : memref<!tpu.dma_semaphore, #tpu.memory_space<semaphore_mem>>)
      } else {
      }
      %dma_wait3A_162 = arith.constant 0 : i32
      %dma_wait3A_163 = tpu.memref_slice %arg7[%add3A_154, %dma_wait3A_162] : memref<80x128xi32, #tpu.memory_space<vmem>> -> memref<1x128xi32, #tpu.memory_space<vmem>>
      %dma_wait3A_164 = tpu.memref_squeeze %dma_wait3A_163 : memref<1x128xi32, #tpu.memory_space<vmem>> -> memref<128xi32, #tpu.memory_space<vmem>>
      %dma_wait3A_165 = arith.constant 0 : i32
      %dma_wait3A_166 = arith.constant 0 : i32
      %dma_wait3A_167 = tpu.memref_slice %arg2[%dma_wait3A_165, %dma_wait3A_166] : memref<10000x64xbf16, #tpu.memory_space<hbm>> -> memref<10000x64xbf16, #tpu.memory_space<hbm>>
      tpu.wait_indirect_dma semaphore(%arg20 : memref<!tpu.dma_semaphore, #tpu.memory_space<semaphore_mem>>) src(%dma_wait3A_167 : memref<10000x64xbf16, #tpu.memory_space<hbm>>) dst(%arg12 : memref<128x64xbf16, #tpu.memory_space<vmem>>)
      %dma_start3A_168 = arith.constant 0 : i32
      %dma_start3A_169 = tpu.memref_slice %arg8[%add3A_154, %dma_start3A_168] : memref<80x128xi32, #tpu.memory_space<vmem>> -> memref<1x128xi32, #tpu.memory_space<vmem>>
      %dma_start3A_170 = tpu.memref_squeeze %dma_start3A_169 : memref<1x128xi32, #tpu.memory_space<vmem>> -> memref<128xi32, #tpu.memory_space<vmem>>
      %dma_start3A_171 = arith.constant 0 : i32
      %dma_start3A_172 = arith.constant 0 : i32
      %dma_start3A_173 = tpu.memref_slice %arg10[%dma_start3A_171, %dma_start3A_172] : memref<10240x64xbf16, #tpu.memory_space<vmem_shared>> -> memref<10240x64xbf16, #tpu.memory_space<vmem_shared>>
      tpu.enqueue_indirect_dma source(%arg12 : memref<128x64xbf16, #tpu.memory_space<vmem>>) target(%dma_start3A_173 : memref<10240x64xbf16, #tpu.memory_space<vmem_shared>>) offsets(%dma_start3A_170 : memref<128xi32, #tpu.memory_space<vmem>>) semaphore(%arg28 : memref<!tpu.dma_semaphore, #tpu.memory_space<semaphore_mem>>) {add = true}
      %add3A_174 = arith.constant 2 : i32
      %add3A_175 = arith.addi %add3A_132, %add3A_174 : i32
      %add3A_176 = arith.constant 6 : i32
      %add3A_177 = arith.addi %add3A_175, %add3A_176 : i32
      %lt3A_178 = arith.constant 80 : i32
      %lt3A_179 = arith.cmpi slt, %add3A_177, %lt3A_178 : i32
      %convert_element_type3A_180 = arith.extui %lt3A_179 : i1 to i32
      %cond3A_181 = arith.constant 0 : i32
      %cond3A_182 = arith.cmpi ne, %convert_element_type3A_180, %cond3A_181 : i32
      scf.if %cond3A_182 {
        %add3A_300 = arith.constant 6 : i32
        %add3A_301 = arith.addi %add3A_175, %add3A_300 : i32
        %ge3A = arith.constant 8 : i32
        %ge3A_302 = arith.cmpi sge, %add3A_301, %ge3A : i32
        %convert_element_type3A_303 = arith.extui %ge3A_302 : i1 to i32
        %cond3A_304 = arith.constant 0 : i32
        %cond3A_305 = arith.cmpi ne, %convert_element_type3A_303, %cond3A_304 : i32
        scf.if %cond3A_305 {
          %add3A_314 = arith.constant 6 : i32
          %add3A_315 = arith.addi %add3A_175, %add3A_314 : i32
          %sub3A = arith.constant 8 : i32
          %sub3A_316 = arith.subi %add3A_315, %sub3A : i32
          %dma_wait3A_317 = arith.constant 0 : i32
          %dma_wait3A_318 = tpu.memref_slice %arg8[%sub3A_316, %dma_wait3A_317] : memref<80x128xi32, #tpu.memory_space<vmem>> -> memref<1x128xi32, #tpu.memory_space<vmem>>
          %dma_wait3A_319 = tpu.memref_squeeze %dma_wait3A_318 : memref<1x128xi32, #tpu.memory_space<vmem>> -> memref<128xi32, #tpu.memory_space<vmem>>
          %dma_wait3A_320 = arith.constant 0 : i32
          %dma_wait3A_321 = arith.constant 0 : i32
          %dma_wait3A_322 = tpu.memref_slice %arg10[%dma_wait3A_320, %dma_wait3A_321] : memref<10240x64xbf16, #tpu.memory_space<vmem_shared>> -> memref<10240x64xbf16, #tpu.memory_space<vmem_shared>>
          tpu.wait_indirect_dma semaphore(%arg27 : memref<!tpu.dma_semaphore, #tpu.memory_space<semaphore_mem>>) src(%arg11 : memref<128x64xbf16, #tpu.memory_space<vmem>>) dst(%dma_wait3A_322 : memref<10240x64xbf16, #tpu.memory_space<vmem_shared>>)
        } else {
        }
        %add3A_306 = arith.constant 6 : i32
        %add3A_307 = arith.addi %add3A_175, %add3A_306 : i32
        %dma_start3A_308 = arith.constant 0 : i32
        %dma_start3A_309 = tpu.memref_slice %arg7[%add3A_307, %dma_start3A_308] : memref<80x128xi32, #tpu.memory_space<vmem>> -> memref<1x128xi32, #tpu.memory_space<vmem>>
        %dma_start3A_310 = tpu.memref_squeeze %dma_start3A_309 : memref<1x128xi32, #tpu.memory_space<vmem>> -> memref<128xi32, #tpu.memory_space<vmem>>
        %dma_start3A_311 = arith.constant 0 : i32
        %dma_start3A_312 = arith.constant 0 : i32
        %dma_start3A_313 = tpu.memref_slice %arg2[%dma_start3A_311, %dma_start3A_312] : memref<10000x64xbf16, #tpu.memory_space<hbm>> -> memref<10000x64xbf16, #tpu.memory_space<hbm>>
        tpu.enqueue_indirect_dma source(%dma_start3A_313 : memref<10000x64xbf16, #tpu.memory_space<hbm>>) target(%arg11 : memref<128x64xbf16, #tpu.memory_space<vmem>>) offsets(%dma_start3A_310 : memref<128xi32, #tpu.memory_space<vmem>>) semaphore(%arg19 : memref<!tpu.dma_semaphore, #tpu.memory_space<semaphore_mem>>)
      } else {
      }
      %dma_wait3A_183 = arith.constant 0 : i32
      %dma_wait3A_184 = tpu.memref_slice %arg7[%add3A_175, %dma_wait3A_183] : memref<80x128xi32, #tpu.memory_space<vmem>> -> memref<1x128xi32, #tpu.memory_space<vmem>>
      %dma_wait3A_185 = tpu.memref_squeeze %dma_wait3A_184 : memref<1x128xi32, #tpu.memory_space<vmem>> -> memref<128xi32, #tpu.memory_space<vmem>>
      %dma_wait3A_186 = arith.constant 0 : i32
      %dma_wait3A_187 = arith.constant 0 : i32
      %dma_wait3A_188 = tpu.memref_slice %arg2[%dma_wait3A_186, %dma_wait3A_187] : memref<10000x64xbf16, #tpu.memory_space<hbm>> -> memref<10000x64xbf16, #tpu.memory_space<hbm>>
      tpu.wait_indirect_dma semaphore(%arg21 : memref<!tpu.dma_semaphore, #tpu.memory_space<semaphore_mem>>) src(%dma_wait3A_188 : memref<10000x64xbf16, #tpu.memory_space<hbm>>) dst(%arg13 : memref<128x64xbf16, #tpu.memory_space<vmem>>)
      %dma_start3A_189 = arith.constant 0 : i32
      %dma_start3A_190 = tpu.memref_slice %arg8[%add3A_175, %dma_start3A_189] : memref<80x128xi32, #tpu.memory_space<vmem>> -> memref<1x128xi32, #tpu.memory_space<vmem>>
      %dma_start3A_191 = tpu.memref_squeeze %dma_start3A_190 : memref<1x128xi32, #tpu.memory_space<vmem>> -> memref<128xi32, #tpu.memory_space<vmem>>
      %dma_start3A_192 = arith.constant 0 : i32
      %dma_start3A_193 = arith.constant 0 : i32
      %dma_start3A_194 = tpu.memref_slice %arg10[%dma_start3A_192, %dma_start3A_193] : memref<10240x64xbf16, #tpu.memory_space<vmem_shared>> -> memref<10240x64xbf16, #tpu.memory_space<vmem_shared>>
      tpu.enqueue_indirect_dma source(%arg13 : memref<128x64xbf16, #tpu.memory_space<vmem>>) target(%dma_start3A_194 : memref<10240x64xbf16, #tpu.memory_space<vmem_shared>>) offsets(%dma_start3A_191 : memref<128xi32, #tpu.memory_space<vmem>>) semaphore(%arg29 : memref<!tpu.dma_semaphore, #tpu.memory_space<semaphore_mem>>) {add = true}
      %add3A_195 = arith.constant 3 : i32
      %add3A_196 = arith.addi %add3A_132, %add3A_195 : i32
      %add3A_197 = arith.constant 6 : i32
      %add3A_198 = arith.addi %add3A_196, %add3A_197 : i32
      %lt3A_199 = arith.constant 80 : i32
      %lt3A_200 = arith.cmpi slt, %add3A_198, %lt3A_199 : i32
      %convert_element_type3A_201 = arith.extui %lt3A_200 : i1 to i32
      %cond3A_202 = arith.constant 0 : i32
      %cond3A_203 = arith.cmpi ne, %convert_element_type3A_201, %cond3A_202 : i32
      scf.if %cond3A_203 {
        %add3A_300 = arith.constant 6 : i32
        %add3A_301 = arith.addi %add3A_196, %add3A_300 : i32
        %ge3A = arith.constant 8 : i32
        %ge3A_302 = arith.cmpi sge, %add3A_301, %ge3A : i32
        %convert_element_type3A_303 = arith.extui %ge3A_302 : i1 to i32
        %cond3A_304 = arith.constant 0 : i32
        %cond3A_305 = arith.cmpi ne, %convert_element_type3A_303, %cond3A_304 : i32
        scf.if %cond3A_305 {
          %add3A_314 = arith.constant 6 : i32
          %add3A_315 = arith.addi %add3A_196, %add3A_314 : i32
          %sub3A = arith.constant 8 : i32
          %sub3A_316 = arith.subi %add3A_315, %sub3A : i32
          %dma_wait3A_317 = arith.constant 0 : i32
          %dma_wait3A_318 = tpu.memref_slice %arg8[%sub3A_316, %dma_wait3A_317] : memref<80x128xi32, #tpu.memory_space<vmem>> -> memref<1x128xi32, #tpu.memory_space<vmem>>
          %dma_wait3A_319 = tpu.memref_squeeze %dma_wait3A_318 : memref<1x128xi32, #tpu.memory_space<vmem>> -> memref<128xi32, #tpu.memory_space<vmem>>
          %dma_wait3A_320 = arith.constant 0 : i32
          %dma_wait3A_321 = arith.constant 0 : i32
          %dma_wait3A_322 = tpu.memref_slice %arg10[%dma_wait3A_320, %dma_wait3A_321] : memref<10240x64xbf16, #tpu.memory_space<vmem_shared>> -> memref<10240x64xbf16, #tpu.memory_space<vmem_shared>>
          tpu.wait_indirect_dma semaphore(%arg28 : memref<!tpu.dma_semaphore, #tpu.memory_space<semaphore_mem>>) src(%arg12 : memref<128x64xbf16, #tpu.memory_space<vmem>>) dst(%dma_wait3A_322 : memref<10240x64xbf16, #tpu.memory_space<vmem_shared>>)
        } else {
        }
        %add3A_306 = arith.constant 6 : i32
        %add3A_307 = arith.addi %add3A_196, %add3A_306 : i32
        %dma_start3A_308 = arith.constant 0 : i32
        %dma_start3A_309 = tpu.memref_slice %arg7[%add3A_307, %dma_start3A_308] : memref<80x128xi32, #tpu.memory_space<vmem>> -> memref<1x128xi32, #tpu.memory_space<vmem>>
        %dma_start3A_310 = tpu.memref_squeeze %dma_start3A_309 : memref<1x128xi32, #tpu.memory_space<vmem>> -> memref<128xi32, #tpu.memory_space<vmem>>
        %dma_start3A_311 = arith.constant 0 : i32
        %dma_start3A_312 = arith.constant 0 : i32
        %dma_start3A_313 = tpu.memref_slice %arg2[%dma_start3A_311, %dma_start3A_312] : memref<10000x64xbf16, #tpu.memory_space<hbm>> -> memref<10000x64xbf16, #tpu.memory_space<hbm>>
        tpu.enqueue_indirect_dma source(%dma_start3A_313 : memref<10000x64xbf16, #tpu.memory_space<hbm>>) target(%arg12 : memref<128x64xbf16, #tpu.memory_space<vmem>>) offsets(%dma_start3A_310 : memref<128xi32, #tpu.memory_space<vmem>>) semaphore(%arg20 : memref<!tpu.dma_semaphore, #tpu.memory_space<semaphore_mem>>)
      } else {
      }
      %dma_wait3A_204 = arith.constant 0 : i32
      %dma_wait3A_205 = tpu.memref_slice %arg7[%add3A_196, %dma_wait3A_204] : memref<80x128xi32, #tpu.memory_space<vmem>> -> memref<1x128xi32, #tpu.memory_space<vmem>>
      %dma_wait3A_206 = tpu.memref_squeeze %dma_wait3A_205 : memref<1x128xi32, #tpu.memory_space<vmem>> -> memref<128xi32, #tpu.memory_space<vmem>>
      %dma_wait3A_207 = arith.constant 0 : i32
      %dma_wait3A_208 = arith.constant 0 : i32
      %dma_wait3A_209 = tpu.memref_slice %arg2[%dma_wait3A_207, %dma_wait3A_208] : memref<10000x64xbf16, #tpu.memory_space<hbm>> -> memref<10000x64xbf16, #tpu.memory_space<hbm>>
      tpu.wait_indirect_dma semaphore(%arg22 : memref<!tpu.dma_semaphore, #tpu.memory_space<semaphore_mem>>) src(%dma_wait3A_209 : memref<10000x64xbf16, #tpu.memory_space<hbm>>) dst(%arg14 : memref<128x64xbf16, #tpu.memory_space<vmem>>)
      %dma_start3A_210 = arith.constant 0 : i32
      %dma_start3A_211 = tpu.memref_slice %arg8[%add3A_196, %dma_start3A_210] : memref<80x128xi32, #tpu.memory_space<vmem>> -> memref<1x128xi32, #tpu.memory_space<vmem>>
      %dma_start3A_212 = tpu.memref_squeeze %dma_start3A_211 : memref<1x128xi32, #tpu.memory_space<vmem>> -> memref<128xi32, #tpu.memory_space<vmem>>
      %dma_start3A_213 = arith.constant 0 : i32
      %dma_start3A_214 = arith.constant 0 : i32
      %dma_start3A_215 = tpu.memref_slice %arg10[%dma_start3A_213, %dma_start3A_214] : memref<10240x64xbf16, #tpu.memory_space<vmem_shared>> -> memref<10240x64xbf16, #tpu.memory_space<vmem_shared>>
      tpu.enqueue_indirect_dma source(%arg14 : memref<128x64xbf16, #tpu.memory_space<vmem>>) target(%dma_start3A_215 : memref<10240x64xbf16, #tpu.memory_space<vmem_shared>>) offsets(%dma_start3A_212 : memref<128xi32, #tpu.memory_space<vmem>>) semaphore(%arg30 : memref<!tpu.dma_semaphore, #tpu.memory_space<semaphore_mem>>) {add = true}
      %add3A_216 = arith.constant 4 : i32
      %add3A_217 = arith.addi %add3A_132, %add3A_216 : i32
      %add3A_218 = arith.constant 6 : i32
      %add3A_219 = arith.addi %add3A_217, %add3A_218 : i32
      %lt3A_220 = arith.constant 80 : i32
      %lt3A_221 = arith.cmpi slt, %add3A_219, %lt3A_220 : i32
      %convert_element_type3A_222 = arith.extui %lt3A_221 : i1 to i32
      %cond3A_223 = arith.constant 0 : i32
      %cond3A_224 = arith.cmpi ne, %convert_element_type3A_222, %cond3A_223 : i32
      scf.if %cond3A_224 {
        %add3A_300 = arith.constant 6 : i32
        %add3A_301 = arith.addi %add3A_217, %add3A_300 : i32
        %ge3A = arith.constant 8 : i32
        %ge3A_302 = arith.cmpi sge, %add3A_301, %ge3A : i32
        %convert_element_type3A_303 = arith.extui %ge3A_302 : i1 to i32
        %cond3A_304 = arith.constant 0 : i32
        %cond3A_305 = arith.cmpi ne, %convert_element_type3A_303, %cond3A_304 : i32
        scf.if %cond3A_305 {
          %add3A_314 = arith.constant 6 : i32
          %add3A_315 = arith.addi %add3A_217, %add3A_314 : i32
          %sub3A = arith.constant 8 : i32
          %sub3A_316 = arith.subi %add3A_315, %sub3A : i32
          %dma_wait3A_317 = arith.constant 0 : i32
          %dma_wait3A_318 = tpu.memref_slice %arg8[%sub3A_316, %dma_wait3A_317] : memref<80x128xi32, #tpu.memory_space<vmem>> -> memref<1x128xi32, #tpu.memory_space<vmem>>
          %dma_wait3A_319 = tpu.memref_squeeze %dma_wait3A_318 : memref<1x128xi32, #tpu.memory_space<vmem>> -> memref<128xi32, #tpu.memory_space<vmem>>
          %dma_wait3A_320 = arith.constant 0 : i32
          %dma_wait3A_321 = arith.constant 0 : i32
          %dma_wait3A_322 = tpu.memref_slice %arg10[%dma_wait3A_320, %dma_wait3A_321] : memref<10240x64xbf16, #tpu.memory_space<vmem_shared>> -> memref<10240x64xbf16, #tpu.memory_space<vmem_shared>>
          tpu.wait_indirect_dma semaphore(%arg29 : memref<!tpu.dma_semaphore, #tpu.memory_space<semaphore_mem>>) src(%arg13 : memref<128x64xbf16, #tpu.memory_space<vmem>>) dst(%dma_wait3A_322 : memref<10240x64xbf16, #tpu.memory_space<vmem_shared>>)
        } else {
        }
        %add3A_306 = arith.constant 6 : i32
        %add3A_307 = arith.addi %add3A_217, %add3A_306 : i32
        %dma_start3A_308 = arith.constant 0 : i32
        %dma_start3A_309 = tpu.memref_slice %arg7[%add3A_307, %dma_start3A_308] : memref<80x128xi32, #tpu.memory_space<vmem>> -> memref<1x128xi32, #tpu.memory_space<vmem>>
        %dma_start3A_310 = tpu.memref_squeeze %dma_start3A_309 : memref<1x128xi32, #tpu.memory_space<vmem>> -> memref<128xi32, #tpu.memory_space<vmem>>
        %dma_start3A_311 = arith.constant 0 : i32
        %dma_start3A_312 = arith.constant 0 : i32
        %dma_start3A_313 = tpu.memref_slice %arg2[%dma_start3A_311, %dma_start3A_312] : memref<10000x64xbf16, #tpu.memory_space<hbm>> -> memref<10000x64xbf16, #tpu.memory_space<hbm>>
        tpu.enqueue_indirect_dma source(%dma_start3A_313 : memref<10000x64xbf16, #tpu.memory_space<hbm>>) target(%arg13 : memref<128x64xbf16, #tpu.memory_space<vmem>>) offsets(%dma_start3A_310 : memref<128xi32, #tpu.memory_space<vmem>>) semaphore(%arg21 : memref<!tpu.dma_semaphore, #tpu.memory_space<semaphore_mem>>)
      } else {
      }
      %dma_wait3A_225 = arith.constant 0 : i32
      %dma_wait3A_226 = tpu.memref_slice %arg7[%add3A_217, %dma_wait3A_225] : memref<80x128xi32, #tpu.memory_space<vmem>> -> memref<1x128xi32, #tpu.memory_space<vmem>>
      %dma_wait3A_227 = tpu.memref_squeeze %dma_wait3A_226 : memref<1x128xi32, #tpu.memory_space<vmem>> -> memref<128xi32, #tpu.memory_space<vmem>>
      %dma_wait3A_228 = arith.constant 0 : i32
      %dma_wait3A_229 = arith.constant 0 : i32
      %dma_wait3A_230 = tpu.memref_slice %arg2[%dma_wait3A_228, %dma_wait3A_229] : memref<10000x64xbf16, #tpu.memory_space<hbm>> -> memref<10000x64xbf16, #tpu.memory_space<hbm>>
      tpu.wait_indirect_dma semaphore(%arg23 : memref<!tpu.dma_semaphore, #tpu.memory_space<semaphore_mem>>) src(%dma_wait3A_230 : memref<10000x64xbf16, #tpu.memory_space<hbm>>) dst(%arg15 : memref<128x64xbf16, #tpu.memory_space<vmem>>)
      %dma_start3A_231 = arith.constant 0 : i32
      %dma_start3A_232 = tpu.memref_slice %arg8[%add3A_217, %dma_start3A_231] : memref<80x128xi32, #tpu.memory_space<vmem>> -> memref<1x128xi32, #tpu.memory_space<vmem>>
      %dma_start3A_233 = tpu.memref_squeeze %dma_start3A_232 : memref<1x128xi32, #tpu.memory_space<vmem>> -> memref<128xi32, #tpu.memory_space<vmem>>
      %dma_start3A_234 = arith.constant 0 : i32
      %dma_start3A_235 = arith.constant 0 : i32
      %dma_start3A_236 = tpu.memref_slice %arg10[%dma_start3A_234, %dma_start3A_235] : memref<10240x64xbf16, #tpu.memory_space<vmem_shared>> -> memref<10240x64xbf16, #tpu.memory_space<vmem_shared>>
      tpu.enqueue_indirect_dma source(%arg15 : memref<128x64xbf16, #tpu.memory_space<vmem>>) target(%dma_start3A_236 : memref<10240x64xbf16, #tpu.memory_space<vmem_shared>>) offsets(%dma_start3A_233 : memref<128xi32, #tpu.memory_space<vmem>>) semaphore(%arg31 : memref<!tpu.dma_semaphore, #tpu.memory_space<semaphore_mem>>) {add = true}
      %add3A_237 = arith.constant 5 : i32
      %add3A_238 = arith.addi %add3A_132, %add3A_237 : i32
      %add3A_239 = arith.constant 6 : i32
      %add3A_240 = arith.addi %add3A_238, %add3A_239 : i32
      %lt3A_241 = arith.constant 80 : i32
      %lt3A_242 = arith.cmpi slt, %add3A_240, %lt3A_241 : i32
      %convert_element_type3A_243 = arith.extui %lt3A_242 : i1 to i32
      %cond3A_244 = arith.constant 0 : i32
      %cond3A_245 = arith.cmpi ne, %convert_element_type3A_243, %cond3A_244 : i32
      scf.if %cond3A_245 {
        %add3A_300 = arith.constant 6 : i32
        %add3A_301 = arith.addi %add3A_238, %add3A_300 : i32
        %ge3A = arith.constant 8 : i32
        %ge3A_302 = arith.cmpi sge, %add3A_301, %ge3A : i32
        %convert_element_type3A_303 = arith.extui %ge3A_302 : i1 to i32
        %cond3A_304 = arith.constant 0 : i32
        %cond3A_305 = arith.cmpi ne, %convert_element_type3A_303, %cond3A_304 : i32
        scf.if %cond3A_305 {
          %add3A_314 = arith.constant 6 : i32
          %add3A_315 = arith.addi %add3A_238, %add3A_314 : i32
          %sub3A = arith.constant 8 : i32
          %sub3A_316 = arith.subi %add3A_315, %sub3A : i32
          %dma_wait3A_317 = arith.constant 0 : i32
          %dma_wait3A_318 = tpu.memref_slice %arg8[%sub3A_316, %dma_wait3A_317] : memref<80x128xi32, #tpu.memory_space<vmem>> -> memref<1x128xi32, #tpu.memory_space<vmem>>
          %dma_wait3A_319 = tpu.memref_squeeze %dma_wait3A_318 : memref<1x128xi32, #tpu.memory_space<vmem>> -> memref<128xi32, #tpu.memory_space<vmem>>
          %dma_wait3A_320 = arith.constant 0 : i32
          %dma_wait3A_321 = arith.constant 0 : i32
          %dma_wait3A_322 = tpu.memref_slice %arg10[%dma_wait3A_320, %dma_wait3A_321] : memref<10240x64xbf16, #tpu.memory_space<vmem_shared>> -> memref<10240x64xbf16, #tpu.memory_space<vmem_shared>>
          tpu.wait_indirect_dma semaphore(%arg30 : memref<!tpu.dma_semaphore, #tpu.memory_space<semaphore_mem>>) src(%arg14 : memref<128x64xbf16, #tpu.memory_space<vmem>>) dst(%dma_wait3A_322 : memref<10240x64xbf16, #tpu.memory_space<vmem_shared>>)
        } else {
        }
        %add3A_306 = arith.constant 6 : i32
        %add3A_307 = arith.addi %add3A_238, %add3A_306 : i32
        %dma_start3A_308 = arith.constant 0 : i32
        %dma_start3A_309 = tpu.memref_slice %arg7[%add3A_307, %dma_start3A_308] : memref<80x128xi32, #tpu.memory_space<vmem>> -> memref<1x128xi32, #tpu.memory_space<vmem>>
        %dma_start3A_310 = tpu.memref_squeeze %dma_start3A_309 : memref<1x128xi32, #tpu.memory_space<vmem>> -> memref<128xi32, #tpu.memory_space<vmem>>
        %dma_start3A_311 = arith.constant 0 : i32
        %dma_start3A_312 = arith.constant 0 : i32
        %dma_start3A_313 = tpu.memref_slice %arg2[%dma_start3A_311, %dma_start3A_312] : memref<10000x64xbf16, #tpu.memory_space<hbm>> -> memref<10000x64xbf16, #tpu.memory_space<hbm>>
        tpu.enqueue_indirect_dma source(%dma_start3A_313 : memref<10000x64xbf16, #tpu.memory_space<hbm>>) target(%arg14 : memref<128x64xbf16, #tpu.memory_space<vmem>>) offsets(%dma_start3A_310 : memref<128xi32, #tpu.memory_space<vmem>>) semaphore(%arg22 : memref<!tpu.dma_semaphore, #tpu.memory_space<semaphore_mem>>)
      } else {
      }
      %dma_wait3A_246 = arith.constant 0 : i32
      %dma_wait3A_247 = tpu.memref_slice %arg7[%add3A_238, %dma_wait3A_246] : memref<80x128xi32, #tpu.memory_space<vmem>> -> memref<1x128xi32, #tpu.memory_space<vmem>>
      %dma_wait3A_248 = tpu.memref_squeeze %dma_wait3A_247 : memref<1x128xi32, #tpu.memory_space<vmem>> -> memref<128xi32, #tpu.memory_space<vmem>>
      %dma_wait3A_249 = arith.constant 0 : i32
      %dma_wait3A_250 = arith.constant 0 : i32
      %dma_wait3A_251 = tpu.memref_slice %arg2[%dma_wait3A_249, %dma_wait3A_250] : memref<10000x64xbf16, #tpu.memory_space<hbm>> -> memref<10000x64xbf16, #tpu.memory_space<hbm>>
      tpu.wait_indirect_dma semaphore(%arg24 : memref<!tpu.dma_semaphore, #tpu.memory_space<semaphore_mem>>) src(%dma_wait3A_251 : memref<10000x64xbf16, #tpu.memory_space<hbm>>) dst(%arg16 : memref<128x64xbf16, #tpu.memory_space<vmem>>)
      %dma_start3A_252 = arith.constant 0 : i32
      %dma_start3A_253 = tpu.memref_slice %arg8[%add3A_238, %dma_start3A_252] : memref<80x128xi32, #tpu.memory_space<vmem>> -> memref<1x128xi32, #tpu.memory_space<vmem>>
      %dma_start3A_254 = tpu.memref_squeeze %dma_start3A_253 : memref<1x128xi32, #tpu.memory_space<vmem>> -> memref<128xi32, #tpu.memory_space<vmem>>
      %dma_start3A_255 = arith.constant 0 : i32
      %dma_start3A_256 = arith.constant 0 : i32
      %dma_start3A_257 = tpu.memref_slice %arg10[%dma_start3A_255, %dma_start3A_256] : memref<10240x64xbf16, #tpu.memory_space<vmem_shared>> -> memref<10240x64xbf16, #tpu.memory_space<vmem_shared>>
      tpu.enqueue_indirect_dma source(%arg16 : memref<128x64xbf16, #tpu.memory_space<vmem>>) target(%dma_start3A_257 : memref<10240x64xbf16, #tpu.memory_space<vmem_shared>>) offsets(%dma_start3A_254 : memref<128xi32, #tpu.memory_space<vmem>>) semaphore(%arg32 : memref<!tpu.dma_semaphore, #tpu.memory_space<semaphore_mem>>) {add = true}
      %add3A_258 = arith.constant 6 : i32
      %add3A_259 = arith.addi %add3A_132, %add3A_258 : i32
      %add3A_260 = arith.constant 6 : i32
      %add3A_261 = arith.addi %add3A_259, %add3A_260 : i32
      %lt3A_262 = arith.constant 80 : i32
      %lt3A_263 = arith.cmpi slt, %add3A_261, %lt3A_262 : i32
      %convert_element_type3A_264 = arith.extui %lt3A_263 : i1 to i32
      %cond3A_265 = arith.constant 0 : i32
      %cond3A_266 = arith.cmpi ne, %convert_element_type3A_264, %cond3A_265 : i32
      scf.if %cond3A_266 {
        %add3A_300 = arith.constant 6 : i32
        %add3A_301 = arith.addi %add3A_259, %add3A_300 : i32
        %ge3A = arith.constant 8 : i32
        %ge3A_302 = arith.cmpi sge, %add3A_301, %ge3A : i32
        %convert_element_type3A_303 = arith.extui %ge3A_302 : i1 to i32
        %cond3A_304 = arith.constant 0 : i32
        %cond3A_305 = arith.cmpi ne, %convert_element_type3A_303, %cond3A_304 : i32
        scf.if %cond3A_305 {
          %add3A_314 = arith.constant 6 : i32
          %add3A_315 = arith.addi %add3A_259, %add3A_314 : i32
          %sub3A = arith.constant 8 : i32
          %sub3A_316 = arith.subi %add3A_315, %sub3A : i32
          %dma_wait3A_317 = arith.constant 0 : i32
          %dma_wait3A_318 = tpu.memref_slice %arg8[%sub3A_316, %dma_wait3A_317] : memref<80x128xi32, #tpu.memory_space<vmem>> -> memref<1x128xi32, #tpu.memory_space<vmem>>
          %dma_wait3A_319 = tpu.memref_squeeze %dma_wait3A_318 : memref<1x128xi32, #tpu.memory_space<vmem>> -> memref<128xi32, #tpu.memory_space<vmem>>
          %dma_wait3A_320 = arith.constant 0 : i32
          %dma_wait3A_321 = arith.constant 0 : i32
          %dma_wait3A_322 = tpu.memref_slice %arg10[%dma_wait3A_320, %dma_wait3A_321] : memref<10240x64xbf16, #tpu.memory_space<vmem_shared>> -> memref<10240x64xbf16, #tpu.memory_space<vmem_shared>>
          tpu.wait_indirect_dma semaphore(%arg31 : memref<!tpu.dma_semaphore, #tpu.memory_space<semaphore_mem>>) src(%arg15 : memref<128x64xbf16, #tpu.memory_space<vmem>>) dst(%dma_wait3A_322 : memref<10240x64xbf16, #tpu.memory_space<vmem_shared>>)
        } else {
        }
        %add3A_306 = arith.constant 6 : i32
        %add3A_307 = arith.addi %add3A_259, %add3A_306 : i32
        %dma_start3A_308 = arith.constant 0 : i32
        %dma_start3A_309 = tpu.memref_slice %arg7[%add3A_307, %dma_start3A_308] : memref<80x128xi32, #tpu.memory_space<vmem>> -> memref<1x128xi32, #tpu.memory_space<vmem>>
        %dma_start3A_310 = tpu.memref_squeeze %dma_start3A_309 : memref<1x128xi32, #tpu.memory_space<vmem>> -> memref<128xi32, #tpu.memory_space<vmem>>
        %dma_start3A_311 = arith.constant 0 : i32
        %dma_start3A_312 = arith.constant 0 : i32
        %dma_start3A_313 = tpu.memref_slice %arg2[%dma_start3A_311, %dma_start3A_312] : memref<10000x64xbf16, #tpu.memory_space<hbm>> -> memref<10000x64xbf16, #tpu.memory_space<hbm>>
        tpu.enqueue_indirect_dma source(%dma_start3A_313 : memref<10000x64xbf16, #tpu.memory_space<hbm>>) target(%arg15 : memref<128x64xbf16, #tpu.memory_space<vmem>>) offsets(%dma_start3A_310 : memref<128xi32, #tpu.memory_space<vmem>>) semaphore(%arg23 : memref<!tpu.dma_semaphore, #tpu.memory_space<semaphore_mem>>)
      } else {
      }
      %dma_wait3A_267 = arith.constant 0 : i32
      %dma_wait3A_268 = tpu.memref_slice %arg7[%add3A_259, %dma_wait3A_267] : memref<80x128xi32, #tpu.memory_space<vmem>> -> memref<1x128xi32, #tpu.memory_space<vmem>>
      %dma_wait3A_269 = tpu.memref_squeeze %dma_wait3A_268 : memref<1x128xi32, #tpu.memory_space<vmem>> -> memref<128xi32, #tpu.memory_space<vmem>>
      %dma_wait3A_270 = arith.constant 0 : i32
      %dma_wait3A_271 = arith.constant 0 : i32
      %dma_wait3A_272 = tpu.memref_slice %arg2[%dma_wait3A_270, %dma_wait3A_271] : memref<10000x64xbf16, #tpu.memory_space<hbm>> -> memref<10000x64xbf16, #tpu.memory_space<hbm>>
      tpu.wait_indirect_dma semaphore(%arg25 : memref<!tpu.dma_semaphore, #tpu.memory_space<semaphore_mem>>) src(%dma_wait3A_272 : memref<10000x64xbf16, #tpu.memory_space<hbm>>) dst(%arg17 : memref<128x64xbf16, #tpu.memory_space<vmem>>)
      %dma_start3A_273 = arith.constant 0 : i32
      %dma_start3A_274 = tpu.memref_slice %arg8[%add3A_259, %dma_start3A_273] : memref<80x128xi32, #tpu.memory_space<vmem>> -> memref<1x128xi32, #tpu.memory_space<vmem>>
      %dma_start3A_275 = tpu.memref_squeeze %dma_start3A_274 : memref<1x128xi32, #tpu.memory_space<vmem>> -> memref<128xi32, #tpu.memory_space<vmem>>
      %dma_start3A_276 = arith.constant 0 : i32
      %dma_start3A_277 = arith.constant 0 : i32
      %dma_start3A_278 = tpu.memref_slice %arg10[%dma_start3A_276, %dma_start3A_277] : memref<10240x64xbf16, #tpu.memory_space<vmem_shared>> -> memref<10240x64xbf16, #tpu.memory_space<vmem_shared>>
      tpu.enqueue_indirect_dma source(%arg17 : memref<128x64xbf16, #tpu.memory_space<vmem>>) target(%dma_start3A_278 : memref<10240x64xbf16, #tpu.memory_space<vmem_shared>>) offsets(%dma_start3A_275 : memref<128xi32, #tpu.memory_space<vmem>>) semaphore(%arg33 : memref<!tpu.dma_semaphore, #tpu.memory_space<semaphore_mem>>) {add = true}
      %add3A_279 = arith.constant 7 : i32
      %add3A_280 = arith.addi %add3A_132, %add3A_279 : i32
      %add3A_281 = arith.constant 6 : i32
      %add3A_282 = arith.addi %add3A_280, %add3A_281 : i32
      %lt3A_283 = arith.constant 80 : i32
      %lt3A_284 = arith.cmpi slt, %add3A_282, %lt3A_283 : i32
      %convert_element_type3A_285 = arith.extui %lt3A_284 : i1 to i32
      %cond3A_286 = arith.constant 0 : i32
      %cond3A_287 = arith.cmpi ne, %convert_element_type3A_285, %cond3A_286 : i32
      scf.if %cond3A_287 {
        %add3A_300 = arith.constant 6 : i32
        %add3A_301 = arith.addi %add3A_280, %add3A_300 : i32
        %ge3A = arith.constant 8 : i32
        %ge3A_302 = arith.cmpi sge, %add3A_301, %ge3A : i32
        %convert_element_type3A_303 = arith.extui %ge3A_302 : i1 to i32
        %cond3A_304 = arith.constant 0 : i32
        %cond3A_305 = arith.cmpi ne, %convert_element_type3A_303, %cond3A_304 : i32
        scf.if %cond3A_305 {
          %add3A_314 = arith.constant 6 : i32
          %add3A_315 = arith.addi %add3A_280, %add3A_314 : i32
          %sub3A = arith.constant 8 : i32
          %sub3A_316 = arith.subi %add3A_315, %sub3A : i32
          %dma_wait3A_317 = arith.constant 0 : i32
          %dma_wait3A_318 = tpu.memref_slice %arg8[%sub3A_316, %dma_wait3A_317] : memref<80x128xi32, #tpu.memory_space<vmem>> -> memref<1x128xi32, #tpu.memory_space<vmem>>
          %dma_wait3A_319 = tpu.memref_squeeze %dma_wait3A_318 : memref<1x128xi32, #tpu.memory_space<vmem>> -> memref<128xi32, #tpu.memory_space<vmem>>
          %dma_wait3A_320 = arith.constant 0 : i32
          %dma_wait3A_321 = arith.constant 0 : i32
          %dma_wait3A_322 = tpu.memref_slice %arg10[%dma_wait3A_320, %dma_wait3A_321] : memref<10240x64xbf16, #tpu.memory_space<vmem_shared>> -> memref<10240x64xbf16, #tpu.memory_space<vmem_shared>>
          tpu.wait_indirect_dma semaphore(%arg32 : memref<!tpu.dma_semaphore, #tpu.memory_space<semaphore_mem>>) src(%arg16 : memref<128x64xbf16, #tpu.memory_space<vmem>>) dst(%dma_wait3A_322 : memref<10240x64xbf16, #tpu.memory_space<vmem_shared>>)
        } else {
        }
        %add3A_306 = arith.constant 6 : i32
        %add3A_307 = arith.addi %add3A_280, %add3A_306 : i32
        %dma_start3A_308 = arith.constant 0 : i32
        %dma_start3A_309 = tpu.memref_slice %arg7[%add3A_307, %dma_start3A_308] : memref<80x128xi32, #tpu.memory_space<vmem>> -> memref<1x128xi32, #tpu.memory_space<vmem>>
        %dma_start3A_310 = tpu.memref_squeeze %dma_start3A_309 : memref<1x128xi32, #tpu.memory_space<vmem>> -> memref<128xi32, #tpu.memory_space<vmem>>
        %dma_start3A_311 = arith.constant 0 : i32
        %dma_start3A_312 = arith.constant 0 : i32
        %dma_start3A_313 = tpu.memref_slice %arg2[%dma_start3A_311, %dma_start3A_312] : memref<10000x64xbf16, #tpu.memory_space<hbm>> -> memref<10000x64xbf16, #tpu.memory_space<hbm>>
        tpu.enqueue_indirect_dma source(%dma_start3A_313 : memref<10000x64xbf16, #tpu.memory_space<hbm>>) target(%arg16 : memref<128x64xbf16, #tpu.memory_space<vmem>>) offsets(%dma_start3A_310 : memref<128xi32, #tpu.memory_space<vmem>>) semaphore(%arg24 : memref<!tpu.dma_semaphore, #tpu.memory_space<semaphore_mem>>)
      } else {
      }
      %dma_wait3A_288 = arith.constant 0 : i32
      %dma_wait3A_289 = tpu.memref_slice %arg7[%add3A_280, %dma_wait3A_288] : memref<80x128xi32, #tpu.memory_space<vmem>> -> memref<1x128xi32, #tpu.memory_space<vmem>>
      %dma_wait3A_290 = tpu.memref_squeeze %dma_wait3A_289 : memref<1x128xi32, #tpu.memory_space<vmem>> -> memref<128xi32, #tpu.memory_space<vmem>>
      %dma_wait3A_291 = arith.constant 0 : i32
      %dma_wait3A_292 = arith.constant 0 : i32
      %dma_wait3A_293 = tpu.memref_slice %arg2[%dma_wait3A_291, %dma_wait3A_292] : memref<10000x64xbf16, #tpu.memory_space<hbm>> -> memref<10000x64xbf16, #tpu.memory_space<hbm>>
      tpu.wait_indirect_dma semaphore(%arg26 : memref<!tpu.dma_semaphore, #tpu.memory_space<semaphore_mem>>) src(%dma_wait3A_293 : memref<10000x64xbf16, #tpu.memory_space<hbm>>) dst(%arg18 : memref<128x64xbf16, #tpu.memory_space<vmem>>)
      %dma_start3A_294 = arith.constant 0 : i32
      %dma_start3A_295 = tpu.memref_slice %arg8[%add3A_280, %dma_start3A_294] : memref<80x128xi32, #tpu.memory_space<vmem>> -> memref<1x128xi32, #tpu.memory_space<vmem>>
      %dma_start3A_296 = tpu.memref_squeeze %dma_start3A_295 : memref<1x128xi32, #tpu.memory_space<vmem>> -> memref<128xi32, #tpu.memory_space<vmem>>
      %dma_start3A_297 = arith.constant 0 : i32
      %dma_start3A_298 = arith.constant 0 : i32
      %dma_start3A_299 = tpu.memref_slice %arg10[%dma_start3A_297, %dma_start3A_298] : memref<10240x64xbf16, #tpu.memory_space<vmem_shared>> -> memref<10240x64xbf16, #tpu.memory_space<vmem_shared>>
      tpu.enqueue_indirect_dma source(%arg18 : memref<128x64xbf16, #tpu.memory_space<vmem>>) target(%dma_start3A_299 : memref<10240x64xbf16, #tpu.memory_space<vmem_shared>>) offsets(%dma_start3A_296 : memref<128xi32, #tpu.memory_space<vmem>>) semaphore(%arg34 : memref<!tpu.dma_semaphore, #tpu.memory_space<semaphore_mem>>) {add = true}
    }
    %scan3A_67 = arith.constant 10 : i32
    %dma_wait3A = arith.constant 72 : i32
    %dma_wait3A_68 = arith.constant 0 : i32
    %dma_wait3A_69 = tpu.memref_slice %arg8[%dma_wait3A, %dma_wait3A_68] : memref<80x128xi32, #tpu.memory_space<vmem>> -> memref<1x128xi32, #tpu.memory_space<vmem>>
    %dma_wait3A_70 = tpu.memref_squeeze %dma_wait3A_69 : memref<1x128xi32, #tpu.memory_space<vmem>> -> memref<128xi32, #tpu.memory_space<vmem>>
    %dma_wait3A_71 = arith.constant 0 : i32
    %dma_wait3A_72 = arith.constant 0 : i32
    %dma_wait3A_73 = tpu.memref_slice %arg10[%dma_wait3A_71, %dma_wait3A_72] : memref<10240x64xbf16, #tpu.memory_space<vmem_shared>> -> memref<10240x64xbf16, #tpu.memory_space<vmem_shared>>
    tpu.wait_indirect_dma semaphore(%arg27 : memref<!tpu.dma_semaphore, #tpu.memory_space<semaphore_mem>>) src(%arg11 : memref<128x64xbf16, #tpu.memory_space<vmem>>) dst(%dma_wait3A_73 : memref<10240x64xbf16, #tpu.memory_space<vmem_shared>>)
    %dma_wait3A_74 = arith.constant 73 : i32
    %dma_wait3A_75 = arith.constant 0 : i32
    %dma_wait3A_76 = tpu.memref_slice %arg8[%dma_wait3A_74, %dma_wait3A_75] : memref<80x128xi32, #tpu.memory_space<vmem>> -> memref<1x128xi32, #tpu.memory_space<vmem>>
    %dma_wait3A_77 = tpu.memref_squeeze %dma_wait3A_76 : memref<1x128xi32, #tpu.memory_space<vmem>> -> memref<128xi32, #tpu.memory_space<vmem>>
    %dma_wait3A_78 = arith.constant 0 : i32
    %dma_wait3A_79 = arith.constant 0 : i32
    %dma_wait3A_80 = tpu.memref_slice %arg10[%dma_wait3A_78, %dma_wait3A_79] : memref<10240x64xbf16, #tpu.memory_space<vmem_shared>> -> memref<10240x64xbf16, #tpu.memory_space<vmem_shared>>
    tpu.wait_indirect_dma semaphore(%arg28 : memref<!tpu.dma_semaphore, #tpu.memory_space<semaphore_mem>>) src(%arg12 : memref<128x64xbf16, #tpu.memory_space<vmem>>) dst(%dma_wait3A_80 : memref<10240x64xbf16, #tpu.memory_space<vmem_shared>>)
    %dma_wait3A_81 = arith.constant 74 : i32
    %dma_wait3A_82 = arith.constant 0 : i32
    %dma_wait3A_83 = tpu.memref_slice %arg8[%dma_wait3A_81, %dma_wait3A_82] : memref<80x128xi32, #tpu.memory_space<vmem>> -> memref<1x128xi32, #tpu.memory_space<vmem>>
    %dma_wait3A_84 = tpu.memref_squeeze %dma_wait3A_83 : memref<1x128xi32, #tpu.memory_space<vmem>> -> memref<128xi32, #tpu.memory_space<vmem>>
    %dma_wait3A_85 = arith.constant 0 : i32
    %dma_wait3A_86 = arith.constant 0 : i32
    %dma_wait3A_87 = tpu.memref_slice %arg10[%dma_wait3A_85, %dma_wait3A_86] : memref<10240x64xbf16, #tpu.memory_space<vmem_shared>> -> memref<10240x64xbf16, #tpu.memory_space<vmem_shared>>
    tpu.wait_indirect_dma semaphore(%arg29 : memref<!tpu.dma_semaphore, #tpu.memory_space<semaphore_mem>>) src(%arg13 : memref<128x64xbf16, #tpu.memory_space<vmem>>) dst(%dma_wait3A_87 : memref<10240x64xbf16, #tpu.memory_space<vmem_shared>>)
    %dma_wait3A_88 = arith.constant 75 : i32
    %dma_wait3A_89 = arith.constant 0 : i32
    %dma_wait3A_90 = tpu.memref_slice %arg8[%dma_wait3A_88, %dma_wait3A_89] : memref<80x128xi32, #tpu.memory_space<vmem>> -> memref<1x128xi32, #tpu.memory_space<vmem>>
    %dma_wait3A_91 = tpu.memref_squeeze %dma_wait3A_90 : memref<1x128xi32, #tpu.memory_space<vmem>> -> memref<128xi32, #tpu.memory_space<vmem>>
    %dma_wait3A_92 = arith.constant 0 : i32
    %dma_wait3A_93 = arith.constant 0 : i32
    %dma_wait3A_94 = tpu.memref_slice %arg10[%dma_wait3A_92, %dma_wait3A_93] : memref<10240x64xbf16, #tpu.memory_space<vmem_shared>> -> memref<10240x64xbf16, #tpu.memory_space<vmem_shared>>
    tpu.wait_indirect_dma semaphore(%arg30 : memref<!tpu.dma_semaphore, #tpu.memory_space<semaphore_mem>>) src(%arg14 : memref<128x64xbf16, #tpu.memory_space<vmem>>) dst(%dma_wait3A_94 : memref<10240x64xbf16, #tpu.memory_space<vmem_shared>>)
    %dma_wait3A_95 = arith.constant 76 : i32
    %dma_wait3A_96 = arith.constant 0 : i32
    %dma_wait3A_97 = tpu.memref_slice %arg8[%dma_wait3A_95, %dma_wait3A_96] : memref<80x128xi32, #tpu.memory_space<vmem>> -> memref<1x128xi32, #tpu.memory_space<vmem>>
    %dma_wait3A_98 = tpu.memref_squeeze %dma_wait3A_97 : memref<1x128xi32, #tpu.memory_space<vmem>> -> memref<128xi32, #tpu.memory_space<vmem>>
    %dma_wait3A_99 = arith.constant 0 : i32
    %dma_wait3A_100 = arith.constant 0 : i32
    %dma_wait3A_101 = tpu.memref_slice %arg10[%dma_wait3A_99, %dma_wait3A_100] : memref<10240x64xbf16, #tpu.memory_space<vmem_shared>> -> memref<10240x64xbf16, #tpu.memory_space<vmem_shared>>
    tpu.wait_indirect_dma semaphore(%arg31 : memref<!tpu.dma_semaphore, #tpu.memory_space<semaphore_mem>>) src(%arg15 : memref<128x64xbf16, #tpu.memory_space<vmem>>) dst(%dma_wait3A_101 : memref<10240x64xbf16, #tpu.memory_space<vmem_shared>>)
    %dma_wait3A_102 = arith.constant 77 : i32
    %dma_wait3A_103 = arith.constant 0 : i32
    %dma_wait3A_104 = tpu.memref_slice %arg8[%dma_wait3A_102, %dma_wait3A_103] : memref<80x128xi32, #tpu.memory_space<vmem>> -> memref<1x128xi32, #tpu.memory_space<vmem>>
    %dma_wait3A_105 = tpu.memref_squeeze %dma_wait3A_104 : memref<1x128xi32, #tpu.memory_space<vmem>> -> memref<128xi32, #tpu.memory_space<vmem>>
    %dma_wait3A_106 = arith.constant 0 : i32
    %dma_wait3A_107 = arith.constant 0 : i32
    %dma_wait3A_108 = tpu.memref_slice %arg10[%dma_wait3A_106, %dma_wait3A_107] : memref<10240x64xbf16, #tpu.memory_space<vmem_shared>> -> memref<10240x64xbf16, #tpu.memory_space<vmem_shared>>
    tpu.wait_indirect_dma semaphore(%arg32 : memref<!tpu.dma_semaphore, #tpu.memory_space<semaphore_mem>>) src(%arg16 : memref<128x64xbf16, #tpu.memory_space<vmem>>) dst(%dma_wait3A_108 : memref<10240x64xbf16, #tpu.memory_space<vmem_shared>>)
    %dma_wait3A_109 = arith.constant 78 : i32
    %dma_wait3A_110 = arith.constant 0 : i32
    %dma_wait3A_111 = tpu.memref_slice %arg8[%dma_wait3A_109, %dma_wait3A_110] : memref<80x128xi32, #tpu.memory_space<vmem>> -> memref<1x128xi32, #tpu.memory_space<vmem>>
    %dma_wait3A_112 = tpu.memref_squeeze %dma_wait3A_111 : memref<1x128xi32, #tpu.memory_space<vmem>> -> memref<128xi32, #tpu.memory_space<vmem>>
    %dma_wait3A_113 = arith.constant 0 : i32
    %dma_wait3A_114 = arith.constant 0 : i32
    %dma_wait3A_115 = tpu.memref_slice %arg10[%dma_wait3A_113, %dma_wait3A_114] : memref<10240x64xbf16, #tpu.memory_space<vmem_shared>> -> memref<10240x64xbf16, #tpu.memory_space<vmem_shared>>
    tpu.wait_indirect_dma semaphore(%arg33 : memref<!tpu.dma_semaphore, #tpu.memory_space<semaphore_mem>>) src(%arg17 : memref<128x64xbf16, #tpu.memory_space<vmem>>) dst(%dma_wait3A_115 : memref<10240x64xbf16, #tpu.memory_space<vmem_shared>>)
    %dma_wait3A_116 = arith.constant 79 : i32
    %dma_wait3A_117 = arith.constant 0 : i32
    %dma_wait3A_118 = tpu.memref_slice %arg8[%dma_wait3A_116, %dma_wait3A_117] : memref<80x128xi32, #tpu.memory_space<vmem>> -> memref<1x128xi32, #tpu.memory_space<vmem>>
    %dma_wait3A_119 = tpu.memref_squeeze %dma_wait3A_118 : memref<1x128xi32, #tpu.memory_space<vmem>> -> memref<128xi32, #tpu.memory_space<vmem>>
    %dma_wait3A_120 = arith.constant 0 : i32
    %dma_wait3A_121 = arith.constant 0 : i32
    %dma_wait3A_122 = tpu.memref_slice %arg10[%dma_wait3A_120, %dma_wait3A_121] : memref<10240x64xbf16, #tpu.memory_space<vmem_shared>> -> memref<10240x64xbf16, #tpu.memory_space<vmem_shared>>
    tpu.wait_indirect_dma semaphore(%arg34 : memref<!tpu.dma_semaphore, #tpu.memory_space<semaphore_mem>>) src(%arg18 : memref<128x64xbf16, #tpu.memory_space<vmem>>) dst(%dma_wait3A_122 : memref<10240x64xbf16, #tpu.memory_space<vmem_shared>>)
    %barrier3A_123 = arith.constant 0 : index
    tpu.barrier barrier_id(%barrier3A_123)
    %mul3A_124 = arith.constant 624 : i32
    %mul3A_125 = arith.muli %arg1, %mul3A_124 : i32
    "tpu.region"() ({
      %run_scoped3A = tpu.sem_alloc : memref<!tpu.dma_semaphore, #tpu.memory_space<semaphore_mem>>
      %dma_start3A_128 = arith.constant 0 : i32
      %dma_start3A_129 = arith.constant 0 : i32
      %dma_start3A_130 = tpu.memref_slice %arg6[%arg0, %dma_start3A_128, %dma_start3A_129] : memref<2x10000x64xbf16, #tpu.memory_space<hbm>> -> memref<1x10000x64xbf16, #tpu.memory_space<hbm>>
      %dma_start3A_131 = tpu.memref_squeeze %dma_start3A_130 : memref<1x10000x64xbf16, #tpu.memory_space<hbm>> -> memref<10000x64xbf16, #tpu.memory_space<hbm>>
      %dma_start3A_132 = arith.constant 0 : i32
      %dma_start3A_133 = tpu.memref_slice %dma_start3A_131[%mul3A_125, %dma_start3A_132] : memref<10000x64xbf16, #tpu.memory_space<hbm>> -> memref<624x64xbf16, #tpu.memory_space<hbm>>
      %dma_start3A_134 = arith.constant 0 : i32
      %dma_start3A_135 = tpu.memref_slice %arg10[%mul3A_125, %dma_start3A_134] : memref<10240x64xbf16, #tpu.memory_space<vmem_shared>> -> memref<624x64xbf16, #tpu.memory_space<vmem_shared>>
      tpu.enqueue_dma source(%dma_start3A_135 : memref<624x64xbf16, #tpu.memory_space<vmem_shared>>) target(%dma_start3A_133 : memref<624x64xbf16, #tpu.memory_space<hbm>>) target_semaphore(%run_scoped3A : memref<!tpu.dma_semaphore, #tpu.memory_space<semaphore_mem>>)
      %dma_wait3A_136 = arith.constant 0 : i32
      %dma_wait3A_137 = arith.constant 0 : i32
      %dma_wait3A_138 = tpu.memref_slice %arg6[%arg0, %dma_wait3A_136, %dma_wait3A_137] : memref<2x10000x64xbf16, #tpu.memory_space<hbm>> -> memref<1x10000x64xbf16, #tpu.memory_space<hbm>>
      %dma_wait3A_139 = tpu.memref_squeeze %dma_wait3A_138 : memref<1x10000x64xbf16, #tpu.memory_space<hbm>> -> memref<10000x64xbf16, #tpu.memory_space<hbm>>
      %dma_wait3A_140 = arith.constant 0 : i32
      %dma_wait3A_141 = tpu.memref_slice %dma_wait3A_139[%mul3A_125, %dma_wait3A_140] : memref<10000x64xbf16, #tpu.memory_space<hbm>> -> memref<624x64xbf16, #tpu.memory_space<hbm>>
      %dma_wait3A_142 = arith.constant 0 : i32
      %dma_wait3A_143 = tpu.memref_slice %arg10[%mul3A_125, %dma_wait3A_142] : memref<10240x64xbf16, #tpu.memory_space<vmem_shared>> -> memref<624x64xbf16, #tpu.memory_space<vmem_shared>>
      tpu.wait_dma2 semaphore(%run_scoped3A : memref<!tpu.dma_semaphore, #tpu.memory_space<semaphore_mem>>) src(%dma_wait3A_143 : memref<624x64xbf16, #tpu.memory_space<vmem_shared>>) dst(%dma_wait3A_141 : memref<624x64xbf16, #tpu.memory_space<hbm>>)
      tpu.yield
    }) : () -> ()
    %eq3A = arith.constant 15 : i32
    %eq3A_126 = arith.cmpi eq, %arg1, %eq3A : i32
    %convert_element_type3A = arith.extui %eq3A_126 : i1 to i32
    %cond3A = arith.constant 0 : i32
    %cond3A_127 = arith.cmpi ne, %convert_element_type3A, %cond3A : i32
    scf.if %cond3A_127 {
      "tpu.region"() ({
        %run_scoped3A = tpu.sem_alloc : memref<!tpu.dma_semaphore, #tpu.memory_space<semaphore_mem>>
        %dma_start3A_128 = arith.constant 0 : i32
        %dma_start3A_129 = arith.constant 0 : i32
        %dma_start3A_130 = tpu.memref_slice %arg6[%arg0, %dma_start3A_128, %dma_start3A_129] : memref<2x10000x64xbf16, #tpu.memory_space<hbm>> -> memref<1x10000x64xbf16, #tpu.memory_space<hbm>>
        %dma_start3A_131 = tpu.memref_squeeze %dma_start3A_130 : memref<1x10000x64xbf16, #tpu.memory_space<hbm>> -> memref<10000x64xbf16, #tpu.memory_space<hbm>>
        %dma_start3A_132 = arith.constant 9984 : i32
        %dma_start3A_133 = arith.constant 0 : i32
        %dma_start3A_134 = tpu.memref_slice %dma_start3A_131[%dma_start3A_132, %dma_start3A_133] : memref<10000x64xbf16, #tpu.memory_space<hbm>> -> memref<16x64xbf16, #tpu.memory_space<hbm>>
        %dma_start3A_135 = arith.constant 9984 : i32
        %dma_start3A_136 = arith.constant 0 : i32
        %dma_start3A_137 = tpu.memref_slice %arg10[%dma_start3A_135, %dma_start3A_136] : memref<10240x64xbf16, #tpu.memory_space<vmem_shared>> -> memref<16x64xbf16, #tpu.memory_space<vmem_shared>>
        tpu.enqueue_dma source(%dma_start3A_137 : memref<16x64xbf16, #tpu.memory_space<vmem_shared>>) target(%dma_start3A_134 : memref<16x64xbf16, #tpu.memory_space<hbm>>) target_semaphore(%run_scoped3A : memref<!tpu.dma_semaphore, #tpu.memory_space<semaphore_mem>>)
        %dma_wait3A_138 = arith.constant 0 : i32
        %dma_wait3A_139 = arith.constant 0 : i32
        %dma_wait3A_140 = tpu.memref_slice %arg6[%arg0, %dma_wait3A_138, %dma_wait3A_139] : memref<2x10000x64xbf16, #tpu.memory_space<hbm>> -> memref<1x10000x64xbf16, #tpu.memory_space<hbm>>
        %dma_wait3A_141 = tpu.memref_squeeze %dma_wait3A_140 : memref<1x10000x64xbf16, #tpu.memory_space<hbm>> -> memref<10000x64xbf16, #tpu.memory_space<hbm>>
        %dma_wait3A_142 = arith.constant 9984 : i32
        %dma_wait3A_143 = arith.constant 0 : i32
        %dma_wait3A_144 = tpu.memref_slice %dma_wait3A_141[%dma_wait3A_142, %dma_wait3A_143] : memref<10000x64xbf16, #tpu.memory_space<hbm>> -> memref<16x64xbf16, #tpu.memory_space<hbm>>
        %dma_wait3A_145 = arith.constant 9984 : i32
        %dma_wait3A_146 = arith.constant 0 : i32
        %dma_wait3A_147 = tpu.memref_slice %arg10[%dma_wait3A_145, %dma_wait3A_146] : memref<10240x64xbf16, #tpu.memory_space<vmem_shared>> -> memref<16x64xbf16, #tpu.memory_space<vmem_shared>>
        tpu.wait_dma2 semaphore(%run_scoped3A : memref<!tpu.dma_semaphore, #tpu.memory_space<semaphore_mem>>) src(%dma_wait3A_147 : memref<16x64xbf16, #tpu.memory_space<vmem_shared>>) dst(%dma_wait3A_144 : memref<16x64xbf16, #tpu.memory_space<hbm>>)
        tpu.yield
      }) : () -> ()
    } else {
    }
    return
  }
}

module attributes {stable_mosaic.version = 14 : i64} {
  func.func @_fused_body(%arg0: i32, %arg1: memref<2x1000x128xbf16, #tpu.memory_space<vmem>>, %arg2: memref<128x128xf32, #tpu.memory_space<vmem>>, %arg3: memref<1x128xf32, #tpu.memory_space<vmem>>, %arg4: memref<128x64xf32, #tpu.memory_space<vmem>>, %arg5: memref<1000x64xbf16, #tpu.memory_space<vmem>>) attributes {dimension_semantics = [#tpu.dimension_semantics<arbitrary>], iteration_bounds = array<i64: 10>, scalar_prefetch = 0 : i64, scratch_operands = 0 : i64, tpu.core_type = #tpu.core_type<tc>, window_params = [{transform_indices = @transform_0, window_bounds = array<i64: 2, 1000, 128>}, {pipeline_mode = #tpu.pipeline_mode<synchronous>, transform_indices = @transform_1, window_bounds = array<i64: 128, 128>}, {pipeline_mode = #tpu.pipeline_mode<synchronous>, transform_indices = @transform_2, window_bounds = array<i64: 1, 128>}, {pipeline_mode = #tpu.pipeline_mode<synchronous>, transform_indices = @transform_3, window_bounds = array<i64: 128, 64>}, {transform_indices = @transform_4, window_bounds = array<i64: 1000, 64>}]} {
    %get3A = arith.constant 0 : index
    %get3A_0 = arith.constant 0 : index
    %get3A_1 = arith.constant 0 : index
    %get3A_2 = vector.load %arg1[%get3A, %get3A_0, %get3A_1] : memref<2x1000x128xbf16, #tpu.memory_space<vmem>>, vector<1x1000x128xbf16>
    %get3A_3 = vector.shape_cast %get3A_2 : vector<1x1000x128xbf16> to vector<1000x128xbf16>
    %convert_element_type3A = arith.extf %get3A_3 : vector<1000x128xbf16> to vector<1000x128xf32>
    %get3A_4 = arith.constant 1 : index
    %get3A_5 = arith.constant 0 : index
    %get3A_6 = arith.constant 0 : index
    %get3A_7 = vector.load %arg1[%get3A_4, %get3A_5, %get3A_6] : memref<2x1000x128xbf16, #tpu.memory_space<vmem>>, vector<1x1000x128xbf16>
    %get3A_8 = vector.shape_cast %get3A_7 : vector<1x1000x128xbf16> to vector<1000x128xbf16>
    %convert_element_type3A_9 = arith.extf %get3A_8 : vector<1000x128xbf16> to vector<1000x128xf32>
    %add3A = arith.addf %convert_element_type3A, %convert_element_type3A_9 : vector<1000x128xf32>
    %get3A_10 = arith.constant 0 : index
    %get3A_11 = arith.constant 0 : index
    %get3A_12 = vector.load %arg2[%get3A_10, %get3A_11] : memref<128x128xf32, #tpu.memory_space<vmem>>, vector<128x128xf32>
    %dot_general3A = arith.constant dense<0.000000e+00> : vector<1000x128xf32>
    %dot_general3A_13 = tpu.matmul %add3A, %get3A_12, %dot_general3A {dimension_numbers = #tpu.dot_dimension_numbers<[1], [0], [0], [1], [0, 0, 1, 1], [], []>, transpose_lhs_hint = false} : vector<1000x128xf32>, vector<128x128xf32>, vector<1000x128xf32> -> vector<1000x128xf32>
    %get3A_14 = arith.constant 0 : index
    %get3A_15 = arith.constant 0 : index
    %get3A_16 = vector.load %arg3[%get3A_14, %get3A_15] : memref<1x128xf32, #tpu.memory_space<vmem>>, vector<1x128xf32>
    %add3A_17 = vector.broadcast %get3A_16 : vector<1x128xf32> to vector<1000x128xf32>
    %add3A_18 = arith.addf %dot_general3A_13, %add3A_17 : vector<1000x128xf32>
    %max3A = arith.constant 0.000000e+00 : f32
    %max3A_19 = vector.broadcast %max3A : f32 to vector<1000x128xf32>
    %max3A_20 = arith.maximumf %add3A_18, %max3A_19 : vector<1000x128xf32>
    %get3A_21 = arith.constant 0 : index
    %get3A_22 = arith.constant 0 : index
    %get3A_23 = vector.load %arg4[%get3A_21, %get3A_22] : memref<128x64xf32, #tpu.memory_space<vmem>>, vector<128x64xf32>
    %dot_general3A_24 = arith.constant dense<0.000000e+00> : vector<1000x64xf32>
    %dot_general3A_25 = tpu.matmul %max3A_20, %get3A_23, %dot_general3A_24 {dimension_numbers = #tpu.dot_dimension_numbers<[1], [0], [0], [1], [0, 0, 1, 1], [], []>, transpose_lhs_hint = false} : vector<1000x128xf32>, vector<128x64xf32>, vector<1000x64xf32> -> vector<1000x64xf32>
    %convert_element_type3A_26 = arith.truncf %dot_general3A_25 : vector<1000x64xf32> to vector<1000x64xbf16>
    %swap3A = arith.constant 0 : index
    %swap3A_27 = arith.constant 0 : index
    %swap3A_28 = vector.load %arg5[%swap3A, %swap3A_27] : memref<1000x64xbf16, #tpu.memory_space<vmem>>, vector<1000x64xbf16>
    tpu.vector_store %arg5[%swap3A, %swap3A_27], %convert_element_type3A_26 {strides = array<i32>} : memref<1000x64xbf16, #tpu.memory_space<vmem>>, vector<1000x64xbf16>,
    return
  }
  func.func @transform_0(%arg0: i32) -> (i32, i32, i32) {
    %c0_i32 = arith.constant 0 : i32
    %c0_i32_0 = arith.constant 0 : i32
    %c0_i32_1 = arith.constant 0 : i32
    return %c0_i32, %arg0, %c0_i32_0 : i32, i32, i32
  }
  func.func @transform_1(%arg0: i32) -> (i32, i32) {
    %c0_i32 = arith.constant 0 : i32
    %c0_i32_0 = arith.constant 0 : i32
    %c0_i32_1 = arith.constant 0 : i32
    return %c0_i32, %c0_i32_0 : i32, i32
  }
  func.func @transform_2(%arg0: i32) -> (i32, i32) {
    %c0_i32 = arith.constant 0 : i32
    %c0_i32_0 = arith.constant 0 : i32
    %c0_i32_1 = arith.constant 0 : i32
    return %c0_i32, %c0_i32_0 : i32, i32
  }
  func.func @transform_3(%arg0: i32) -> (i32, i32) {
    %c0_i32 = arith.constant 0 : i32
    %c0_i32_0 = arith.constant 0 : i32
    %c0_i32_1 = arith.constant 0 : i32
    return %c0_i32, %c0_i32_0 : i32, i32
  }
  func.func @transform_4(%arg0: i32) -> (i32, i32) {
    %c0_i32 = arith.constant 0 : i32
    %c0_i32_0 = arith.constant 0 : i32
    return %arg0, %c0_i32 : i32, i32
  }
}

module attributes {stable_mosaic.version = 14 : i64} {
  func.func @_final_body(%arg0: i32, %arg1: memref<2x1000x64xbf16, #tpu.memory_space<vmem>>, %arg2: memref<1x64xf32, #tpu.memory_space<vmem>>, %arg3: memref<1000x64xf32, #tpu.memory_space<vmem>>) attributes {dimension_semantics = [#tpu.dimension_semantics<arbitrary>], iteration_bounds = array<i64: 10>, scalar_prefetch = 0 : i64, scratch_operands = 0 : i64, tpu.core_type = #tpu.core_type<tc>, window_params = [{transform_indices = @transform_0, window_bounds = array<i64: 2, 1000, 64>}, {pipeline_mode = #tpu.pipeline_mode<synchronous>, transform_indices = @transform_1, window_bounds = array<i64: 1, 64>}, {transform_indices = @transform_2, window_bounds = array<i64: 1000, 64>}]} {
    %get3A = arith.constant 0 : index
    %get3A_0 = arith.constant 0 : index
    %get3A_1 = arith.constant 0 : index
    %get3A_2 = vector.load %arg1[%get3A, %get3A_0, %get3A_1] : memref<2x1000x64xbf16, #tpu.memory_space<vmem>>, vector<1x1000x64xbf16>
    %get3A_3 = vector.shape_cast %get3A_2 : vector<1x1000x64xbf16> to vector<1000x64xbf16>
    %convert_element_type3A = arith.extf %get3A_3 : vector<1000x64xbf16> to vector<1000x64xf32>
    %get3A_4 = arith.constant 1 : index
    %get3A_5 = arith.constant 0 : index
    %get3A_6 = arith.constant 0 : index
    %get3A_7 = vector.load %arg1[%get3A_4, %get3A_5, %get3A_6] : memref<2x1000x64xbf16, #tpu.memory_space<vmem>>, vector<1x1000x64xbf16>
    %get3A_8 = vector.shape_cast %get3A_7 : vector<1x1000x64xbf16> to vector<1000x64xbf16>
    %convert_element_type3A_9 = arith.extf %get3A_8 : vector<1000x64xbf16> to vector<1000x64xf32>
    %add3A = arith.addf %convert_element_type3A, %convert_element_type3A_9 : vector<1000x64xf32>
    %get3A_10 = arith.constant 0 : index
    %get3A_11 = arith.constant 0 : index
    %get3A_12 = vector.load %arg2[%get3A_10, %get3A_11] : memref<1x64xf32, #tpu.memory_space<vmem>>, vector<1x64xf32>
    %add3A_13 = vector.broadcast %get3A_12 : vector<1x64xf32> to vector<1000x64xf32>
    %add3A_14 = arith.addf %add3A, %add3A_13 : vector<1000x64xf32>
    %mul3A = arith.mulf %add3A_14, %add3A_14 : vector<1000x64xf32>
    %reduce_sum3A = arith.constant dense<0.000000e+00> : vector<1000xf32>
    %reduce_sum3A_15 = vector.multi_reduction <add>, %mul3A, %reduce_sum3A [1] : vector<1000x64xf32> to vector<1000xf32>
    %broadcast_in_dim3A = vector.shape_cast %reduce_sum3A_15 : vector<1000xf32> to vector<1000x1xf32>
    %sqrt3A = math.sqrt %broadcast_in_dim3A : vector<1000x1xf32>
    %max3A = arith.constant 9.99999996E-13 : f32
    %max3A_16 = vector.broadcast %max3A : f32 to vector<1000x1xf32>
    %max3A_17 = arith.maximumf %sqrt3A, %max3A_16 : vector<1000x1xf32>
    %div3A = vector.broadcast %max3A_17 : vector<1000x1xf32> to vector<1000x64xf32>
    %div3A_18 = arith.divf %add3A_14, %div3A : vector<1000x64xf32>
    %swap3A = arith.constant 0 : index
    %swap3A_19 = arith.constant 0 : index
    %swap3A_20 = vector.load %arg3[%swap3A, %swap3A_19] : memref<1000x64xf32, #tpu.memory_space<vmem>>, vector<1000x64xf32>
    tpu.vector_store %arg3[%swap3A, %swap3A_19], %div3A_18 {strides = array<i32>} : memref<1000x64xf32, #tpu.memory_space<vmem>>, vector<1000x64xf32>,
    return
  }
  func.func @transform_0(%arg0: i32) -> (i32, i32, i32) {
    %c0_i32 = arith.constant 0 : i32
    %c0_i32_0 = arith.constant 0 : i32
    %c0_i32_1 = arith.constant 0 : i32
    return %c0_i32, %arg0, %c0_i32_0 : i32, i32, i32
  }
  func.func @transform_1(%arg0: i32) -> (i32, i32) {
    %c0_i32 = arith.constant 0 : i32
    %c0_i32_0 = arith.constant 0 : i32
    %c0_i32_1 = arith.constant 0 : i32
    return %c0_i32, %c0_i32_0 : i32, i32
  }
  func.func @transform_2(%arg0: i32) -> (i32, i32) {
    %c0_i32 = arith.constant 0 : i32
    %c0_i32_0 = arith.constant 0 : i32
    return %arg0, %c0_i32 : i32, i32
  }
}

</mosaic_0001>

<sc_bundles>
// kernel: kernel.6.cloned.1.call-start
scs
__scs_entry_jumppad:
0x0: {  	(pc) =	sbr.rel $0x88, $3  }
0x1: {  	(tag) =	ssettag $0x0;
	lr =	simm.s32 $0x1  }
0x2: {  	[smem:$0x3F97] =	sst lr;
	_ =	strace $0xD0000000  }
0x3: {  	_ = 	snop  }
0x4: {  	_ = 	snop  }
0x5: {  	_ = 	snop  }
0x6: {  	_ = 	snop  }
0x7: {  	_ = 	snop  }
__scs_overlays_trampoline_lowered:
0x8: {  	[smem:$0x3FA6] =	sst s0  }
0x9: {  	[smem:$0x3FA7] =	sst s1  }
0xa: {  	[smem:$0x3FA8] =	sst s2  }
0xb: {  	[smem:$0x3FA9] =	sst s3  }
0xc: {  	[smem:$0x3FAA] =	sst s4  }
0xd: {  	[smem:$0x3FAB] =	sst s5  }
0xe: {  	[smem:$0x3FAC] =	sst s6  }
0xf: {  	[smem:$0x3FAD] =	sst s7  }
0x10: {  	[smem:$0x3FAE] =	sst s8  }
0x11: {  	[smem:$0x3FAF] =	sst s9;
	s0 =	simm.s32 @!p0 $0x0  }
0x12: {  	s1 =	sld [smem:$0x3F95];
	s0 =	simm.s32 @p0 $0x1  }
0x13: {  	[smem:$0x3FB0] =	sst s0;
	s0 =	simm.s32 @!p1 $0x0  }
0x14: {  	s2 =	sld [smem:$0x3F94];
	s0 =	simm.s32 @p1 $0x1  }
0x15: {  	[smem:$0x3FB1] =	sst s0;
	s0 =	simm.s32 @!p2 $0x0  }
0x16: {  	s3 =	sld [smem:$0x3FDB];
	s0 =	simm.s32 @p2 $0x1  }
0x17: {  	s4 =	simm.s32 $0x1BF5;
	[smem:$0x3FB3] =	sst s0  }
0x18: {  	s0 =	sld [smem:$0x3F96];
	_ =	swait.ge [sflag:s4], $0x0  }
0x19: {  	s7 =	sld [smem:$0x3F97]  }
0x1a: {  	s8 =	sadd.s32 $0xFFFFE003, lr  }
0x1b: {  	s9 =	sadd.s32 $0xFFFFFEF7, lr;
	s5 =	simm.s32 $0xFFFFFFFF;
	p2 =	slt.u32 s8, $0xFFFFF086  }
0x1c: {  	p1 =	slt.u32 s9, $0xF7A;
	s5 =	simm.s32 @!p2 $0x0  }
0x1d: {  	s5 =	simm.s32 @p1 $0x1;
	p0 =	seq.s32 s7, s2  }
0x1e: {  	s7 =	smul.u32 @!p0 $0xF7A, s2;
	p2 =	seq.s32 @!p0 s5, $0x0  }
0x1f: {  	s9 =	smul.u32 $0xF7A, s1;
	s8 =	simm.s32 @!p0 $0x1BF5;
	p2 =	por !p2, p0  }
0x20: {  	[sflag:s8] =	ssyncset.s32 @!p0 $0xFFFFF086;
	s6 =	sadd.s32 @!p0 s3, s7;
	s7 =	simm.s32 @!p0 $0x108  }
0x21: {  	s3 =	sadd.s32 s3, s9;
	s6 =	sadd.s32 @!p0 $0x88, s6;
	s7 =	simm.s32 @p2 $0x1082  }
0x22: {  	[simem:s7], [sflag:s8] =	dma.local @!p0 [hbm:s6], $0xF7A  }
0x23: {  	s9 =	sor.u32 $0xD0000000, s2;
	s6 =	simm.s32 $0x108;
	_ =	swait.ge @!p0 [sflag:s8], $0x0  }
0x24: {  	s3 =	sadd.s32 $0x88, s3;
	s6 =	simm.s32 @!p1 $0x1082;
	[sflag:s4] =	ssyncset.s32 $0xFFFFF086  }
0x25: {  	[simem:s6], [sflag:s4] =	dma.local [hbm:s3], $0xF7A  }
0x26: {  	[smem:$0x3F97] =	sst s1;
	(tag) =	ssettag s2;
	_ =	strace s9  }
0x27: {  	s1 =	sld [smem:$0x3FA7]  }
0x28: {  	s2 =	sld [smem:$0x3FA8]  }
0x29: {  	s4 =	sld [smem:$0x3FAA]  }
0x2a: {  	p0 =	seq.s32 s5, $0x0;
	s5 =	sld [smem:$0x3FAB]  }
0x2b: {  	s6 =	sld [smem:$0x3FAC]  }
0x2c: {  	s7 =	sld [smem:$0x3FAD]  }
0x2d: {  	s3 =	simm.s32 $0x108;
	s8 =	sld [smem:$0x3FAE]  }
0x2e: {  	s3 =	simm.s32 @!p0 $0x1082;
	s9 =	sld [smem:$0x3FAF]  }
0x2f: {  	lr =	sadd.s32 s0, s3;
	s0 =	sld [smem:$0x3FA6]  }
0x30: {  	s3 =	sld [smem:$0x3FA9]  }
0x31: {  	[smem:$0x3FB2] =	sst s10  }
0x32: {  	s10 =	sld [smem:$0x3FB0];
	_ =	sdelay $0x3  }
0x33: {  	p0 =	seq.s32 s10, $0x1;
	s10 =	sld [smem:$0x3FB2];
	_ =	sdelay $0x3  }
0x34: {  	[smem:$0x3FB2] =	sst s10  }
0x35: {  	s10 =	sld [smem:$0x3FB1];
	_ =	sdelay $0x3  }
0x36: {  	p1 =	seq.s32 s10, $0x1;
	s10 =	sld [smem:$0x3FB2];
	_ =	sdelay $0x3  }
0x37: {  	[smem:$0x3FB2] =	sst s10  }
0x38: {  	s10 =	sld [smem:$0x3FB3]  }
0x39: {  	_ = 	snop;
	(pc) =	sbr.ind lr, $3  }
0x3a: {  	_ = 	snop  }
0x3b: {  	_ = 	snop  }
0x3c: {  	p2 =	seq.s32 s10, $0x1;
	s10 =	sld [smem:$0x3FB2]  }
0x3d: {  	_ =	shalt  }
0x3e: {  	_ =	shalt  }
0x3f: {  	_ =	shalt  }
0x40: {  	_ =	shalt  }
0x41: {  	_ =	shalt  }
0x42: {  	_ =	shalt  }
0x43: {  	_ =	shalt  }
0x44: {  	_ =	shalt  }
0x45: {  	_ =	shalt  }
0x46: {  	_ =	shalt  }
0x47: {  	_ =	shalt  }
0x48: {  	_ =	shalt  }
0x49: {  	_ =	shalt  }
0x4a: {  	_ =	shalt  }
0x4b: {  	_ =	shalt  }
0x4c: {  	_ =	shalt  }
0x4d: {  	_ =	shalt  }
0x4e: {  	_ =	shalt  }
0x4f: {  	_ =	shalt  }
0x50: {  	_ =	shalt  }
0x51: {  	_ =	shalt  }
0x52: {  	_ =	shalt  }
0x53: {  	_ =	shalt  }
0x54: {  	_ =	shalt  }
0x55: {  	_ =	shalt  }
0x56: {  	_ =	shalt  }
0x57: {  	_ =	shalt  }
0x58: {  	_ =	shalt  }
0x59: {  	_ =	shalt  }
0x5a: {  	_ =	shalt  }
0x5b: {  	_ =	shalt  }
0x5c: {  	_ =	shalt  }
0x5d: {  	_ =	shalt  }
0x5e: {  	_ =	shalt  }
0x5f: {  	_ =	shalt  }
0x60: {  	_ =	shalt  }
0x61: {  	_ =	shalt  }
0x62: {  	_ =	shalt  }
0x63: {  	_ =	shalt  }
0x64: {  	_ =	shalt  }
0x65: {  	_ =	shalt  }
0x66: {  	_ =	shalt  }
0x67: {  	_ =	shalt  }
0x68: {  	_ =	shalt  }
0x69: {  	_ =	shalt  }
0x6a: {  	_ =	shalt  }
0x6b: {  	_ =	shalt  }
0x6c: {  	_ =	shalt  }
0x6d: {  	_ =	shalt  }
0x6e: {  	_ =	shalt  }
0x6f: {  	_ =	shalt  }
0x70: {  	_ =	shalt  }
0x71: {  	_ =	shalt  }
0x72: {  	_ =	shalt  }
0x73: {  	_ =	shalt  }
0x74: {  	_ =	shalt  }
0x75: {  	_ =	shalt  }
0x76: {  	_ =	shalt  }
0x77: {  	_ =	shalt  }
0x78: {  	_ =	shalt  }
0x79: {  	_ =	shalt  }
0x7a: {  	_ =	shalt  }
0x7b: {  	_ =	shalt  }
0x7c: {  	_ =	shalt  }
0x7d: {  	_ =	shalt  }
0x7e: {  	_ =	shalt  }
0x7f: {  	_ =	shalt  }
0x80: {  	_ =	shalt  }
0x81: {  	_ =	shalt  }
0x82: {  	_ =	shalt  }
0x83: {  	_ =	shalt  }
0x84: {  	_ =	shalt  }
0x85: {  	_ =	shalt  }
0x86: {  	_ =	shalt  }
0x87: {  	_ =	shalt  }
.Lfunc_end0:
.L_simem_size_0:
called_computation_lowered:
.L_overlay_start_0:
0x88: {  	s2 =	sld [smem:$0x3FD9]  }
0x89: {  	s3 =	sld [smem:$0x3FFE];
	_ =	sdelay $0x1  }
0x8a: {  	s1 =	srdreg.scid  }
0x8b: {  	s0 =	sand.u32 $0x1, s1  }
0x8c: {  	s17 =	sshll.u32 s0, $0xA;
	s2 =	sadd.s32 s3, s2  }
0x8d: {  	s2 =	sadd.s32 s2, s17  }
0x8e: {  	[smem:$0x3FBE] =	sst s2  }
0x8f: {  	_ = 	snop  }
0x90: {  	s2 =	sld [smem:$0x3FD0];
	(tm) =	ssettm $0x1  }
0x91: {  	s18 =	sld [smem:$0x3FFB];
	_ =	sdelay $0x3  }
0x92: {  	_ =	strace s18  }
0x93: {  	s3 =	sld [smem:$0x3FFC];
	_ =	sdelay $0x3  }
0x94: {  	_ =	strace s3  }
0x95: {  	s3 =	sld [smem:$0x3FFD];
	_ =	sdelay $0x3  }
0x96: {  	_ =	strace s3  }
0x97: {  	_ =	strace $0x8FFFFFFF  }
0x98: {  	s19 =	sld [smem:$0x3FDB];
	_ =	sdelay $0x1  }
0x99: {  	s4 =	simm.s32 $_scs_section_size  }
0x9a: {  	s5 =	simm.s32 $_size__tile_overlayer_lowered;
	s6 =	simm.s32 $_tile_overlayer_lowered  }
0x9b: {  	s22 =	simm.s32 $0x1BFF;
	s21 =	sshll.u32 s6, $0x1;
	s3 =	sadd.s32 s4, s19  }
0x9c: {  	s7 =	simm.s32 $0x0;
	s20 =	sshll.u32 s5, $0x1;
	s5 =	sadd.s32 s21, s3  }
0x9d: {  	[timem:s7], [sflag:s22] =	dma.local [hbm:s5], s20  }
0x9e: {  	_ =	swait.ge [sflag:s22], s20  }
0x9f: {  	s4 =	ssub.s32 $0x0, s20;
	[sflag:s22] =	ssyncset.done $0x0  }
0xa0: {  	[sflag:s22] =	ssyncadd.s32 s4;
	_ =	sdelay $0x1  }
0xa1: {  	s23 =	simm.s32 $0x1B8B  }
0xa2: {  	_ =	swait.ge [sflag:s23], $0x1  }
0xa3: {  	[sflag:s23] =	ssyncset.done $0x0  }
0xa4: {  	s25 =	simm.s32 $0x1B8E;
	s24 =	sld [smem:$0x3FFE];
	[sflag:s23] =	ssyncadd.s32 $0xFFFFFFFF  }
0xa5: {  	s26 =	simm.s32 $execute0_lowered;
	[smem:$0x3FD2] =	sst s25  }
0xa6: {  	s5 =	sshll.u32 s26, $0x1;
	_ =	strace $0x80000046;
	[dreg:$0x1] =	wrdreg $0xFFFFFFFF  }
0xa7: {  	s28 =	simm.s32 $_size_execute0_lowered;
	s3 =	sadd.s32 s3, s5;
	[dreg:$0x0] =	wrdreg $0x0  }
0xa8: {  	s5 =	sshll.u32 s28, $0x1;
	[dreg:$0x2] =	wrdreg s3  }
0xa9: {  	[dreg:$0x3] =	wrdreg s5  }
0xaa: {  	[dreg:$0x4] =	wrdreg $0xC0  }
0xab: {  	_ =	task [dreg:s7], $0x5FFFF  }
0xac: {  	[dreg:$0x1] =	wrdreg $0xFFFFFFFF  }
0xad: {  	[dreg:$0x0] =	wrdreg $0x60  }
0xae: {  	[dreg:$0x2] =	wrdreg s2  }
0xaf: {  	[dreg:$0x3] =	wrdreg s24  }
0xb0: {  	[dreg:$0x4] =	wrdreg $0x60000  }
0xb1: {  	[dreg:$0x5] =	wrdreg $0x9  }
0xb2: {  	_ =	task.clear_ibuf [dreg:s7], $0x6FFFF;
	_ =	strace $0x90000046  }
0xb3: {  	s29 =	simm.s32 $0x9;
	_ =	strace $0x80000048  }
0xb4: {  	_ =	swait.ge [sflag:s29], $0x1  }
0xb5: {  	[sflag:s29] =	ssyncadd.s32 $0xFFFFFFFF  }
0xb6: {  	_ =	strace $0x90000048  }
0xb7: {  	_ =	sfence  }
0xb8: {  	s30 =	sld [smem:$0x0];
	_ =	sdelay $0x2  }
0xb9: {  	s31 =	sshll.u32 s1, $0xD;
	s1 =	sshrl.u32 s1, $0x2  }
0xba: {  	s3 =	sand.u32 $0x4000, s31;
	s1 =	sadd.s32 s1, s30  }
0xbb: {  	s0 =	sor.u32 s3, s0;
	s1 =	sshll.u32 s1, $0x11  }
0xbc: {  	s0 =	sor.u32 s1, s0  }
0xbd: {  	s0 =	sadd.s32 $0x8F2B, s0  }
0xbe: {  	[sflag:s0] =	ssyncadd.remote.s32 $0x1  }
0xbf: {  	_ =	sfence.sel $0xFFFF  }
0xc0: {  	[dreg:$0x0] =	wrdreg $0xFFFFFFFF;
	(pc) =	sbr.abs _section_cstart, $3  }
0xc1: {  	[dreg:$0x1] =	wrdreg $0xFFFFFFFF  }
0xc2: {  	_ =	task.clear_ibuf [dreg:s7], $0x2FFFF;
	_ =	strace $0x9FFFFFFF  }
0xc3: {  	(tm) =	ssettm $0x7FFFFFFF  }
tec
execute0_lowered:
.L_overlay_start_1:
0x0: {  	(tag) =	ssettag $0x1  }
0x1: {  	s0 =	srdreg.scid;
	s1 =	rddreg [dreg:$0x0]  }
0x2: {  	s2 =	rddreg [dreg:$0x1];
	s8 =	stileid.u32  }
0x3: {  	s3 =	rddreg [dreg:$0x2];
	s7 =	simm.s32 $0x0;
	s25 =	simm.s32 $0x1C000  }
0x4: {  	s31 =	simm.s32 $0x1;
	s29 =	simm.s32 $0x10000;
	s30 =	simm.s32 $0x1A000  }
0x5: {  	s0 =	sand.u32 $0x1, s0;
	[smem:$0x7FF] =	sst s7;
	s6 =	smul.u32 $0x28000, s8  }
0x6: {  	s9 =	sadd.s32 $0x1600, s2;
	s18 =	smul.u32 $0x13800, s8;
	p0 =	sne.s32 s8, $0xF  }
0x7: {  	s4 =	sshll.u32 s0, $0x4;
	_ =	strace $0x80000047;
	s7 =	smul.u32 $0x13880, s0  }
0x8: {  	[dreg:$0x5] =	wrdreg s9;
	s0 =	ssub.s32 $0x2, s0;
	s6 =	sshrl.u32 s6, $0x2  }
0x9: {  	[dreg:$0x4] =	wrdreg s25;
	s9 =	simm.s32 $0x0;
	s11 =	sadd.s32 s6, s3  }
0xa: {  	s5 =	sor.u32 s8, s4;
	s6 =	sadd.s32 $0x1000, s11;
	[dreg:$0x6] =	wrdreg s11  }
0xb: {  	s10 =	sshrl.u32 s0, $0x1;
	s12 =	sadd.s32 $0x2000, s11;
	[dreg:$0x7] =	wrdreg s6  }
0xc: {  	s23 =	sshrl.u32 s18, $0x1;
	s13 =	sadd.s32 $0x3000, s11;
	[dreg:$0x8] =	wrdreg s12  }
0xd: {  	s24 =	sshrl.u32 s18, $0x4;
	s14 =	sadd.s32 $0x4000, s11;
	[dreg:$0x9] =	wrdreg s13  }
0xe: {  	s8 =	simm.s32 $0x8;
	s15 =	sadd.s32 $0x5000, s11;
	[dreg:$0xa] =	wrdreg s14  }
0xf: {  	s5 =	smul.u32 $0x500, s5;
	s16 =	sadd.s32 $0x6000, s11;
	[dreg:$0xb] =	wrdreg s15  }
0x10: {  	s0 =	ssub.s32 s0, s10;
	s17 =	sadd.s32 $0x7000, s11;
	[dreg:$0xc] =	wrdreg s16  }
0x11: {  	s10 =	simm.s32 $0x11;
	s19 =	sadd.s32 $0x8000, s11;
	[dreg:$0xd] =	wrdreg s17  }
0x12: {  	s4 =	sadd.s32 $0x9000, s11;
	s0 =	smax.u32 s0, $0x1;
	[dreg:$0xe] =	wrdreg s19  }
0x13: {  	s5 =	sadd.s32 s5, s2;
	s2 =	sadd.s32 s7, s2;
	[dreg:$0xf] =	wrdreg s4  }
0x14: {  	s6 =	sadd.s32 $0x9C000, s3;
	[dreg:$0x13] =	wrdreg s0;
	s20 =	sadd.s32 $0x1800, s5  }
0x15: {  	s7 =	simm.s32 $0x6;
	s21 =	sadd.s32 $0xB800, s5;
	[dreg:$0x10] =	wrdreg s20  }
0x16: {  	s22 =	sadd.s32 $0x15800, s2;
	s2 =	sadd.s32 s23, s3;
	[dreg:$0x11] =	wrdreg s21  }
0x17: {  	s0 =	sshrl.u32 @!p0 s6, $0x3;
	s5 =	simm.s32 $0x4;
	[dreg:$0x12] =	wrdreg s22  }
0x18: {  	s26 =	sadd.s32 s24, s22;
	s28 =	sshrl.u32 s2, $0x3;
	[dreg:$0x16] =	wrdreg s0  }
0x19: {  	s2 =	simm.s32 $0x1E000;
	s0 =	simm.s32 $0x2;
	[dreg:$0x14] =	wrdreg s26  }
0x1a: {  	s22 =	simm.s32 $0x12000;
	[dreg:$0x15] =	wrdreg s28;
	s26 =	simm.s32 $0x80  }
.LBB2_1:
0x1b: {  	[dreg:$0x17] =	wrdreg s9  }
0x1c: {  	s4 =	simm.s32 $0x0;
	s6 =	rddreg [dreg:$0x5];
	s12 =	simm.s32 $0x5000  }
0x1d: {  	[tilespmem:s12], [sflag:$0x11] =	stream.linear.gather [hbm4b:s6+s4], $0x1000, $0x38;
	v63 =	vld [tilespmem:$0x0]  }
0x1e: {  	_ =	swait.ge [sflag:s10], $0x1000  }
0x1f: {  	[sflag:s10] =	ssyncset.done $0x0  }
0x20: {  	s13 =	rddreg [dreg:$0x6];
	[sflag:s10] =	ssyncadd.s32 $0xFFFFF000  }
0x21: {  	[spmem:s13] =	stream.linear.scatter [tilespmem:s12], [sflag:$0x11], $0x1000, $0x38;
	v63 =	vld [tilespmem:$0x0]  }
0x22: {  	_ =	swait.ge [sflag:s10], $0x1000  }
0x23: {  	[sflag:s10] =	ssyncset.done $0x0  }
0x24: {  	s14 =	rddreg [dreg:$0x7];
	[sflag:s10] =	ssyncadd.s32 $0xFFFFF000  }
0x25: {  	[spmem:s14] =	stream.linear.scatter [tilespmem:s12], [sflag:$0x11], $0x1000, $0x38;
	v63 =	vld [tilespmem:$0x0]  }
0x26: {  	_ =	swait.ge [sflag:s10], $0x1000  }
0x27: {  	[sflag:s10] =	ssyncset.done $0x0  }
0x28: {  	s15 =	rddreg [dreg:$0x8];
	[sflag:s10] =	ssyncadd.s32 $0xFFFFF000  }
0x29: {  	[spmem:s15] =	stream.linear.scatter [tilespmem:s12], [sflag:$0x11], $0x1000, $0x38;
	v63 =	vld [tilespmem:$0x0]  }
0x2a: {  	_ =	swait.ge [sflag:s10], $0x1000  }
0x2b: {  	[sflag:s10] =	ssyncset.done $0x0  }
0x2c: {  	s16 =	rddreg [dreg:$0x9];
	[sflag:s10] =	ssyncadd.s32 $0xFFFFF000  }
0x2d: {  	[spmem:s16] =	stream.linear.scatter [tilespmem:s12], [sflag:$0x11], $0x1000, $0x38;
	v63 =	vld [tilespmem:$0x0]  }
0x2e: {  	_ =	swait.ge [sflag:s10], $0x1000  }
0x2f: {  	[sflag:s10] =	ssyncset.done $0x0  }
0x30: {  	s17 =	rddreg [dreg:$0xa];
	[sflag:s10] =	ssyncadd.s32 $0xFFFFF000  }
0x31: {  	[spmem:s17] =	stream.linear.scatter [tilespmem:s12], [sflag:$0x11], $0x1000, $0x38;
	v63 =	vld [tilespmem:$0x0]  }
0x32: {  	_ =	swait.ge [sflag:s10], $0x1000  }
0x33: {  	[sflag:s10] =	ssyncset.done $0x0  }
0x34: {  	s18 =	rddreg [dreg:$0xb];
	[sflag:s10] =	ssyncadd.s32 $0xFFFFF000  }
0x35: {  	[spmem:s18] =	stream.linear.scatter [tilespmem:s12], [sflag:$0x11], $0x1000, $0x38;
	v63 =	vld [tilespmem:$0x0]  }
0x36: {  	_ =	swait.ge [sflag:s10], $0x1000  }
0x37: {  	[sflag:s10] =	ssyncset.done $0x0  }
0x38: {  	s19 =	rddreg [dreg:$0xc];
	[sflag:s10] =	ssyncadd.s32 $0xFFFFF000  }
0x39: {  	[spmem:s19] =	stream.linear.scatter [tilespmem:s12], [sflag:$0x11], $0x1000, $0x38;
	v63 =	vld [tilespmem:$0x0]  }
0x3a: {  	_ =	swait.ge [sflag:s10], $0x1000  }
0x3b: {  	[sflag:s10] =	ssyncset.done $0x0  }
0x3c: {  	s20 =	rddreg [dreg:$0xd];
	[sflag:s10] =	ssyncadd.s32 $0xFFFFF000  }
0x3d: {  	[spmem:s20] =	stream.linear.scatter [tilespmem:s12], [sflag:$0x11], $0x1000, $0x38;
	v63 =	vld [tilespmem:$0x0]  }
0x3e: {  	_ =	swait.ge [sflag:s10], $0x1000  }
0x3f: {  	[sflag:s10] =	ssyncset.done $0x0  }
0x40: {  	s21 =	rddreg [dreg:$0xe];
	[sflag:s10] =	ssyncadd.s32 $0xFFFFF000  }
0x41: {  	[spmem:s21] =	stream.linear.scatter [tilespmem:s12], [sflag:$0x11], $0x1000, $0x38;
	v63 =	vld [tilespmem:$0x0]  }
0x42: {  	_ =	swait.ge [sflag:s10], $0x1000  }
0x43: {  	[sflag:s10] =	ssyncset.done $0x0  }
0x44: {  	s23 =	rddreg [dreg:$0xf];
	[sflag:s10] =	ssyncadd.s32 $0xFFFFF000  }
0x45: {  	[spmem:s23] =	stream.linear.scatter [tilespmem:s12], [sflag:$0x11], $0x1000, $0x38;
	v63 =	vld [tilespmem:$0x0]  }
0x46: {  	_ =	swait.ge [sflag:s10], $0x1000  }
0x47: {  	[sflag:s10] =	ssyncset.done $0x0  }
0x48: {  	[sflag:s10] =	ssyncadd.s32 $0xFFFFF000  }
0x49: {  	[bflag:$0x0] =	sbarrier.arrive $0xFFFF  }
0x4a: {  	s24 =	rddreg [dreg:$0x10]  }
0x4b: {  	[tilespmem:s4], [sflag:$0x11] =	stream.linear.gather [hbm4b:s24+s4], $0x2800, $0x38;
	v63 =	vld [tilespmem:$0x0]  }
0x4c: {  	_ =	swait.ge [sflag:s10], $0x2800  }
0x4d: {  	[sflag:s10] =	ssyncset.done $0x0  }
0x4e: {  	s28 =	simm.s32 $0x2800;
	s25 =	rddreg [dreg:$0x11];
	[sflag:s10] =	ssyncadd.s32 $0xFFFFD800  }
0x4f: {  	[tilespmem:s28], [sflag:$0x11] =	stream.linear.gather [hbm4b:s25+s4], $0x2800, $0x38;
	v63 =	vld [tilespmem:$0x0]  }
0x50: {  	_ =	swait.ge [sflag:s10], $0x2800  }
0x51: {  	[sflag:s10] =	ssyncset.done $0x0  }
0x52: {  	s11 =	simm.s32 $0x10000;
	[sflag:s10] =	ssyncadd.s32 $0xFFFFD800  }
0x53: {  	[tilespmem:s11], [sflag:$0x1] =	stream.indirect.gather [hbm4b:s1+s26], $0x40, s4, s26, $0xb8;
	v63 =	vld [tilespmem:$0x0]  }
0x54: {  	s12 =	simm.s32 $0x12000  }
0x55: {  	[tilespmem:s12], [sflag:$0x2] =	stream.indirect.gather [hbm4b:s1+s26], $0x40, s26, s26, $0xb8;
	v63 =	vld [tilespmem:$0x0]  }
0x56: {  	s13 =	simm.s32 $0x100;
	s14 =	simm.s32 $0x14000  }
0x57: {  	[tilespmem:s14], [sflag:$0x3] =	stream.indirect.gather [hbm4b:s1+s26], $0x40, s13, s26, $0xb8;
	v63 =	vld [tilespmem:$0x0]  }
0x58: {  	s15 =	simm.s32 $0x180;
	s13 =	simm.s32 $0x16000  }
0x59: {  	[tilespmem:s13], [sflag:$0x4] =	stream.indirect.gather [hbm4b:s1+s26], $0x40, s15, s26, $0xb8;
	v63 =	vld [tilespmem:$0x0]  }
0x5a: {  	p1 =	por $0x1, $0x1;
	s16 =	simm.s32 $0x200;
	s17 =	simm.s32 $0x18000  }
0x5b: {  	[tilespmem:s17], [sflag:$0x5] =	stream.indirect.gather [hbm4b:s1+s26], $0x40, s16, s26, $0xb8;
	v63 =	vld [tilespmem:$0x0]  }
0x5c: {  	s6 =	simm.s32 @!p1 $0xF;
	s18 =	simm.s32 $0x280;
	s14 =	simm.s32 $0x1A000  }
0x5d: {  	[tilespmem:s14], [sflag:$0x6] =	stream.indirect.gather [hbm4b:s1+s26], $0x40, s18, s26, $0xb8;
	v63 =	vld [tilespmem:$0x0]  }
0x5e: {  	_ =	swait.ge @!p1 [sflag:s6], $0x2000  }
0x5f: {  	[sflag:s6] =	ssyncset.done @!p1 $0x0  }
0x60: {  	s20 =	simm.s32 $0x300;
	s19 =	rddreg [dreg:$0x4];
	[sflag:s6] =	ssyncadd.s32 @!p1 $0xFFFFE000  }
0x61: {  	[tilespmem:s19], [sflag:$0x7] =	stream.indirect.gather [hbm4b:s1+s26], $0x40, s20, s26, $0xb8;
	v63 =	vld [tilespmem:$0x0]  }
0x62: {  	_ =	swait.ge [sflag:s31], $0x2000  }
0x63: {  	[sflag:s31] =	ssyncset.done $0x0  }
0x64: {  	s9 =	simm.s32 @!p1 $0x10;
	s21 =	simm.s32 $0x2800;
	[sflag:s31] =	ssyncadd.s32 $0xFFFFE000  }
0x65: {  	[spmem:s3] =	stream.indirect.scatter.add.bf16 [tilespmem:s11], [sflag:$0x9], $0x40, s21, s26, $0xb8;
	v63 =	vld [tilespmem:$0x0]  }
0x66: {  	_ =	swait.ge @!p1 [sflag:s9], $0x2000  }
0x67: {  	[sflag:s9] =	ssyncset.done @!p1 $0x0  }
0x68: {  	s23 =	simm.s32 $0x380;
	[sflag:s9] =	ssyncadd.s32 @!p1 $0xFFFFE000  }
0x69: {  	[tilespmem:s2], [sflag:$0x8] =	stream.indirect.gather [hbm4b:s1+s26], $0x40, s23, s26, $0xb8;
	v63 =	vld [tilespmem:$0x0]  }
0x6a: {  	_ =	swait.ge [sflag:s0], $0x2000  }
0x6b: {  	p1 =	por $0x0, $0x0;
	[sflag:s0] =	ssyncset.done $0x0  }
0x6c: {  	s24 =	simm.s32 $0x2880;
	s10 =	simm.s32 @p1 $0x3;
	[sflag:s0] =	ssyncadd.s32 $0xFFFFE000  }
0x6d: {  	[spmem:s3] =	stream.indirect.scatter.add.bf16 [tilespmem:s12], [sflag:$0xA], $0x40, s24, s26, $0xb8;
	v63 =	vld [tilespmem:$0x0]  }
0x6e: {  	_ =	swait.ge @p1 [sflag:s10], $0x2000  }
0x6f: {  	s6 =	simm.s32 @p1 $0x2900;
	s9 =	simm.s32 @p1 $0x80;
	[sflag:s10] =	ssyncset.done @p1 $0x0  }
0x70: {  	s11 =	simm.s32 @p1 $0x14000;
	[sflag:s10] =	ssyncadd.s32 @p1 $0xFFFFE000;
	s10 =	simm.s32 @!p1 $0x9  }
0x71: {  	[spmem:s3] =	stream.indirect.scatter.add.bf16 @p1 [tilespmem:s11], [sflag:$0xB], $0x40, s6, s9, $0xb8;
	v63 =	vld [tilespmem:$0x0]  }
0x72: {  	_ =	swait.ge @!p1 [sflag:s10], $0x2000  }
0x73: {  	s12 =	simm.s32 @!p1 $0x10000;
	s11 =	simm.s32 @!p1 $0x400;
	[sflag:s10] =	ssyncset.done @!p1 $0x0  }
0x74: {  	s6 =	simm.s32 @!p1 $0x80;
	[sflag:s10] =	ssyncadd.s32 @!p1 $0xFFFFE000;
	s10 =	simm.s32 @!p1 $0x3  }
0x75: {  	[tilespmem:s12], [sflag:$0x1] =	stream.indirect.gather @!p1 [hbm4b:s1+s6], $0x40, s11, s6, $0xb8;
	v63 =	vld [tilespmem:$0x0]  }
0x76: {  	_ =	swait.ge @!p1 [sflag:s10], $0x2000  }
0x77: {  	s11 =	simm.s32 @!p1 $0x2900;
	[sflag:s10] =	ssyncset.done @!p1 $0x0  }
0x78: {  	s12 =	simm.s32 @!p1 $0x14000;
	[sflag:s10] =	ssyncadd.s32 @!p1 $0xFFFFE000;
	s10 =	simm.s32 @!p1 $0xA  }
0x79: {  	[spmem:s3] =	stream.indirect.scatter.add.bf16 @!p1 [tilespmem:s12], [sflag:$0xB], $0x40, s11, s6, $0xb8;
	v63 =	vld [tilespmem:$0x0]  }
0x7a: {  	_ =	swait.ge @!p1 [sflag:s10], $0x2000  }
0x7b: {  	[sflag:s10] =	ssyncset.done @!p1 $0x0  }
0x7c: {  	s11 =	simm.s32 @!p1 $0x480;
	[sflag:s10] =	ssyncadd.s32 @!p1 $0xFFFFE000;
	s10 =	simm.s32 @!p1 $0x12000  }
0x7d: {  	[tilespmem:s10], [sflag:$0x2] =	stream.indirect.gather @!p1 [hbm4b:s1+s6], $0x40, s11, s6, $0xb8;
	v63 =	vld [tilespmem:$0x0]  }
0x7e: {  	_ =	swait.ge [sflag:s5], $0x2000  }
0x7f: {  	[sflag:s5] =	ssyncset.done $0x0  }
0x80: {  	s25 =	simm.s32 $0x2980;
	s11 =	simm.s32 @p1 $0x5;
	[sflag:s5] =	ssyncadd.s32 $0xFFFFE000  }
0x81: {  	[spmem:s3] =	stream.indirect.scatter.add.bf16 [tilespmem:s13], [sflag:$0xC], $0x40, s25, s26, $0xb8;
	v63 =	vld [tilespmem:$0x0]  }
0x82: {  	_ =	swait.ge @p1 [sflag:s11], $0x2000  }
0x83: {  	[sflag:s11] =	ssyncset.done @p1 $0x0  }
0x84: {  	s10 =	simm.s32 @p1 $0x2A00;
	[sflag:s11] =	ssyncadd.s32 @p1 $0xFFFFE000;
	s11 =	simm.s32 @p1 $0x18000  }
0x85: {  	[spmem:s3] =	stream.indirect.scatter.add.bf16 @p1 [tilespmem:s11], [sflag:$0xD], $0x40, s10, s9, $0xb8;
	v63 =	vld [tilespmem:$0x0]  }
0x86: {  	s10 =	simm.s32 @!p1 $0xB  }
0x87: {  	_ =	swait.ge @!p1 [sflag:s10], $0x2000  }
0x88: {  	[sflag:s10] =	ssyncset.done @!p1 $0x0  }
0x89: {  	s11 =	simm.s32 @!p1 $0x500;
	[sflag:s10] =	ssyncadd.s32 @!p1 $0xFFFFE000;
	s10 =	simm.s32 @!p1 $0x5  }
0x8a: {  	[tilespmem:s12], [sflag:$0x3] =	stream.indirect.gather @!p1 [hbm4b:s1+s6], $0x40, s11, s6, $0xb8;
	v63 =	vld [tilespmem:$0x0]  }
0x8b: {  	_ =	swait.ge @!p1 [sflag:s10], $0x2000  }
0x8c: {  	s11 =	simm.s32 @!p1 $0x2A00;
	[sflag:s10] =	ssyncset.done @!p1 $0x0  }
0x8d: {  	s12 =	simm.s32 @!p1 $0x18000;
	[sflag:s10] =	ssyncadd.s32 @!p1 $0xFFFFE000;
	s10 =	simm.s32 @!p1 $0xC  }
0x8e: {  	[spmem:s3] =	stream.indirect.scatter.add.bf16 @!p1 [tilespmem:s12], [sflag:$0xD], $0x40, s11, s6, $0xb8;
	v63 =	vld [tilespmem:$0x0]  }
0x8f: {  	_ =	swait.ge @!p1 [sflag:s10], $0x2000  }
0x90: {  	[sflag:s10] =	ssyncset.done @!p1 $0x0  }
0x91: {  	s11 =	simm.s32 @!p1 $0x580;
	[sflag:s10] =	ssyncadd.s32 @!p1 $0xFFFFE000;
	s10 =	simm.s32 @!p1 $0x16000  }
0x92: {  	[tilespmem:s10], [sflag:$0x4] =	stream.indirect.gather @!p1 [hbm4b:s1+s6], $0x40, s11, s6, $0xb8;
	v63 =	vld [tilespmem:$0x0]  }
0x93: {  	_ =	swait.ge [sflag:s7], $0x2000  }
0x94: {  	[sflag:s7] =	ssyncset.done $0x0  }
0x95: {  	s28 =	simm.s32 $0x2A80;
	s11 =	simm.s32 @p1 $0x7;
	[sflag:s7] =	ssyncadd.s32 $0xFFFFE000  }
0x96: {  	[spmem:s3] =	stream.indirect.scatter.add.bf16 [tilespmem:s14], [sflag:$0xE], $0x40, s28, s26, $0xb8;
	v63 =	vld [tilespmem:$0x0]  }
0x97: {  	_ =	swait.ge @p1 [sflag:s11], $0x2000  }
0x98: {  	[sflag:s11] =	ssyncset.done @p1 $0x0  }
0x99: {  	s10 =	simm.s32 @p1 $0x2B00;
	[sflag:s11] =	ssyncadd.s32 @p1 $0xFFFFE000;
	s11 =	simm.s32 @p1 $0x1C000  }
0x9a: {  	[spmem:s3] =	stream.indirect.scatter.add.bf16 @p1 [tilespmem:s11], [sflag:$0xF], $0x40, s10, s9, $0xb8;
	v63 =	vld [tilespmem:$0x0]  }
0x9b: {  	s9 =	simm.s32 @!p1 $0xD  }
0x9c: {  	_ =	swait.ge @!p1 [sflag:s9], $0x2000  }
0x9d: {  	[sflag:s9] =	ssyncset.done @!p1 $0x0  }
0x9e: {  	[sflag:s9] =	ssyncadd.s32 @!p1 $0xFFFFE000;
	s9 =	simm.s32 @!p1 $0x600  }
0x9f: {  	[tilespmem:s12], [sflag:$0x5] =	stream.indirect.gather @!p1 [hbm4b:s1+s6], $0x40, s9, s6, $0xb8;
	v63 =	vld [tilespmem:$0x0]  }
0xa0: {  	s9 =	simm.s32 @!p1 $0x7  }
0xa1: {  	_ =	swait.ge @!p1 [sflag:s9], $0x2000  }
0xa2: {  	[sflag:s9] =	ssyncset.done @!p1 $0x0  }
0xa3: {  	s10 =	simm.s32 @!p1 $0x2B00;
	[sflag:s9] =	ssyncadd.s32 @!p1 $0xFFFFE000;
	s9 =	simm.s32 @!p1 $0x1C000  }
0xa4: {  	[spmem:s3] =	stream.indirect.scatter.add.bf16 @!p1 [tilespmem:s9], [sflag:$0xF], $0x40, s10, s6, $0xb8;
	v63 =	vld [tilespmem:$0x0]  }
0xa5: {  	s9 =	simm.s32 @!p1 $0xE  }
0xa6: {  	_ =	swait.ge @!p1 [sflag:s9], $0x2000  }
0xa7: {  	p2 =	por $0x0, $0x0;
	s19 =	simm.s32 $0x2000;
	[sflag:s9] =	ssyncset.done @!p1 $0x0  }
0xa8: {  	s10 =	simm.s32 @!p1 $0x680;
	[sflag:s9] =	ssyncadd.s32 @!p1 $0xFFFFE000;
	s9 =	simm.s32 @!p1 $0x1A000  }
0xa9: {  	[tilespmem:s9], [sflag:$0x6] =	stream.indirect.gather @!p1 [hbm4b:s1+s6], $0x40, s10, s6, $0xb8;
	v63 =	vld [tilespmem:$0x0]  }
0xaa: {  	s23 =	simm.s32 $0x2B80;
	s24 =	simm.s32 $0x1000;
	_ =	swait.ge [sflag:s8], $0x2000  }
.LBB2_2:
0xab: {  	[sflag:s8] =	ssyncset.done $0x0  }
0xac: {  	s6 =	simm.s32 @!p2 $0xF;
	[sflag:s8] =	ssyncadd.s32 $0xFFFFE000  }
0xad: {  	[spmem:s3] =	stream.indirect.scatter.add.bf16 [tilespmem:s2], [sflag:$0x10], $0x40, s23, s26, $0xb8;
	v63 =	vld [tilespmem:$0x0]  }
0xae: {  	_ =	swait.ge @!p2 [sflag:s6], $0x2000  }
0xaf: {  	s25 =	sshra.s32 s24, $0x2;
	[sflag:s6] =	ssyncset.done @!p2 $0x0  }
0xb0: {  	s16 =	sadd.s32 $0x300, s25;
	s10 =	rddreg [dreg:$0x4];
	[sflag:s6] =	ssyncadd.s32 @!p2 $0xFFFFE000  }
0xb1: {  	[tilespmem:s10], [sflag:$0x7] =	stream.indirect.gather [hbm4b:s1+s26], $0x40, s16, s26, $0xb8;
	v63 =	vld [tilespmem:$0x0]  }
0xb2: {  	_ =	swait.ge [sflag:s31], $0x2000  }
0xb3: {  	[sflag:s31] =	ssyncset.done $0x0  }
0xb4: {  	s17 =	sadd.s32 $0x2800, s25;
	s10 =	simm.s32 @!p2 $0x10;
	[sflag:s31] =	ssyncadd.s32 $0xFFFFE000  }
0xb5: {  	[spmem:s3] =	stream.indirect.scatter.add.bf16 [tilespmem:s29], [sflag:$0x9], $0x40, s17, s26, $0xb8;
	v63 =	vld [tilespmem:$0x0]  }
0xb6: {  	_ =	swait.ge @!p2 [sflag:s10], $0x2000  }
0xb7: {  	[sflag:s10] =	ssyncset.done @!p2 $0x0  }
0xb8: {  	s18 =	sadd.s32 $0x380, s25;
	[sflag:s10] =	ssyncadd.s32 @!p2 $0xFFFFE000  }
0xb9: {  	[tilespmem:s2], [sflag:$0x8] =	stream.indirect.gather [hbm4b:s1+s26], $0x40, s18, s26, $0xb8;
	v63 =	vld [tilespmem:$0x0]  }
0xba: {  	_ =	swait.ge [sflag:s0], $0x2000  }
0xbb: {  	p2 =	seq.s32 s24, $0x9000;
	[sflag:s0] =	ssyncset.done $0x0  }
0xbc: {  	s20 =	sadd.s32 $0x2880, s25;
	s10 =	simm.s32 @p2 $0x3;
	[sflag:s0] =	ssyncadd.s32 $0xFFFFE000  }
0xbd: {  	[spmem:s3] =	stream.indirect.scatter.add.bf16 [tilespmem:s22], [sflag:$0xA], $0x40, s20, s26, $0xb8;
	v63 =	vld [tilespmem:$0x0]  }
0xbe: {  	s11 =	sshra.s32 @p2 s24, $0x2;
	_ =	swait.ge @p2 [sflag:s10], $0x2000  }
0xbf: {  	s6 =	simm.s32 @p2 $0x80;
	s13 =	simm.s32 @p2 $0x14000;
	[sflag:s10] =	ssyncset.done @p2 $0x0  }
0xc0: {  	s12 =	sadd.s32 @p2 $0x2900, s11;
	[sflag:s10] =	ssyncadd.s32 @p2 $0xFFFFE000;
	s10 =	simm.s32 @!p2 $0x9  }
0xc1: {  	[spmem:s3] =	stream.indirect.scatter.add.bf16 @p2 [tilespmem:s13], [sflag:$0xB], $0x40, s12, s6, $0xb8;
	v63 =	vld [tilespmem:$0x0]  }
0xc2: {  	s24 =	sshra.s32 @!p2 s24, $0x2;
	_ =	swait.ge @!p2 [sflag:s10], $0x2000  }
0xc3: {  	s18 =	simm.s32 @!p2 $0x80;
	s14 =	sadd.s32 @!p2 $0x400, s24;
	[sflag:s10] =	ssyncset.done @!p2 $0x0  }
0xc4: {  	s13 =	simm.s32 @!p2 $0x10000;
	[sflag:s10] =	ssyncadd.s32 @!p2 $0xFFFFE000;
	s10 =	simm.s32 @!p2 $0x3  }
0xc5: {  	[tilespmem:s13], [sflag:$0x1] =	stream.indirect.gather @!p2 [hbm4b:s1+s18], $0x40, s14, s18, $0xb8;
	v63 =	vld [tilespmem:$0x0]  }
0xc6: {  	_ =	swait.ge @!p2 [sflag:s10], $0x2000  }
0xc7: {  	s17 =	simm.s32 @!p2 $0x14000;
	[sflag:s10] =	ssyncset.done @!p2 $0x0  }
0xc8: {  	s21 =	simm.s32 @!p2 $0xA;
	s12 =	sadd.s32 @!p2 $0x2900, s24;
	[sflag:s10] =	ssyncadd.s32 @!p2 $0xFFFFE000  }
0xc9: {  	[spmem:s3] =	stream.indirect.scatter.add.bf16 @!p2 [tilespmem:s17], [sflag:$0xB], $0x40, s12, s18, $0xb8;
	v63 =	vld [tilespmem:$0x0]  }
0xca: {  	s9 =	smov.u32 s19;
	_ =	swait.ge @!p2 [sflag:s21], $0x2000  }
0xcb: {  	s28 =	simm.s32 @!p2 $0x12000;
	s15 =	sadd.s32 @!p2 $0x480, s24;
	[sflag:s21] =	ssyncset.done @!p2 $0x0  }
0xcc: {  	s16 =	sadd.s32 @p2 $0x2A00, s11;
	s4 =	sadd.s32 @!p2 $0x500, s24;
	[sflag:s21] =	ssyncadd.s32 @!p2 $0xFFFFE000  }
0xcd: {  	[tilespmem:s28], [sflag:$0x2] =	stream.indirect.gather @!p2 [hbm4b:s1+s18], $0x40, s15, s18, $0xb8;
	v63 =	vld [tilespmem:$0x0]  }
0xce: {  	s20 =	sadd.s32 @!p2 $0x2A00, s24;
	s14 =	sadd.s32 @!p2 $0x580, s24;
	_ =	swait.ge [sflag:s5], $0x2000  }
0xcf: {  	s13 =	sadd.s32 @p2 $0x2B00, s11;
	s21 =	sadd.s32 $0x2980, s25;
	[sflag:s5] =	ssyncset.done $0x0  }
0xd0: {  	s15 =	simm.s32 @p2 $0x5;
	s28 =	simm.s32 $0x16000;
	[sflag:s5] =	ssyncadd.s32 $0xFFFFE000  }
0xd1: {  	[spmem:s3] =	stream.indirect.scatter.add.bf16 [tilespmem:s28], [sflag:$0xC], $0x40, s21, s26, $0xb8;
	v63 =	vld [tilespmem:$0x0]  }
0xd2: {  	s11 =	sadd.s32 @!p2 $0x2B00, s24;
	s10 =	sadd.s32 @!p2 $0x680, s24;
	_ =	swait.ge @p2 [sflag:s15], $0x2000  }
0xd3: {  	s12 =	sadd.s32 @!p2 $0x600, s24;
	s24 =	smov.u32 s9;
	[sflag:s15] =	ssyncset.done @p2 $0x0  }
0xd4: {  	s9 =	simm.s32 @p2 $0x18000;
	[sflag:s15] =	ssyncadd.s32 @p2 $0xFFFFE000;
	s15 =	simm.s32 @!p2 $0xB  }
0xd5: {  	[spmem:s3] =	stream.indirect.scatter.add.bf16 @p2 [tilespmem:s9], [sflag:$0xD], $0x40, s16, s6, $0xb8;
	v63 =	vld [tilespmem:$0x0]  }
0xd6: {  	_ =	swait.ge @!p2 [sflag:s15], $0x2000  }
0xd7: {  	[sflag:s15] =	ssyncset.done @!p2 $0x0  }
0xd8: {  	s9 =	simm.s32 @!p2 $0x5;
	[sflag:s15] =	ssyncadd.s32 @!p2 $0xFFFFE000  }
0xd9: {  	[tilespmem:s17], [sflag:$0x3] =	stream.indirect.gather @!p2 [hbm4b:s1+s18], $0x40, s4, s18, $0xb8;
	v63 =	vld [tilespmem:$0x0]  }
0xda: {  	_ =	swait.ge @!p2 [sflag:s9], $0x2000  }
0xdb: {  	[sflag:s9] =	ssyncset.done @!p2 $0x0  }
0xdc: {  	s4 =	simm.s32 @!p2 $0x18000;
	[sflag:s9] =	ssyncadd.s32 @!p2 $0xFFFFE000;
	s9 =	simm.s32 @!p2 $0xC  }
0xdd: {  	[spmem:s3] =	stream.indirect.scatter.add.bf16 @!p2 [tilespmem:s4], [sflag:$0xD], $0x40, s20, s18, $0xb8;
	v63 =	vld [tilespmem:$0x0]  }
0xde: {  	_ =	swait.ge @!p2 [sflag:s9], $0x2000  }
0xdf: {  	[sflag:s9] =	ssyncset.done @!p2 $0x0  }
0xe0: {  	s15 =	simm.s32 @!p2 $0x16000;
	[sflag:s9] =	ssyncadd.s32 @!p2 $0xFFFFE000  }
0xe1: {  	[tilespmem:s15], [sflag:$0x4] =	stream.indirect.gather @!p2 [hbm4b:s1+s18], $0x40, s14, s18, $0xb8;
	v63 =	vld [tilespmem:$0x0]  }
0xe2: {  	_ =	swait.ge [sflag:s7], $0x2000  }
0xe3: {  	[sflag:s7] =	ssyncset.done $0x0  }
0xe4: {  	s28 =	sadd.s32 $0x2A80, s25;
	s14 =	simm.s32 @p2 $0x7;
	[sflag:s7] =	ssyncadd.s32 $0xFFFFE000  }
0xe5: {  	[spmem:s3] =	stream.indirect.scatter.add.bf16 [tilespmem:s30], [sflag:$0xE], $0x40, s28, s26, $0xb8;
	v63 =	vld [tilespmem:$0x0]  }
0xe6: {  	_ =	swait.ge @p2 [sflag:s14], $0x2000  }
0xe7: {  	[sflag:s14] =	ssyncset.done @p2 $0x0  }
0xe8: {  	s9 =	simm.s32 @p2 $0x1C000;
	[sflag:s14] =	ssyncadd.s32 @p2 $0xFFFFE000;
	s14 =	simm.s32 @!p2 $0xD  }
0xe9: {  	[spmem:s3] =	stream.indirect.scatter.add.bf16 @p2 [tilespmem:s9], [sflag:$0xF], $0x40, s13, s6, $0xb8;
	v63 =	vld [tilespmem:$0x0]  }
0xea: {  	_ =	swait.ge @!p2 [sflag:s14], $0x2000  }
0xeb: {  	[sflag:s14] =	ssyncset.done @!p2 $0x0  }
0xec: {  	s6 =	simm.s32 @!p2 $0x7;
	[sflag:s14] =	ssyncadd.s32 @!p2 $0xFFFFE000  }
0xed: {  	[tilespmem:s4], [sflag:$0x5] =	stream.indirect.gather @!p2 [hbm4b:s1+s18], $0x40, s12, s18, $0xb8;
	v63 =	vld [tilespmem:$0x0]  }
0xee: {  	s19 =	sadd.s32 $0x1000, s19;
	_ =	swait.ge @!p2 [sflag:s6], $0x2000  }
0xef: {  	p1 =	sne.s32 s19, $0xA000;
	[sflag:s6] =	ssyncset.done @!p2 $0x0  }
0xf0: {  	s4 =	simm.s32 @!p2 $0x1C000;
	[sflag:s6] =	ssyncadd.s32 @!p2 $0xFFFFE000;
	s6 =	simm.s32 @!p2 $0xE  }
0xf1: {  	[spmem:s3] =	stream.indirect.scatter.add.bf16 @!p2 [tilespmem:s4], [sflag:$0xF], $0x40, s11, s18, $0xb8;
	v63 =	vld [tilespmem:$0x0]  }
.Ltmp0:
0xf2: {  	_ =	swait.ge @!p2 [sflag:s6], $0x2000;
	(pc) =	sbr.rel @p1 .LBB2_2-.Ltmp0, $4  }
0xf3: {  	[sflag:s6] =	ssyncset.done @!p2 $0x0  }
0xf4: {  	s4 =	simm.s32 @!p2 $0x1A000;
	[sflag:s6] =	ssyncadd.s32 @!p2 $0xFFFFE000  }
0xf5: {  	[tilespmem:s4], [sflag:$0x6] =	stream.indirect.gather @!p2 [hbm4b:s1+s18], $0x40, s10, s18, $0xb8;
	v63 =	vld [tilespmem:$0x0]  }
0xf6: {  	s23 =	sadd.s32 $0x2B80, s25;
	p2 =	seq.s32 s24, $0x0;
	_ =	swait.ge [sflag:s8], $0x2000  }
0xf7: {  	[sflag:s8] =	ssyncset.done $0x0  }
0xf8: {  	s4 =	simm.s32 @!p2 $0xF;
	[sflag:s8] =	ssyncadd.s32 $0xFFFFE000  }
0xf9: {  	[spmem:s3] =	stream.indirect.scatter.add.bf16 [tilespmem:s2], [sflag:$0x10], $0x40, s23, s26, $0xb8;
	v63 =	vld [tilespmem:$0x0]  }
0xfa: {  	_ =	swait.ge @!p2 [sflag:s4], $0x2000  }
0xfb: {  	s18 =	sshra.s32 s24, $0x2;
	[sflag:s4] =	ssyncset.done @!p2 $0x0  }
0xfc: {  	s19 =	sadd.s32 $0x300, s18;
	s6 =	rddreg [dreg:$0x4];
	[sflag:s4] =	ssyncadd.s32 @!p2 $0xFFFFE000  }
0xfd: {  	[tilespmem:s6], [sflag:$0x7] =	stream.indirect.gather [hbm4b:s1+s26], $0x40, s19, s26, $0xb8;
	v63 =	vld [tilespmem:$0x0]  }
0xfe: {  	_ =	swait.ge [sflag:s31], $0x2000  }
0xff: {  	[sflag:s31] =	ssyncset.done $0x0  }
0x100: {  	s20 =	sadd.s32 $0x2800, s18;
	s6 =	simm.s32 @!p2 $0x10;
	[sflag:s31] =	ssyncadd.s32 $0xFFFFE000  }
0x101: {  	[spmem:s3] =	stream.indirect.scatter.add.bf16 [tilespmem:s29], [sflag:$0x9], $0x40, s20, s26, $0xb8;
	v63 =	vld [tilespmem:$0x0]  }
0x102: {  	_ =	swait.ge @!p2 [sflag:s6], $0x2000  }
0x103: {  	[sflag:s6] =	ssyncset.done @!p2 $0x0  }
0x104: {  	s21 =	sadd.s32 $0x380, s18;
	[sflag:s6] =	ssyncadd.s32 @!p2 $0xFFFFE000  }
0x105: {  	[tilespmem:s2], [sflag:$0x8] =	stream.indirect.gather [hbm4b:s1+s26], $0x40, s21, s26, $0xb8;
	v63 =	vld [tilespmem:$0x0]  }
0x106: {  	_ =	swait.ge [sflag:s0], $0x2000  }
0x107: {  	p1 =	seq.s32 s24, $0x9000;
	[sflag:s0] =	ssyncset.done $0x0  }
0x108: {  	s23 =	sadd.s32 $0x2880, s18;
	s6 =	simm.s32 @p1 $0x3;
	[sflag:s0] =	ssyncadd.s32 $0xFFFFE000  }
0x109: {  	[spmem:s3] =	stream.indirect.scatter.add.bf16 [tilespmem:s22], [sflag:$0xA], $0x40, s23, s26, $0xb8;
	v63 =	vld [tilespmem:$0x0]  }
0x10a: {  	s10 =	sshra.s32 @p1 s24, $0x2;
	_ =	swait.ge @p1 [sflag:s6], $0x2000  }
0x10b: {  	s11 =	simm.s32 @p1 $0x80;
	s9 =	simm.s32 @p1 $0x14000;
	[sflag:s6] =	ssyncset.done @p1 $0x0  }
0x10c: {  	s12 =	simm.s32 @!p1 $0x9;
	s4 =	sadd.s32 @p1 $0x2900, s10;
	[sflag:s6] =	ssyncadd.s32 @p1 $0xFFFFE000  }
0x10d: {  	[spmem:s3] =	stream.indirect.scatter.add.bf16 @p1 [tilespmem:s9], [sflag:$0xB], $0x40, s4, s11, $0xb8;
	v63 =	vld [tilespmem:$0x0]  }
0x10e: {  	s6 =	sshra.s32 @!p1 s24, $0x2;
	_ =	swait.ge @!p1 [sflag:s12], $0x2000  }
0x10f: {  	s13 =	simm.s32 @!p1 $0x10000;
	s4 =	sadd.s32 @!p1 $0x400, s6;
	[sflag:s12] =	ssyncset.done @!p1 $0x0  }
0x110: {  	s9 =	simm.s32 @!p1 $0x80;
	[sflag:s12] =	ssyncadd.s32 @!p1 $0xFFFFE000;
	s12 =	simm.s32 @!p1 $0x3  }
0x111: {  	[tilespmem:s13], [sflag:$0x1] =	stream.indirect.gather @!p1 [hbm4b:s1+s9], $0x40, s4, s9, $0xb8;
	v63 =	vld [tilespmem:$0x0]  }
0x112: {  	_ =	swait.ge @!p1 [sflag:s12], $0x2000  }
0x113: {  	s4 =	sadd.s32 @!p1 $0x2900, s6;
	[sflag:s12] =	ssyncset.done @!p1 $0x0  }
0x114: {  	s13 =	simm.s32 @!p1 $0x14000;
	[sflag:s12] =	ssyncadd.s32 @!p1 $0xFFFFE000;
	s12 =	simm.s32 @!p1 $0xA  }
0x115: {  	[spmem:s3] =	stream.indirect.scatter.add.bf16 @!p1 [tilespmem:s13], [sflag:$0xB], $0x40, s4, s9, $0xb8;
	v63 =	vld [tilespmem:$0x0]  }
0x116: {  	_ =	swait.ge @!p1 [sflag:s12], $0x2000  }
0x117: {  	[sflag:s12] =	ssyncset.done @!p1 $0x0  }
0x118: {  	s4 =	sadd.s32 @!p1 $0x480, s6;
	[sflag:s12] =	ssyncadd.s32 @!p1 $0xFFFFE000;
	s12 =	simm.s32 @!p1 $0x12000  }
0x119: {  	[tilespmem:s12], [sflag:$0x2] =	stream.indirect.gather @!p1 [hbm4b:s1+s9], $0x40, s4, s9, $0xb8;
	v63 =	vld [tilespmem:$0x0]  }
0x11a: {  	_ =	swait.ge [sflag:s5], $0x2000  }
0x11b: {  	s14 =	simm.s32 $0x16000;
	[sflag:s5] =	ssyncset.done $0x0  }
0x11c: {  	s25 =	sadd.s32 $0x2980, s18;
	s12 =	simm.s32 @p1 $0x5;
	[sflag:s5] =	ssyncadd.s32 $0xFFFFE000  }
0x11d: {  	[spmem:s3] =	stream.indirect.scatter.add.bf16 [tilespmem:s14], [sflag:$0xC], $0x40, s25, s26, $0xb8;
	v63 =	vld [tilespmem:$0x0]  }
0x11e: {  	_ =	swait.ge @p1 [sflag:s12], $0x2000  }
0x11f: {  	[sflag:s12] =	ssyncset.done @p1 $0x0  }
0x120: {  	s4 =	sadd.s32 @p1 $0x2A00, s10;
	[sflag:s12] =	ssyncadd.s32 @p1 $0xFFFFE000;
	s12 =	simm.s32 @p1 $0x18000  }
0x121: {  	[spmem:s3] =	stream.indirect.scatter.add.bf16 @p1 [tilespmem:s12], [sflag:$0xD], $0x40, s4, s11, $0xb8;
	v63 =	vld [tilespmem:$0x0]  }
0x122: {  	s4 =	simm.s32 @!p1 $0xB  }
0x123: {  	_ =	swait.ge @!p1 [sflag:s4], $0x2000  }
0x124: {  	[sflag:s4] =	ssyncset.done @!p1 $0x0  }
0x125: {  	s12 =	sadd.s32 @!p1 $0x500, s6;
	[sflag:s4] =	ssyncadd.s32 @!p1 $0xFFFFE000;
	s4 =	simm.s32 @!p1 $0x5  }
0x126: {  	[tilespmem:s13], [sflag:$0x3] =	stream.indirect.gather @!p1 [hbm4b:s1+s9], $0x40, s12, s9, $0xb8;
	v63 =	vld [tilespmem:$0x0]  }
0x127: {  	_ =	swait.ge @!p1 [sflag:s4], $0x2000  }
0x128: {  	s12 =	sadd.s32 @!p1 $0x2A00, s6;
	[sflag:s4] =	ssyncset.done @!p1 $0x0  }
0x129: {  	s13 =	simm.s32 @!p1 $0x18000;
	[sflag:s4] =	ssyncadd.s32 @!p1 $0xFFFFE000;
	s4 =	simm.s32 @!p1 $0xC  }
0x12a: {  	[spmem:s3] =	stream.indirect.scatter.add.bf16 @!p1 [tilespmem:s13], [sflag:$0xD], $0x40, s12, s9, $0xb8;
	v63 =	vld [tilespmem:$0x0]  }
0x12b: {  	_ =	swait.ge @!p1 [sflag:s4], $0x2000  }
0x12c: {  	[sflag:s4] =	ssyncset.done @!p1 $0x0  }
0x12d: {  	s12 =	sadd.s32 @!p1 $0x580, s6;
	[sflag:s4] =	ssyncadd.s32 @!p1 $0xFFFFE000;
	s4 =	simm.s32 @!p1 $0x16000  }
0x12e: {  	[tilespmem:s4], [sflag:$0x4] =	stream.indirect.gather @!p1 [hbm4b:s1+s9], $0x40, s12, s9, $0xb8;
	v63 =	vld [tilespmem:$0x0]  }
0x12f: {  	_ =	swait.ge [sflag:s7], $0x2000  }
0x130: {  	[sflag:s7] =	ssyncset.done $0x0  }
0x131: {  	s28 =	sadd.s32 $0x2A80, s18;
	s4 =	simm.s32 @p1 $0x7;
	[sflag:s7] =	ssyncadd.s32 $0xFFFFE000  }
0x132: {  	[spmem:s3] =	stream.indirect.scatter.add.bf16 [tilespmem:s30], [sflag:$0xE], $0x40, s28, s26, $0xb8;
	v63 =	vld [tilespmem:$0x0]  }
0x133: {  	_ =	swait.ge @p1 [sflag:s4], $0x2000  }
0x134: {  	[sflag:s4] =	ssyncset.done @p1 $0x0  }
0x135: {  	s10 =	sadd.s32 @p1 $0x2B00, s10;
	[sflag:s4] =	ssyncadd.s32 @p1 $0xFFFFE000;
	s4 =	simm.s32 @p1 $0x1C000  }
0x136: {  	[spmem:s3] =	stream.indirect.scatter.add.bf16 @p1 [tilespmem:s4], [sflag:$0xF], $0x40, s10, s11, $0xb8;
	v63 =	vld [tilespmem:$0x0]  }
0x137: {  	s4 =	simm.s32 @!p1 $0xD  }
0x138: {  	_ =	swait.ge @!p1 [sflag:s4], $0x2000  }
0x139: {  	[sflag:s4] =	ssyncset.done @!p1 $0x0  }
0x13a: {  	[sflag:s4] =	ssyncadd.s32 @!p1 $0xFFFFE000;
	s4 =	sadd.s32 @!p1 $0x600, s6  }
0x13b: {  	[tilespmem:s13], [sflag:$0x5] =	stream.indirect.gather @!p1 [hbm4b:s1+s9], $0x40, s4, s9, $0xb8;
	v63 =	vld [tilespmem:$0x0]  }
0x13c: {  	s4 =	simm.s32 @!p1 $0x7  }
0x13d: {  	_ =	swait.ge @!p1 [sflag:s4], $0x2000  }
0x13e: {  	[sflag:s4] =	ssyncset.done @!p1 $0x0  }
0x13f: {  	s10 =	sadd.s32 @!p1 $0x2B00, s6;
	[sflag:s4] =	ssyncadd.s32 @!p1 $0xFFFFE000;
	s4 =	simm.s32 @!p1 $0x1C000  }
0x140: {  	[spmem:s3] =	stream.indirect.scatter.add.bf16 @!p1 [tilespmem:s4], [sflag:$0xF], $0x40, s10, s9, $0xb8;
	v63 =	vld [tilespmem:$0x0]  }
0x141: {  	s4 =	simm.s32 @!p1 $0xE  }
0x142: {  	_ =	swait.ge @!p1 [sflag:s4], $0x2000  }
0x143: {  	[sflag:s4] =	ssyncset.done @!p1 $0x0  }
0x144: {  	s6 =	sadd.s32 @!p1 $0x680, s6;
	[sflag:s4] =	ssyncadd.s32 @!p1 $0xFFFFE000;
	s4 =	simm.s32 @!p1 $0x1A000  }
0x145: {  	[tilespmem:s4], [sflag:$0x6] =	stream.indirect.gather @!p1 [hbm4b:s1+s9], $0x40, s6, s9, $0xb8;
	v63 =	vld [tilespmem:$0x0]  }
0x146: {  	_ =	swait.ge [sflag:s8], $0x2000  }
0x147: {  	[sflag:s8] =	ssyncset.done $0x0  }
0x148: {  	s12 =	sadd.s32 $0x2B80, s18;
	s13 =	simm.s32 $0x9;
	[sflag:s8] =	ssyncadd.s32 $0xFFFFE000  }
0x149: {  	[spmem:s3] =	stream.indirect.scatter.add.bf16 [tilespmem:s2], [sflag:$0x10], $0x40, s12, s26, $0xb8;
	v63 =	vld [tilespmem:$0x0]  }
0x14a: {  	_ =	swait.ge [sflag:s13], $0x2000  }
0x14b: {  	[sflag:s13] =	ssyncset.done $0x0  }
0x14c: {  	s14 =	simm.s32 $0xA;
	[sflag:s13] =	ssyncadd.s32 $0xFFFFE000  }
0x14d: {  	_ =	swait.ge [sflag:s14], $0x2000  }
0x14e: {  	[sflag:s14] =	ssyncset.done $0x0  }
0x14f: {  	s15 =	simm.s32 $0xB;
	[sflag:s14] =	ssyncadd.s32 $0xFFFFE000  }
0x150: {  	_ =	swait.ge [sflag:s15], $0x2000  }
0x151: {  	[sflag:s15] =	ssyncset.done $0x0  }
0x152: {  	s16 =	simm.s32 $0xC;
	[sflag:s15] =	ssyncadd.s32 $0xFFFFE000  }
0x153: {  	_ =	swait.ge [sflag:s16], $0x2000  }
0x154: {  	[sflag:s16] =	ssyncset.done $0x0  }
0x155: {  	s17 =	simm.s32 $0xD;
	[sflag:s16] =	ssyncadd.s32 $0xFFFFE000  }
0x156: {  	_ =	swait.ge [sflag:s17], $0x2000  }
0x157: {  	[sflag:s17] =	ssyncset.done $0x0  }
0x158: {  	s18 =	simm.s32 $0xE;
	[sflag:s17] =	ssyncadd.s32 $0xFFFFE000  }
0x159: {  	_ =	swait.ge [sflag:s18], $0x2000  }
0x15a: {  	[sflag:s18] =	ssyncset.done $0x0  }
0x15b: {  	s19 =	simm.s32 $0xF;
	[sflag:s18] =	ssyncadd.s32 $0xFFFFE000  }
0x15c: {  	_ =	swait.ge [sflag:s19], $0x2000  }
0x15d: {  	[sflag:s19] =	ssyncset.done $0x0  }
0x15e: {  	s20 =	simm.s32 $0x10;
	[sflag:s19] =	ssyncadd.s32 $0xFFFFE000  }
0x15f: {  	_ =	swait.ge [sflag:s20], $0x2000  }
0x160: {  	[sflag:s20] =	ssyncset.done $0x0  }
0x161: {  	[sflag:s20] =	ssyncadd.s32 $0xFFFFE000  }
0x162: {  	s21 =	stileid.u32;
	[bflag:$0x0] =	sbarrier.arrive $0xFFFF  }
0x163: {  	s4 =	sshll.u32 s21, $0x6;
	s23 =	rddreg [dreg:$0x14]  }
0x164: {  	s10 =	simm.s32 $0x11;
	s4 =	sor.u32 $0x1C11, s4;
	s24 =	rddreg [dreg:$0x15]  }
0x165: {  	[hbm:s23], [sflag:s4] =	dma.local [spmem:s24], $0x1380  }
0x166: {  	_ =	swait.ge [sflag:s10], $0x1380  }
0x167: {  	[sflag:s10] =	ssyncset.done $0x0;
	s6 =	rddreg [dreg:$0x12]  }
0x168: {  	s9 =	rddreg [dreg:$0x16];
	[sflag:s10] =	ssyncadd.s32 $0xFFFFEC80;
	s6 =	sadd.s32 @!p0 $0x13800, s6  }
0x169: {  	[hbm:s6], [sflag:s4] =	dma.local @!p0 [spmem:s9], $0x80  }
0x16a: {  	s4 =	simm.s32 @!p0 $0x11  }
0x16b: {  	_ =	swait.ge @!p0 [sflag:s4], $0x80  }
0x16c: {  	s25 =	rddreg [dreg:$0x17]  }
0x16d: {  	s28 =	rddreg [dreg:$0x13];
	s9 =	sadd.s32 $0x1, s25  }
0x16e: {  	p1 =	sne.s32 s9, s28  }
.Ltmp1:
0x16f: {  	_ = 	snop;
	(pc) =	sbr.rel @p1 .LBB2_1-.Ltmp1, $3  }
0x170: {  	_ =	sdelay $0x1  }
0x171: {  	[sflag:s4] =	ssyncset.done @!p0 $0x0  }
0x172: {  	[sflag:s4] =	ssyncadd.s32 @!p0 $0xFFFFFF80  }
0x173: {  	_ =	sfence.sel $0x180000  }
0x174: {  	[bflag:$0x0] =	sbarrier.arrive $0xFFFF  }
0x175: {  	_ =	strace $0x90000047  }
0x176: {  	s0 =	stileid.u32;
	[bflag:$0x2] =	sbarrier.arrive $0xFFFF  }
0x177: {  	p0 =	sne.s32 s0, $0x0;
	s0 =	rddreg [dreg:$0x3]  }
0x178: {  	s0 =	sadd.s32 @!p0 $0x100000, s0  }
0x179: {  	[sflag:s0] =	ssyncadd.tile.s32 @!p0 $0x1;
	_ =	shalt  }
.Lfunc_end2:
_tile_overlayer_lowered:
.L_overlay_start_2:
0x17a: {  	(tag) =	ssettag $0x2  }
0x17b: {  	s0 =	rddreg [dreg:$0x0];
	s2 =	stileid.u32  }
0x17c: {  	s1 =	rddreg [dreg:$0x1];
	p0 =	sne.s32 s2, $0x0  }
0x17d: {  	s3 =	rddreg [dreg:$0x2];
	[bflag:$0x3] =	sbarrier.arrive $0xFFFF;
	s2 =	simm.s32 @!p0 $0x1C11  }
0x17e: {  	[timem:s3], [sflag:s2] =	dma.local @!p0 [hbm:s0], s1  }
0x17f: {  	s0 =	simm.s32 @!p0 $0x11  }
0x180: {  	_ =	swait.ge @!p0 [sflag:s0], s1  }
0x181: {  	s1 =	ssub.s32 @!p0 $0x0, s1;
	[sflag:s0] =	ssyncset.done @!p0 $0x0  }
0x182: {  	[sflag:s0] =	ssyncadd.s32 @!p0 s1  }
0x183: {  	[bflag:$0x3] =	sbarrier.arrive $0xFFFF  }
0x184: {  	_ =	shalt  }

// kernel: kernel.9.cloned.1.call-start
scs
__scs_entry_jumppad:
0x0: {  	(pc) =	sbr.rel $0x88, $3  }
0x1: {  	(tag) =	ssettag $0x0;
	lr =	simm.s32 $0x1  }
0x2: {  	[smem:$0x3F97] =	sst lr;
	_ =	strace $0xD0000000  }
0x3: {  	_ = 	snop  }
0x4: {  	_ = 	snop  }
0x5: {  	_ = 	snop  }
0x6: {  	_ = 	snop  }
0x7: {  	_ = 	snop  }
__scs_overlays_trampoline_lowered:
0x8: {  	[smem:$0x3FA6] =	sst s0  }
0x9: {  	[smem:$0x3FA7] =	sst s1  }
0xa: {  	[smem:$0x3FA8] =	sst s2  }
0xb: {  	[smem:$0x3FA9] =	sst s3  }
0xc: {  	[smem:$0x3FAA] =	sst s4  }
0xd: {  	[smem:$0x3FAB] =	sst s5  }
0xe: {  	[smem:$0x3FAC] =	sst s6  }
0xf: {  	[smem:$0x3FAD] =	sst s7  }
0x10: {  	[smem:$0x3FAE] =	sst s8  }
0x11: {  	[smem:$0x3FAF] =	sst s9;
	s0 =	simm.s32 @!p0 $0x0  }
0x12: {  	s1 =	sld [smem:$0x3F95];
	s0 =	simm.s32 @p0 $0x1  }
0x13: {  	[smem:$0x3FB0] =	sst s0;
	s0 =	simm.s32 @!p1 $0x0  }
0x14: {  	s2 =	sld [smem:$0x3F94];
	s0 =	simm.s32 @p1 $0x1  }
0x15: {  	[smem:$0x3FB1] =	sst s0;
	s0 =	simm.s32 @!p2 $0x0  }
0x16: {  	s3 =	sld [smem:$0x3FDB];
	s0 =	simm.s32 @p2 $0x1  }
0x17: {  	s4 =	simm.s32 $0x1BF5;
	[smem:$0x3FB3] =	sst s0  }
0x18: {  	s0 =	sld [smem:$0x3F96];
	_ =	swait.ge [sflag:s4], $0x0  }
0x19: {  	s7 =	sld [smem:$0x3F97]  }
0x1a: {  	s8 =	sadd.s32 $0xFFFFE003, lr  }
0x1b: {  	s9 =	sadd.s32 $0xFFFFFEF7, lr;
	s5 =	simm.s32 $0xFFFFFFFF;
	p2 =	slt.u32 s8, $0xFFFFF086  }
0x1c: {  	p1 =	slt.u32 s9, $0xF7A;
	s5 =	simm.s32 @!p2 $0x0  }
0x1d: {  	s5 =	simm.s32 @p1 $0x1;
	p0 =	seq.s32 s7, s2  }
0x1e: {  	s7 =	smul.u32 @!p0 $0xF7A, s2;
	p2 =	seq.s32 @!p0 s5, $0x0  }
0x1f: {  	s9 =	smul.u32 $0xF7A, s1;
	s8 =	simm.s32 @!p0 $0x1BF5;
	p2 =	por !p2, p0  }
0x20: {  	[sflag:s8] =	ssyncset.s32 @!p0 $0xFFFFF086;
	s6 =	sadd.s32 @!p0 s3, s7;
	s7 =	simm.s32 @!p0 $0x108  }
0x21: {  	s3 =	sadd.s32 s3, s9;
	s6 =	sadd.s32 @!p0 $0x88, s6;
	s7 =	simm.s32 @p2 $0x1082  }
0x22: {  	[simem:s7], [sflag:s8] =	dma.local @!p0 [hbm:s6], $0xF7A  }
0x23: {  	s9 =	sor.u32 $0xD0000000, s2;
	s6 =	simm.s32 $0x108;
	_ =	swait.ge @!p0 [sflag:s8], $0x0  }
0x24: {  	s3 =	sadd.s32 $0x88, s3;
	s6 =	simm.s32 @!p1 $0x1082;
	[sflag:s4] =	ssyncset.s32 $0xFFFFF086  }
0x25: {  	[simem:s6], [sflag:s4] =	dma.local [hbm:s3], $0xF7A  }
0x26: {  	[smem:$0x3F97] =	sst s1;
	(tag) =	ssettag s2;
	_ =	strace s9  }
0x27: {  	s1 =	sld [smem:$0x3FA7]  }
0x28: {  	s2 =	sld [smem:$0x3FA8]  }
0x29: {  	s4 =	sld [smem:$0x3FAA]  }
0x2a: {  	p0 =	seq.s32 s5, $0x0;
	s5 =	sld [smem:$0x3FAB]  }
0x2b: {  	s6 =	sld [smem:$0x3FAC]  }
0x2c: {  	s7 =	sld [smem:$0x3FAD]  }
0x2d: {  	s3 =	simm.s32 $0x108;
	s8 =	sld [smem:$0x3FAE]  }
0x2e: {  	s3 =	simm.s32 @!p0 $0x1082;
	s9 =	sld [smem:$0x3FAF]  }
0x2f: {  	lr =	sadd.s32 s0, s3;
	s0 =	sld [smem:$0x3FA6]  }
0x30: {  	s3 =	sld [smem:$0x3FA9]  }
0x31: {  	[smem:$0x3FB2] =	sst s10  }
0x32: {  	s10 =	sld [smem:$0x3FB0];
	_ =	sdelay $0x3  }
0x33: {  	p0 =	seq.s32 s10, $0x1;
	s10 =	sld [smem:$0x3FB2];
	_ =	sdelay $0x3  }
0x34: {  	[smem:$0x3FB2] =	sst s10  }
0x35: {  	s10 =	sld [smem:$0x3FB1];
	_ =	sdelay $0x3  }
0x36: {  	p1 =	seq.s32 s10, $0x1;
	s10 =	sld [smem:$0x3FB2];
	_ =	sdelay $0x3  }
0x37: {  	[smem:$0x3FB2] =	sst s10  }
0x38: {  	s10 =	sld [smem:$0x3FB3]  }
0x39: {  	_ = 	snop;
	(pc) =	sbr.ind lr, $3  }
0x3a: {  	_ = 	snop  }
0x3b: {  	_ = 	snop  }
0x3c: {  	p2 =	seq.s32 s10, $0x1;
	s10 =	sld [smem:$0x3FB2]  }
0x3d: {  	_ =	shalt  }
0x3e: {  	_ =	shalt  }
0x3f: {  	_ =	shalt  }
0x40: {  	_ =	shalt  }
0x41: {  	_ =	shalt  }
0x42: {  	_ =	shalt  }
0x43: {  	_ =	shalt  }
0x44: {  	_ =	shalt  }
0x45: {  	_ =	shalt  }
0x46: {  	_ =	shalt  }
0x47: {  	_ =	shalt  }
0x48: {  	_ =	shalt  }
0x49: {  	_ =	shalt  }
0x4a: {  	_ =	shalt  }
0x4b: {  	_ =	shalt  }
0x4c: {  	_ =	shalt  }
0x4d: {  	_ =	shalt  }
0x4e: {  	_ =	shalt  }
0x4f: {  	_ =	shalt  }
0x50: {  	_ =	shalt  }
0x51: {  	_ =	shalt  }
0x52: {  	_ =	shalt  }
0x53: {  	_ =	shalt  }
0x54: {  	_ =	shalt  }
0x55: {  	_ =	shalt  }
0x56: {  	_ =	shalt  }
0x57: {  	_ =	shalt  }
0x58: {  	_ =	shalt  }
0x59: {  	_ =	shalt  }
0x5a: {  	_ =	shalt  }
0x5b: {  	_ =	shalt  }
0x5c: {  	_ =	shalt  }
0x5d: {  	_ =	shalt  }
0x5e: {  	_ =	shalt  }
0x5f: {  	_ =	shalt  }
0x60: {  	_ =	shalt  }
0x61: {  	_ =	shalt  }
0x62: {  	_ =	shalt  }
0x63: {  	_ =	shalt  }
0x64: {  	_ =	shalt  }
0x65: {  	_ =	shalt  }
0x66: {  	_ =	shalt  }
0x67: {  	_ =	shalt  }
0x68: {  	_ =	shalt  }
0x69: {  	_ =	shalt  }
0x6a: {  	_ =	shalt  }
0x6b: {  	_ =	shalt  }
0x6c: {  	_ =	shalt  }
0x6d: {  	_ =	shalt  }
0x6e: {  	_ =	shalt  }
0x6f: {  	_ =	shalt  }
0x70: {  	_ =	shalt  }
0x71: {  	_ =	shalt  }
0x72: {  	_ =	shalt  }
0x73: {  	_ =	shalt  }
0x74: {  	_ =	shalt  }
0x75: {  	_ =	shalt  }
0x76: {  	_ =	shalt  }
0x77: {  	_ =	shalt  }
0x78: {  	_ =	shalt  }
0x79: {  	_ =	shalt  }
0x7a: {  	_ =	shalt  }
0x7b: {  	_ =	shalt  }
0x7c: {  	_ =	shalt  }
0x7d: {  	_ =	shalt  }
0x7e: {  	_ =	shalt  }
0x7f: {  	_ =	shalt  }
0x80: {  	_ =	shalt  }
0x81: {  	_ =	shalt  }
0x82: {  	_ =	shalt  }
0x83: {  	_ =	shalt  }
0x84: {  	_ =	shalt  }
0x85: {  	_ =	shalt  }
0x86: {  	_ =	shalt  }
0x87: {  	_ =	shalt  }
.Lfunc_end0:
.L_simem_size_0:
called_computation.1_lowered:
.L_overlay_start_0:
0x88: {  	s2 =	sld [smem:$0x3FD9]  }
0x89: {  	s3 =	sld [smem:$0x3FFE];
	_ =	sdelay $0x1  }
0x8a: {  	s1 =	srdreg.scid  }
0x8b: {  	s0 =	sand.u32 $0x1, s1  }
0x8c: {  	s17 =	sshll.u32 s0, $0xA;
	s2 =	sadd.s32 s3, s2  }
0x8d: {  	s2 =	sadd.s32 s2, s17  }
0x8e: {  	[smem:$0x3FBE] =	sst s2  }
0x8f: {  	_ = 	snop  }
0x90: {  	s2 =	sld [smem:$0x3FD0];
	(tm) =	ssettm $0x1  }
0x91: {  	s18 =	sld [smem:$0x3FFB];
	_ =	sdelay $0x3  }
0x92: {  	_ =	strace s18  }
0x93: {  	s3 =	sld [smem:$0x3FFC];
	_ =	sdelay $0x3  }
0x94: {  	_ =	strace s3  }
0x95: {  	s3 =	sld [smem:$0x3FFD];
	_ =	sdelay $0x3  }
0x96: {  	_ =	strace s3  }
0x97: {  	_ =	strace $0x8FFFFFFF  }
0x98: {  	s19 =	sld [smem:$0x3FDB];
	_ =	sdelay $0x1  }
0x99: {  	s4 =	simm.s32 $_scs_section_size  }
0x9a: {  	s5 =	simm.s32 $_size__tile_overlayer_lowered;
	s6 =	simm.s32 $_tile_overlayer_lowered  }
0x9b: {  	s22 =	simm.s32 $0x1BFF;
	s21 =	sshll.u32 s6, $0x1;
	s3 =	sadd.s32 s4, s19  }
0x9c: {  	s7 =	simm.s32 $0x0;
	s20 =	sshll.u32 s5, $0x1;
	s5 =	sadd.s32 s21, s3  }
0x9d: {  	[timem:s7], [sflag:s22] =	dma.local [hbm:s5], s20  }
0x9e: {  	_ =	swait.ge [sflag:s22], s20  }
0x9f: {  	s4 =	ssub.s32 $0x0, s20;
	[sflag:s22] =	ssyncset.done $0x0  }
0xa0: {  	[sflag:s22] =	ssyncadd.s32 s4;
	_ =	sdelay $0x1  }
0xa1: {  	s23 =	simm.s32 $0x1B8B  }
0xa2: {  	_ =	swait.ge [sflag:s23], $0x1  }
0xa3: {  	[sflag:s23] =	ssyncset.done $0x0  }
0xa4: {  	s25 =	simm.s32 $0x1B8E;
	s24 =	sld [smem:$0x3FFE];
	[sflag:s23] =	ssyncadd.s32 $0xFFFFFFFF  }
0xa5: {  	s26 =	simm.s32 $execute0_lowered;
	[smem:$0x3FD2] =	sst s25  }
0xa6: {  	s5 =	sshll.u32 s26, $0x1;
	_ =	strace $0x80000049;
	[dreg:$0x1] =	wrdreg $0xFFFFFFFF  }
0xa7: {  	s28 =	simm.s32 $_size_execute0_lowered;
	s3 =	sadd.s32 s3, s5;
	[dreg:$0x0] =	wrdreg $0x0  }
0xa8: {  	s5 =	sshll.u32 s28, $0x1;
	[dreg:$0x2] =	wrdreg s3  }
0xa9: {  	[dreg:$0x3] =	wrdreg s5  }
0xaa: {  	[dreg:$0x4] =	wrdreg $0xC0  }
0xab: {  	_ =	task [dreg:s7], $0x5FFFF  }
0xac: {  	[dreg:$0x1] =	wrdreg $0xFFFFFFFF  }
0xad: {  	[dreg:$0x0] =	wrdreg $0x60  }
0xae: {  	[dreg:$0x2] =	wrdreg s24  }
0xaf: {  	[dreg:$0x3] =	wrdreg s2  }
0xb0: {  	[dreg:$0x4] =	wrdreg $0x58000  }
0xb1: {  	[dreg:$0x5] =	wrdreg $0x9  }
0xb2: {  	_ =	task.clear_ibuf [dreg:s7], $0x6FFFF;
	_ =	strace $0x90000049  }
0xb3: {  	s29 =	simm.s32 $0x9;
	_ =	strace $0x8000004B  }
0xb4: {  	_ =	swait.ge [sflag:s29], $0x1  }
0xb5: {  	[sflag:s29] =	ssyncadd.s32 $0xFFFFFFFF  }
0xb6: {  	_ =	strace $0x9000004B  }
0xb7: {  	_ =	sfence  }
0xb8: {  	s30 =	sld [smem:$0x0];
	_ =	sdelay $0x2  }
0xb9: {  	s31 =	sshll.u32 s1, $0xD;
	s1 =	sshrl.u32 s1, $0x2  }
0xba: {  	s3 =	sand.u32 $0x4000, s31;
	s1 =	sadd.s32 s1, s30  }
0xbb: {  	s0 =	sor.u32 s3, s0;
	s1 =	sshll.u32 s1, $0x11  }
0xbc: {  	s0 =	sor.u32 s1, s0  }
0xbd: {  	s0 =	sadd.s32 $0x8F2B, s0  }
0xbe: {  	[sflag:s0] =	ssyncadd.remote.s32 $0x1  }
0xbf: {  	_ =	sfence.sel $0xFFFF  }
0xc0: {  	[dreg:$0x0] =	wrdreg $0xFFFFFFFF;
	(pc) =	sbr.abs _section_cstart, $3  }
0xc1: {  	[dreg:$0x1] =	wrdreg $0xFFFFFFFF  }
0xc2: {  	_ =	task.clear_ibuf [dreg:s7], $0x2FFFF;
	_ =	strace $0x9FFFFFFF  }
0xc3: {  	(tm) =	ssettm $0x7FFFFFFF  }
tec
execute0_lowered:
.L_overlay_start_1:
0x0: {  	(tag) =	ssettag $0x1  }
0x1: {  	s0 =	srdreg.scid;
	s1 =	rddreg [dreg:$0x0]  }
0x2: {  	s5 =	rddreg [dreg:$0x1];
	s10 =	stileid.u32  }
0x3: {  	s2 =	rddreg [dreg:$0x2];
	s9 =	simm.s32 $0x0;
	s26 =	simm.s32 $0x10800  }
0x4: {  	s31 =	simm.s32 $0x1;
	s29 =	simm.s32 $0xA800;
	s30 =	simm.s32 $0xF800  }
0x5: {  	s0 =	sand.u32 $0x1, s0;
	[smem:$0x7FF] =	sst s9;
	s7 =	smul.u32 $0x14000, s10  }
0x6: {  	s19 =	smul.u32 $0x9C00, s10;
	p0 =	sne.s32 s10, $0xF;
	s3 =	sshll.u32 s0, $0x4  }
0x7: {  	s8 =	ssub.s32 $0x2, s0;
	s0 =	smul.u32 $0x9C40, s0;
	s7 =	sshrl.u32 s7, $0x2  }
0x8: {  	_ =	strace $0x8000004A;
	[dreg:$0x4] =	wrdreg s26;
	s12 =	sadd.s32 s7, s2  }
0x9: {  	s26 =	simm.s32 $0x80;
	s23 =	sadd.s32 s5, s0;
	[dreg:$0x6] =	wrdreg s12  }
0xa: {  	s4 =	sor.u32 s10, s3;
	s7 =	sadd.s32 $0x800, s12;
	[dreg:$0x12] =	wrdreg s23  }
0xb: {  	s9 =	sshrl.u32 s8, $0x1;
	s13 =	sadd.s32 $0x1000, s12;
	[dreg:$0x7] =	wrdreg s7  }
0xc: {  	s24 =	sshrl.u32 s19, $0x1;
	s14 =	sadd.s32 $0x1800, s12;
	[dreg:$0x8] =	wrdreg s13  }
0xd: {  	s25 =	sshrl.u32 s19, $0x4;
	s15 =	sadd.s32 $0x2000, s12;
	[dreg:$0x9] =	wrdreg s14  }
0xe: {  	s6 =	smul.u32 $0x500, s4;
	s16 =	sadd.s32 $0x2800, s12;
	[dreg:$0xa] =	wrdreg s15  }
0xf: {  	s4 =	sadd.s32 $0x15800, s1;
	s17 =	sadd.s32 $0x3000, s12;
	[dreg:$0xb] =	wrdreg s16  }
0x10: {  	s11 =	ssub.s32 s8, s9;
	s18 =	sadd.s32 $0x3800, s12;
	[dreg:$0xc] =	wrdreg s17  }
0x11: {  	s0 =	sadd.s32 s24, s2;
	s20 =	sadd.s32 $0x4000, s12;
	[dreg:$0xd] =	wrdreg s18  }
0x12: {  	s5 =	simm.s32 $0x4;
	s3 =	sadd.s32 $0x4800, s12;
	[dreg:$0xe] =	wrdreg s20  }
0x13: {  	s8 =	simm.s32 $0x8;
	s28 =	sadd.s32 s25, s23;
	[dreg:$0xf] =	wrdreg s3  }
0x14: {  	s9 =	simm.s32 $0x0;
	s0 =	sshrl.u32 s0, $0x3;
	[dreg:$0x14] =	wrdreg s28  }
0x15: {  	s6 =	sadd.s32 s6, s1;
	s1 =	sadd.s32 $0x3CA00, s1;
	[dreg:$0x15] =	wrdreg s0  }
0x16: {  	s7 =	simm.s32 $0x6;
	[dreg:$0x5] =	wrdreg s1;
	s21 =	sadd.s32 $0x1800, s6  }
0x17: {  	s22 =	sadd.s32 $0xB800, s6;
	s6 =	sadd.s32 $0x4E000, s2;
	[dreg:$0x10] =	wrdreg s21  }
0x18: {  	s1 =	smax.u32 s11, $0x1;
	s11 =	simm.s32 $0x11;
	[dreg:$0x11] =	wrdreg s22  }
0x19: {  	[dreg:$0x13] =	wrdreg s1;
	s0 =	sshrl.u32 @!p0 s6, $0x3;
	s1 =	simm.s32 $0x11800  }
0x1a: {  	s22 =	simm.s32 $0xB800;
	[dreg:$0x16] =	wrdreg s0;
	s0 =	simm.s32 $0x2  }
.LBB2_1:
0x1b: {  	[dreg:$0x17] =	wrdreg s9  }
0x1c: {  	s3 =	simm.s32 $0x0;
	s6 =	rddreg [dreg:$0x5];
	s14 =	simm.s32 $0x5000  }
0x1d: {  	[tilespmem:s14], [sflag:$0x11] =	stream.linear.gather [hbm4b:s6+s3], $0x800, $0x38;
	[tilespmem:$0x12800] =	vst v63  }
0x1e: {  	_ =	swait.ge [sflag:s11], $0x800  }
0x1f: {  	[sflag:s11] =	ssyncset.done $0x0  }
0x20: {  	s15 =	rddreg [dreg:$0x6];
	[sflag:s11] =	ssyncadd.s32 $0xFFFFF800  }
0x21: {  	[spmem:s15] =	stream.linear.scatter [tilespmem:s14], [sflag:$0x11], $0x800, $0x38;
	[tilespmem:$0x12800] =	vst v63  }
0x22: {  	_ =	swait.ge [sflag:s11], $0x800  }
0x23: {  	[sflag:s11] =	ssyncset.done $0x0  }
0x24: {  	s16 =	rddreg [dreg:$0x7];
	[sflag:s11] =	ssyncadd.s32 $0xFFFFF800  }
0x25: {  	[spmem:s16] =	stream.linear.scatter [tilespmem:s14], [sflag:$0x11], $0x800, $0x38;
	[tilespmem:$0x12800] =	vst v63  }
0x26: {  	_ =	swait.ge [sflag:s11], $0x800  }
0x27: {  	[sflag:s11] =	ssyncset.done $0x0  }
0x28: {  	s17 =	rddreg [dreg:$0x8];
	[sflag:s11] =	ssyncadd.s32 $0xFFFFF800  }
0x29: {  	[spmem:s17] =	stream.linear.scatter [tilespmem:s14], [sflag:$0x11], $0x800, $0x38;
	[tilespmem:$0x12800] =	vst v63  }
0x2a: {  	_ =	swait.ge [sflag:s11], $0x800  }
0x2b: {  	[sflag:s11] =	ssyncset.done $0x0  }
0x2c: {  	s18 =	rddreg [dreg:$0x9];
	[sflag:s11] =	ssyncadd.s32 $0xFFFFF800  }
0x2d: {  	[spmem:s18] =	stream.linear.scatter [tilespmem:s14], [sflag:$0x11], $0x800, $0x38;
	[tilespmem:$0x12800] =	vst v63  }
0x2e: {  	_ =	swait.ge [sflag:s11], $0x800  }
0x2f: {  	[sflag:s11] =	ssyncset.done $0x0  }
0x30: {  	s19 =	rddreg [dreg:$0xa];
	[sflag:s11] =	ssyncadd.s32 $0xFFFFF800  }
0x31: {  	[spmem:s19] =	stream.linear.scatter [tilespmem:s14], [sflag:$0x11], $0x800, $0x38;
	[tilespmem:$0x12800] =	vst v63  }
0x32: {  	_ =	swait.ge [sflag:s11], $0x800  }
0x33: {  	[sflag:s11] =	ssyncset.done $0x0  }
0x34: {  	s20 =	rddreg [dreg:$0xb];
	[sflag:s11] =	ssyncadd.s32 $0xFFFFF800  }
0x35: {  	[spmem:s20] =	stream.linear.scatter [tilespmem:s14], [sflag:$0x11], $0x800, $0x38;
	[tilespmem:$0x12800] =	vst v63  }
0x36: {  	_ =	swait.ge [sflag:s11], $0x800  }
0x37: {  	[sflag:s11] =	ssyncset.done $0x0  }
0x38: {  	s21 =	rddreg [dreg:$0xc];
	[sflag:s11] =	ssyncadd.s32 $0xFFFFF800  }
0x39: {  	[spmem:s21] =	stream.linear.scatter [tilespmem:s14], [sflag:$0x11], $0x800, $0x38;
	[tilespmem:$0x12800] =	vst v63  }
0x3a: {  	_ =	swait.ge [sflag:s11], $0x800  }
0x3b: {  	[sflag:s11] =	ssyncset.done $0x0  }
0x3c: {  	s23 =	rddreg [dreg:$0xd];
	[sflag:s11] =	ssyncadd.s32 $0xFFFFF800  }
0x3d: {  	[spmem:s23] =	stream.linear.scatter [tilespmem:s14], [sflag:$0x11], $0x800, $0x38;
	[tilespmem:$0x12800] =	vst v63  }
0x3e: {  	_ =	swait.ge [sflag:s11], $0x800  }
0x3f: {  	[sflag:s11] =	ssyncset.done $0x0  }
0x40: {  	s24 =	rddreg [dreg:$0xe];
	[sflag:s11] =	ssyncadd.s32 $0xFFFFF800  }
0x41: {  	[spmem:s24] =	stream.linear.scatter [tilespmem:s14], [sflag:$0x11], $0x800, $0x38;
	[tilespmem:$0x12800] =	vst v63  }
0x42: {  	_ =	swait.ge [sflag:s11], $0x800  }
0x43: {  	[sflag:s11] =	ssyncset.done $0x0  }
0x44: {  	s25 =	rddreg [dreg:$0xf];
	[sflag:s11] =	ssyncadd.s32 $0xFFFFF800  }
0x45: {  	[spmem:s25] =	stream.linear.scatter [tilespmem:s14], [sflag:$0x11], $0x800, $0x38;
	[tilespmem:$0x12800] =	vst v63  }
0x46: {  	_ =	swait.ge [sflag:s11], $0x800  }
0x47: {  	[sflag:s11] =	ssyncset.done $0x0  }
0x48: {  	[sflag:s11] =	ssyncadd.s32 $0xFFFFF800  }
0x49: {  	[bflag:$0x0] =	sbarrier.arrive $0xFFFF  }
0x4a: {  	s28 =	rddreg [dreg:$0x10]  }
0x4b: {  	[tilespmem:s3], [sflag:$0x11] =	stream.linear.gather [hbm4b:s28+s3], $0x2800, $0x38;
	[tilespmem:$0x12800] =	vst v63  }
0x4c: {  	_ =	swait.ge [sflag:s11], $0x2800  }
0x4d: {  	[sflag:s11] =	ssyncset.done $0x0  }
0x4e: {  	s10 =	simm.s32 $0x2800;
	s9 =	rddreg [dreg:$0x11];
	[sflag:s11] =	ssyncadd.s32 $0xFFFFD800  }
0x4f: {  	[tilespmem:s10], [sflag:$0x11] =	stream.linear.gather [hbm4b:s9+s3], $0x2800, $0x38;
	[tilespmem:$0x12800] =	vst v63  }
0x50: {  	_ =	swait.ge [sflag:s11], $0x2800  }
0x51: {  	[sflag:s11] =	ssyncset.done $0x0  }
0x52: {  	s10 =	simm.s32 $0xA800;
	[sflag:s11] =	ssyncadd.s32 $0xFFFFD800  }
0x53: {  	[tilespmem:s10], [sflag:$0x1] =	stream.indirect.gather [hbm4b:s4+s26], $0x20, s3, s26, $0xb8;
	[tilespmem:$0x12800] =	vst v63  }
0x54: {  	s12 =	simm.s32 $0xB800  }
0x55: {  	[tilespmem:s12], [sflag:$0x2] =	stream.indirect.gather [hbm4b:s4+s26], $0x20, s26, s26, $0xb8;
	[tilespmem:$0x12800] =	vst v63  }
0x56: {  	s13 =	simm.s32 $0x100;
	s14 =	simm.s32 $0xC800  }
0x57: {  	[tilespmem:s14], [sflag:$0x3] =	stream.indirect.gather [hbm4b:s4+s26], $0x20, s13, s26, $0xb8;
	[tilespmem:$0x12800] =	vst v63  }
0x58: {  	s15 =	simm.s32 $0x180;
	s13 =	simm.s32 $0xD800  }
0x59: {  	[tilespmem:s13], [sflag:$0x4] =	stream.indirect.gather [hbm4b:s4+s26], $0x20, s15, s26, $0xb8;
	[tilespmem:$0x12800] =	vst v63  }
0x5a: {  	p1 =	por $0x1, $0x1;
	s16 =	simm.s32 $0x200;
	s17 =	simm.s32 $0xE800  }
0x5b: {  	[tilespmem:s17], [sflag:$0x5] =	stream.indirect.gather [hbm4b:s4+s26], $0x20, s16, s26, $0xb8;
	[tilespmem:$0x12800] =	vst v63  }
0x5c: {  	s6 =	simm.s32 @!p1 $0xF;
	s18 =	simm.s32 $0x280;
	s14 =	simm.s32 $0xF800  }
0x5d: {  	[tilespmem:s14], [sflag:$0x6] =	stream.indirect.gather [hbm4b:s4+s26], $0x20, s18, s26, $0xb8;
	[tilespmem:$0x12800] =	vst v63  }
0x5e: {  	_ =	swait.ge @!p1 [sflag:s6], $0x1000  }
0x5f: {  	[sflag:s6] =	ssyncset.done @!p1 $0x0  }
0x60: {  	s20 =	simm.s32 $0x300;
	s19 =	rddreg [dreg:$0x4];
	[sflag:s6] =	ssyncadd.s32 @!p1 $0xFFFFF000  }
0x61: {  	[tilespmem:s19], [sflag:$0x7] =	stream.indirect.gather [hbm4b:s4+s26], $0x20, s20, s26, $0xb8;
	[tilespmem:$0x12800] =	vst v63  }
0x62: {  	_ =	swait.ge [sflag:s31], $0x1000  }
0x63: {  	[sflag:s31] =	ssyncset.done $0x0  }
0x64: {  	s21 =	simm.s32 $0x2800;
	s9 =	simm.s32 @!p1 $0x10;
	[sflag:s31] =	ssyncadd.s32 $0xFFFFF000  }
0x65: {  	[spmem:s2] =	stream.indirect.scatter.add.bf16 [tilespmem:s10], [sflag:$0x9], $0x20, s21, s26, $0xb8;
	[tilespmem:$0x12800] =	vst v63  }
0x66: {  	_ =	swait.ge @!p1 [sflag:s9], $0x1000  }
0x67: {  	[sflag:s9] =	ssyncset.done @!p1 $0x0  }
0x68: {  	s23 =	simm.s32 $0x380;
	[sflag:s9] =	ssyncadd.s32 @!p1 $0xFFFFF000  }
0x69: {  	[tilespmem:s1], [sflag:$0x8] =	stream.indirect.gather [hbm4b:s4+s26], $0x20, s23, s26, $0xb8;
	[tilespmem:$0x12800] =	vst v63  }
0x6a: {  	_ =	swait.ge [sflag:s0], $0x1000  }
0x6b: {  	p1 =	por $0x0, $0x0;
	[sflag:s0] =	ssyncset.done $0x0  }
0x6c: {  	s24 =	simm.s32 $0x2880;
	s10 =	simm.s32 @p1 $0x3;
	[sflag:s0] =	ssyncadd.s32 $0xFFFFF000  }
0x6d: {  	[spmem:s2] =	stream.indirect.scatter.add.bf16 [tilespmem:s12], [sflag:$0xA], $0x20, s24, s26, $0xb8;
	[tilespmem:$0x12800] =	vst v63  }
0x6e: {  	_ =	swait.ge @p1 [sflag:s10], $0x1000  }
0x6f: {  	s6 =	simm.s32 @p1 $0x2900;
	s9 =	simm.s32 @p1 $0x80;
	[sflag:s10] =	ssyncset.done @p1 $0x0  }
0x70: {  	s11 =	simm.s32 @p1 $0xC800;
	[sflag:s10] =	ssyncadd.s32 @p1 $0xFFFFF000;
	s10 =	simm.s32 @!p1 $0x9  }
0x71: {  	[spmem:s2] =	stream.indirect.scatter.add.bf16 @p1 [tilespmem:s11], [sflag:$0xB], $0x20, s6, s9, $0xb8;
	[tilespmem:$0x12800] =	vst v63  }
0x72: {  	_ =	swait.ge @!p1 [sflag:s10], $0x1000  }
0x73: {  	s12 =	simm.s32 @!p1 $0xA800;
	s11 =	simm.s32 @!p1 $0x400;
	[sflag:s10] =	ssyncset.done @!p1 $0x0  }
0x74: {  	s6 =	simm.s32 @!p1 $0x80;
	[sflag:s10] =	ssyncadd.s32 @!p1 $0xFFFFF000;
	s10 =	simm.s32 @!p1 $0x3  }
0x75: {  	[tilespmem:s12], [sflag:$0x1] =	stream.indirect.gather @!p1 [hbm4b:s4+s6], $0x20, s11, s6, $0xb8;
	[tilespmem:$0x12800] =	vst v63  }
0x76: {  	_ =	swait.ge @!p1 [sflag:s10], $0x1000  }
0x77: {  	s11 =	simm.s32 @!p1 $0x2900;
	[sflag:s10] =	ssyncset.done @!p1 $0x0  }
0x78: {  	s12 =	simm.s32 @!p1 $0xC800;
	[sflag:s10] =	ssyncadd.s32 @!p1 $0xFFFFF000;
	s10 =	simm.s32 @!p1 $0xA  }
0x79: {  	[spmem:s2] =	stream.indirect.scatter.add.bf16 @!p1 [tilespmem:s12], [sflag:$0xB], $0x20, s11, s6, $0xb8;
	[tilespmem:$0x12800] =	vst v63  }
0x7a: {  	_ =	swait.ge @!p1 [sflag:s10], $0x1000  }
0x7b: {  	[sflag:s10] =	ssyncset.done @!p1 $0x0  }
0x7c: {  	s11 =	simm.s32 @!p1 $0x480;
	[sflag:s10] =	ssyncadd.s32 @!p1 $0xFFFFF000;
	s10 =	simm.s32 @!p1 $0xB800  }
0x7d: {  	[tilespmem:s10], [sflag:$0x2] =	stream.indirect.gather @!p1 [hbm4b:s4+s6], $0x20, s11, s6, $0xb8;
	[tilespmem:$0x12800] =	vst v63  }
0x7e: {  	_ =	swait.ge [sflag:s5], $0x1000  }
0x7f: {  	[sflag:s5] =	ssyncset.done $0x0  }
0x80: {  	s25 =	simm.s32 $0x2980;
	s11 =	simm.s32 @p1 $0x5;
	[sflag:s5] =	ssyncadd.s32 $0xFFFFF000  }
0x81: {  	[spmem:s2] =	stream.indirect.scatter.add.bf16 [tilespmem:s13], [sflag:$0xC], $0x20, s25, s26, $0xb8;
	[tilespmem:$0x12800] =	vst v63  }
0x82: {  	_ =	swait.ge @p1 [sflag:s11], $0x1000  }
0x83: {  	[sflag:s11] =	ssyncset.done @p1 $0x0  }
0x84: {  	s10 =	simm.s32 @p1 $0x2A00;
	[sflag:s11] =	ssyncadd.s32 @p1 $0xFFFFF000;
	s11 =	simm.s32 @p1 $0xE800  }
0x85: {  	[spmem:s2] =	stream.indirect.scatter.add.bf16 @p1 [tilespmem:s11], [sflag:$0xD], $0x20, s10, s9, $0xb8;
	[tilespmem:$0x12800] =	vst v63  }
0x86: {  	s10 =	simm.s32 @!p1 $0xB  }
0x87: {  	_ =	swait.ge @!p1 [sflag:s10], $0x1000  }
0x88: {  	[sflag:s10] =	ssyncset.done @!p1 $0x0  }
0x89: {  	s11 =	simm.s32 @!p1 $0x500;
	[sflag:s10] =	ssyncadd.s32 @!p1 $0xFFFFF000;
	s10 =	simm.s32 @!p1 $0x5  }
0x8a: {  	[tilespmem:s12], [sflag:$0x3] =	stream.indirect.gather @!p1 [hbm4b:s4+s6], $0x20, s11, s6, $0xb8;
	[tilespmem:$0x12800] =	vst v63  }
0x8b: {  	_ =	swait.ge @!p1 [sflag:s10], $0x1000  }
0x8c: {  	s11 =	simm.s32 @!p1 $0x2A00;
	[sflag:s10] =	ssyncset.done @!p1 $0x0  }
0x8d: {  	s12 =	simm.s32 @!p1 $0xE800;
	[sflag:s10] =	ssyncadd.s32 @!p1 $0xFFFFF000;
	s10 =	simm.s32 @!p1 $0xC  }
0x8e: {  	[spmem:s2] =	stream.indirect.scatter.add.bf16 @!p1 [tilespmem:s12], [sflag:$0xD], $0x20, s11, s6, $0xb8;
	[tilespmem:$0x12800] =	vst v63  }
0x8f: {  	_ =	swait.ge @!p1 [sflag:s10], $0x1000  }
0x90: {  	[sflag:s10] =	ssyncset.done @!p1 $0x0  }
0x91: {  	s11 =	simm.s32 @!p1 $0x580;
	[sflag:s10] =	ssyncadd.s32 @!p1 $0xFFFFF000;
	s10 =	simm.s32 @!p1 $0xD800  }
0x92: {  	[tilespmem:s10], [sflag:$0x4] =	stream.indirect.gather @!p1 [hbm4b:s4+s6], $0x20, s11, s6, $0xb8;
	[tilespmem:$0x12800] =	vst v63  }
0x93: {  	_ =	swait.ge [sflag:s7], $0x1000  }
0x94: {  	[sflag:s7] =	ssyncset.done $0x0  }
0x95: {  	s28 =	simm.s32 $0x2A80;
	s11 =	simm.s32 @p1 $0x7;
	[sflag:s7] =	ssyncadd.s32 $0xFFFFF000  }
0x96: {  	[spmem:s2] =	stream.indirect.scatter.add.bf16 [tilespmem:s14], [sflag:$0xE], $0x20, s28, s26, $0xb8;
	[tilespmem:$0x12800] =	vst v63  }
0x97: {  	_ =	swait.ge @p1 [sflag:s11], $0x1000  }
0x98: {  	[sflag:s11] =	ssyncset.done @p1 $0x0  }
0x99: {  	s10 =	simm.s32 @p1 $0x2B00;
	[sflag:s11] =	ssyncadd.s32 @p1 $0xFFFFF000;
	s11 =	simm.s32 @p1 $0x10800  }
0x9a: {  	[spmem:s2] =	stream.indirect.scatter.add.bf16 @p1 [tilespmem:s11], [sflag:$0xF], $0x20, s10, s9, $0xb8;
	[tilespmem:$0x12800] =	vst v63  }
0x9b: {  	s9 =	simm.s32 @!p1 $0xD  }
0x9c: {  	_ =	swait.ge @!p1 [sflag:s9], $0x1000  }
0x9d: {  	[sflag:s9] =	ssyncset.done @!p1 $0x0  }
0x9e: {  	[sflag:s9] =	ssyncadd.s32 @!p1 $0xFFFFF000;
	s9 =	simm.s32 @!p1 $0x600  }
0x9f: {  	[tilespmem:s12], [sflag:$0x5] =	stream.indirect.gather @!p1 [hbm4b:s4+s6], $0x20, s9, s6, $0xb8;
	[tilespmem:$0x12800] =	vst v63  }
0xa0: {  	s9 =	simm.s32 @!p1 $0x7  }
0xa1: {  	_ =	swait.ge @!p1 [sflag:s9], $0x1000  }
0xa2: {  	[sflag:s9] =	ssyncset.done @!p1 $0x0  }
0xa3: {  	s10 =	simm.s32 @!p1 $0x2B00;
	[sflag:s9] =	ssyncadd.s32 @!p1 $0xFFFFF000;
	s9 =	simm.s32 @!p1 $0x10800  }
0xa4: {  	[spmem:s2] =	stream.indirect.scatter.add.bf16 @!p1 [tilespmem:s9], [sflag:$0xF], $0x20, s10, s6, $0xb8;
	[tilespmem:$0x12800] =	vst v63  }
0xa5: {  	s9 =	simm.s32 @!p1 $0xE  }
0xa6: {  	_ =	swait.ge @!p1 [sflag:s9], $0x1000  }
0xa7: {  	p2 =	por $0x0, $0x0;
	s19 =	simm.s32 $0x2000;
	[sflag:s9] =	ssyncset.done @!p1 $0x0  }
0xa8: {  	s10 =	simm.s32 @!p1 $0x680;
	[sflag:s9] =	ssyncadd.s32 @!p1 $0xFFFFF000;
	s9 =	simm.s32 @!p1 $0xF800  }
0xa9: {  	[tilespmem:s9], [sflag:$0x6] =	stream.indirect.gather @!p1 [hbm4b:s4+s6], $0x20, s10, s6, $0xb8;
	[tilespmem:$0x12800] =	vst v63  }
0xaa: {  	s23 =	simm.s32 $0x2B80;
	s24 =	simm.s32 $0x1000;
	_ =	swait.ge [sflag:s8], $0x1000  }
.LBB2_2:
0xab: {  	[sflag:s8] =	ssyncset.done $0x0  }
0xac: {  	s6 =	simm.s32 @!p2 $0xF;
	[sflag:s8] =	ssyncadd.s32 $0xFFFFF000  }
0xad: {  	[spmem:s2] =	stream.indirect.scatter.add.bf16 [tilespmem:s1], [sflag:$0x10], $0x20, s23, s26, $0xb8;
	[tilespmem:$0x12800] =	vst v63  }
0xae: {  	_ =	swait.ge @!p2 [sflag:s6], $0x1000  }
0xaf: {  	s25 =	sshra.s32 s24, $0x2;
	[sflag:s6] =	ssyncset.done @!p2 $0x0  }
0xb0: {  	s16 =	sadd.s32 $0x300, s25;
	s10 =	rddreg [dreg:$0x4];
	[sflag:s6] =	ssyncadd.s32 @!p2 $0xFFFFF000  }
0xb1: {  	[tilespmem:s10], [sflag:$0x7] =	stream.indirect.gather [hbm4b:s4+s26], $0x20, s16, s26, $0xb8;
	[tilespmem:$0x12800] =	vst v63  }
0xb2: {  	_ =	swait.ge [sflag:s31], $0x1000  }
0xb3: {  	[sflag:s31] =	ssyncset.done $0x0  }
0xb4: {  	s17 =	sadd.s32 $0x2800, s25;
	s10 =	simm.s32 @!p2 $0x10;
	[sflag:s31] =	ssyncadd.s32 $0xFFFFF000  }
0xb5: {  	[spmem:s2] =	stream.indirect.scatter.add.bf16 [tilespmem:s29], [sflag:$0x9], $0x20, s17, s26, $0xb8;
	[tilespmem:$0x12800] =	vst v63  }
0xb6: {  	_ =	swait.ge @!p2 [sflag:s10], $0x1000  }
0xb7: {  	[sflag:s10] =	ssyncset.done @!p2 $0x0  }
0xb8: {  	s18 =	sadd.s32 $0x380, s25;
	[sflag:s10] =	ssyncadd.s32 @!p2 $0xFFFFF000  }
0xb9: {  	[tilespmem:s1], [sflag:$0x8] =	stream.indirect.gather [hbm4b:s4+s26], $0x20, s18, s26, $0xb8;
	[tilespmem:$0x12800] =	vst v63  }
0xba: {  	_ =	swait.ge [sflag:s0], $0x1000  }
0xbb: {  	p2 =	seq.s32 s24, $0x9000;
	[sflag:s0] =	ssyncset.done $0x0  }
0xbc: {  	s20 =	sadd.s32 $0x2880, s25;
	s10 =	simm.s32 @p2 $0x3;
	[sflag:s0] =	ssyncadd.s32 $0xFFFFF000  }
0xbd: {  	[spmem:s2] =	stream.indirect.scatter.add.bf16 [tilespmem:s22], [sflag:$0xA], $0x20, s20, s26, $0xb8;
	[tilespmem:$0x12800] =	vst v63  }
0xbe: {  	s11 =	sshra.s32 @p2 s24, $0x2;
	_ =	swait.ge @p2 [sflag:s10], $0x1000  }
0xbf: {  	s6 =	simm.s32 @p2 $0x80;
	s13 =	simm.s32 @p2 $0xC800;
	[sflag:s10] =	ssyncset.done @p2 $0x0  }
0xc0: {  	s12 =	sadd.s32 @p2 $0x2900, s11;
	[sflag:s10] =	ssyncadd.s32 @p2 $0xFFFFF000;
	s10 =	simm.s32 @!p2 $0x9  }
0xc1: {  	[spmem:s2] =	stream.indirect.scatter.add.bf16 @p2 [tilespmem:s13], [sflag:$0xB], $0x20, s12, s6, $0xb8;
	[tilespmem:$0x12800] =	vst v63  }
0xc2: {  	s24 =	sshra.s32 @!p2 s24, $0x2;
	_ =	swait.ge @!p2 [sflag:s10], $0x1000  }
0xc3: {  	s18 =	simm.s32 @!p2 $0x80;
	s14 =	sadd.s32 @!p2 $0x400, s24;
	[sflag:s10] =	ssyncset.done @!p2 $0x0  }
0xc4: {  	s13 =	simm.s32 @!p2 $0xA800;
	[sflag:s10] =	ssyncadd.s32 @!p2 $0xFFFFF000;
	s10 =	simm.s32 @!p2 $0x3  }
0xc5: {  	[tilespmem:s13], [sflag:$0x1] =	stream.indirect.gather @!p2 [hbm4b:s4+s18], $0x20, s14, s18, $0xb8;
	[tilespmem:$0x12800] =	vst v63  }
0xc6: {  	_ =	swait.ge @!p2 [sflag:s10], $0x1000  }
0xc7: {  	s17 =	simm.s32 @!p2 $0xC800;
	[sflag:s10] =	ssyncset.done @!p2 $0x0  }
0xc8: {  	s21 =	simm.s32 @!p2 $0xA;
	s12 =	sadd.s32 @!p2 $0x2900, s24;
	[sflag:s10] =	ssyncadd.s32 @!p2 $0xFFFFF000  }
0xc9: {  	[spmem:s2] =	stream.indirect.scatter.add.bf16 @!p2 [tilespmem:s17], [sflag:$0xB], $0x20, s12, s18, $0xb8;
	[tilespmem:$0x12800] =	vst v63  }
0xca: {  	s9 =	smov.u32 s19;
	_ =	swait.ge @!p2 [sflag:s21], $0x1000  }
0xcb: {  	s28 =	simm.s32 @!p2 $0xB800;
	s15 =	sadd.s32 @!p2 $0x480, s24;
	[sflag:s21] =	ssyncset.done @!p2 $0x0  }
0xcc: {  	s16 =	sadd.s32 @p2 $0x2A00, s11;
	s3 =	sadd.s32 @!p2 $0x500, s24;
	[sflag:s21] =	ssyncadd.s32 @!p2 $0xFFFFF000  }
0xcd: {  	[tilespmem:s28], [sflag:$0x2] =	stream.indirect.gather @!p2 [hbm4b:s4+s18], $0x20, s15, s18, $0xb8;
	[tilespmem:$0x12800] =	vst v63  }
0xce: {  	s20 =	sadd.s32 @!p2 $0x2A00, s24;
	s14 =	sadd.s32 @!p2 $0x580, s24;
	_ =	swait.ge [sflag:s5], $0x1000  }
0xcf: {  	s13 =	sadd.s32 @p2 $0x2B00, s11;
	s21 =	sadd.s32 $0x2980, s25;
	[sflag:s5] =	ssyncset.done $0x0  }
0xd0: {  	s15 =	simm.s32 @p2 $0x5;
	s28 =	simm.s32 $0xD800;
	[sflag:s5] =	ssyncadd.s32 $0xFFFFF000  }
0xd1: {  	[spmem:s2] =	stream.indirect.scatter.add.bf16 [tilespmem:s28], [sflag:$0xC], $0x20, s21, s26, $0xb8;
	[tilespmem:$0x12800] =	vst v63  }
0xd2: {  	s11 =	sadd.s32 @!p2 $0x2B00, s24;
	s10 =	sadd.s32 @!p2 $0x680, s24;
	_ =	swait.ge @p2 [sflag:s15], $0x1000  }
0xd3: {  	s12 =	sadd.s32 @!p2 $0x600, s24;
	s24 =	smov.u32 s9;
	[sflag:s15] =	ssyncset.done @p2 $0x0  }
0xd4: {  	s9 =	simm.s32 @p2 $0xE800;
	[sflag:s15] =	ssyncadd.s32 @p2 $0xFFFFF000;
	s15 =	simm.s32 @!p2 $0xB  }
0xd5: {  	[spmem:s2] =	stream.indirect.scatter.add.bf16 @p2 [tilespmem:s9], [sflag:$0xD], $0x20, s16, s6, $0xb8;
	[tilespmem:$0x12800] =	vst v63  }
0xd6: {  	_ =	swait.ge @!p2 [sflag:s15], $0x1000  }
0xd7: {  	[sflag:s15] =	ssyncset.done @!p2 $0x0  }
0xd8: {  	s9 =	simm.s32 @!p2 $0x5;
	[sflag:s15] =	ssyncadd.s32 @!p2 $0xFFFFF000  }
0xd9: {  	[tilespmem:s17], [sflag:$0x3] =	stream.indirect.gather @!p2 [hbm4b:s4+s18], $0x20, s3, s18, $0xb8;
	[tilespmem:$0x12800] =	vst v63  }
0xda: {  	_ =	swait.ge @!p2 [sflag:s9], $0x1000  }
0xdb: {  	[sflag:s9] =	ssyncset.done @!p2 $0x0  }
0xdc: {  	s3 =	simm.s32 @!p2 $0xE800;
	[sflag:s9] =	ssyncadd.s32 @!p2 $0xFFFFF000;
	s9 =	simm.s32 @!p2 $0xC  }
0xdd: {  	[spmem:s2] =	stream.indirect.scatter.add.bf16 @!p2 [tilespmem:s3], [sflag:$0xD], $0x20, s20, s18, $0xb8;
	[tilespmem:$0x12800] =	vst v63  }
0xde: {  	_ =	swait.ge @!p2 [sflag:s9], $0x1000  }
0xdf: {  	[sflag:s9] =	ssyncset.done @!p2 $0x0  }
0xe0: {  	s15 =	simm.s32 @!p2 $0xD800;
	[sflag:s9] =	ssyncadd.s32 @!p2 $0xFFFFF000  }
0xe1: {  	[tilespmem:s15], [sflag:$0x4] =	stream.indirect.gather @!p2 [hbm4b:s4+s18], $0x20, s14, s18, $0xb8;
	[tilespmem:$0x12800] =	vst v63  }
0xe2: {  	_ =	swait.ge [sflag:s7], $0x1000  }
0xe3: {  	[sflag:s7] =	ssyncset.done $0x0  }
0xe4: {  	s28 =	sadd.s32 $0x2A80, s25;
	s14 =	simm.s32 @p2 $0x7;
	[sflag:s7] =	ssyncadd.s32 $0xFFFFF000  }
0xe5: {  	[spmem:s2] =	stream.indirect.scatter.add.bf16 [tilespmem:s30], [sflag:$0xE], $0x20, s28, s26, $0xb8;
	[tilespmem:$0x12800] =	vst v63  }
0xe6: {  	_ =	swait.ge @p2 [sflag:s14], $0x1000  }
0xe7: {  	[sflag:s14] =	ssyncset.done @p2 $0x0  }
0xe8: {  	s9 =	simm.s32 @p2 $0x10800;
	[sflag:s14] =	ssyncadd.s32 @p2 $0xFFFFF000;
	s14 =	simm.s32 @!p2 $0xD  }
0xe9: {  	[spmem:s2] =	stream.indirect.scatter.add.bf16 @p2 [tilespmem:s9], [sflag:$0xF], $0x20, s13, s6, $0xb8;
	[tilespmem:$0x12800] =	vst v63  }
0xea: {  	_ =	swait.ge @!p2 [sflag:s14], $0x1000  }
0xeb: {  	[sflag:s14] =	ssyncset.done @!p2 $0x0  }
0xec: {  	s6 =	simm.s32 @!p2 $0x7;
	[sflag:s14] =	ssyncadd.s32 @!p2 $0xFFFFF000  }
0xed: {  	[tilespmem:s3], [sflag:$0x5] =	stream.indirect.gather @!p2 [hbm4b:s4+s18], $0x20, s12, s18, $0xb8;
	[tilespmem:$0x12800] =	vst v63  }
0xee: {  	s19 =	sadd.s32 $0x1000, s19;
	_ =	swait.ge @!p2 [sflag:s6], $0x1000  }
0xef: {  	p1 =	sne.s32 s19, $0xA000;
	[sflag:s6] =	ssyncset.done @!p2 $0x0  }
0xf0: {  	s3 =	simm.s32 @!p2 $0x10800;
	[sflag:s6] =	ssyncadd.s32 @!p2 $0xFFFFF000;
	s6 =	simm.s32 @!p2 $0xE  }
0xf1: {  	[spmem:s2] =	stream.indirect.scatter.add.bf16 @!p2 [tilespmem:s3], [sflag:$0xF], $0x20, s11, s18, $0xb8;
	[tilespmem:$0x12800] =	vst v63  }
.Ltmp0:
0xf2: {  	_ =	swait.ge @!p2 [sflag:s6], $0x1000;
	(pc) =	sbr.rel @p1 .LBB2_2-.Ltmp0, $4  }
0xf3: {  	[sflag:s6] =	ssyncset.done @!p2 $0x0  }
0xf4: {  	s3 =	simm.s32 @!p2 $0xF800;
	[sflag:s6] =	ssyncadd.s32 @!p2 $0xFFFFF000  }
0xf5: {  	[tilespmem:s3], [sflag:$0x6] =	stream.indirect.gather @!p2 [hbm4b:s4+s18], $0x20, s10, s18, $0xb8;
	[tilespmem:$0x12800] =	vst v63  }
0xf6: {  	s23 =	sadd.s32 $0x2B80, s25;
	p2 =	seq.s32 s24, $0x0;
	_ =	swait.ge [sflag:s8], $0x1000  }
0xf7: {  	[sflag:s8] =	ssyncset.done $0x0  }
0xf8: {  	s3 =	simm.s32 @!p2 $0xF;
	[sflag:s8] =	ssyncadd.s32 $0xFFFFF000  }
0xf9: {  	[spmem:s2] =	stream.indirect.scatter.add.bf16 [tilespmem:s1], [sflag:$0x10], $0x20, s23, s26, $0xb8;
	[tilespmem:$0x12800] =	vst v63  }
0xfa: {  	_ =	swait.ge @!p2 [sflag:s3], $0x1000  }
0xfb: {  	s18 =	sshra.s32 s24, $0x2;
	[sflag:s3] =	ssyncset.done @!p2 $0x0  }
0xfc: {  	s19 =	sadd.s32 $0x300, s18;
	s6 =	rddreg [dreg:$0x4];
	[sflag:s3] =	ssyncadd.s32 @!p2 $0xFFFFF000  }
0xfd: {  	[tilespmem:s6], [sflag:$0x7] =	stream.indirect.gather [hbm4b:s4+s26], $0x20, s19, s26, $0xb8;
	[tilespmem:$0x12800] =	vst v63  }
0xfe: {  	_ =	swait.ge [sflag:s31], $0x1000  }
0xff: {  	[sflag:s31] =	ssyncset.done $0x0  }
0x100: {  	s20 =	sadd.s32 $0x2800, s18;
	s6 =	simm.s32 @!p2 $0x10;
	[sflag:s31] =	ssyncadd.s32 $0xFFFFF000  }
0x101: {  	[spmem:s2] =	stream.indirect.scatter.add.bf16 [tilespmem:s29], [sflag:$0x9], $0x20, s20, s26, $0xb8;
	[tilespmem:$0x12800] =	vst v63  }
0x102: {  	_ =	swait.ge @!p2 [sflag:s6], $0x1000  }
0x103: {  	[sflag:s6] =	ssyncset.done @!p2 $0x0  }
0x104: {  	s21 =	sadd.s32 $0x380, s18;
	[sflag:s6] =	ssyncadd.s32 @!p2 $0xFFFFF000  }
0x105: {  	[tilespmem:s1], [sflag:$0x8] =	stream.indirect.gather [hbm4b:s4+s26], $0x20, s21, s26, $0xb8;
	[tilespmem:$0x12800] =	vst v63  }
0x106: {  	_ =	swait.ge [sflag:s0], $0x1000  }
0x107: {  	p1 =	seq.s32 s24, $0x9000;
	[sflag:s0] =	ssyncset.done $0x0  }
0x108: {  	s23 =	sadd.s32 $0x2880, s18;
	s6 =	simm.s32 @p1 $0x3;
	[sflag:s0] =	ssyncadd.s32 $0xFFFFF000  }
0x109: {  	[spmem:s2] =	stream.indirect.scatter.add.bf16 [tilespmem:s22], [sflag:$0xA], $0x20, s23, s26, $0xb8;
	[tilespmem:$0x12800] =	vst v63  }
0x10a: {  	s10 =	sshra.s32 @p1 s24, $0x2;
	_ =	swait.ge @p1 [sflag:s6], $0x1000  }
0x10b: {  	s11 =	simm.s32 @p1 $0x80;
	s9 =	simm.s32 @p1 $0xC800;
	[sflag:s6] =	ssyncset.done @p1 $0x0  }
0x10c: {  	s12 =	simm.s32 @!p1 $0x9;
	s3 =	sadd.s32 @p1 $0x2900, s10;
	[sflag:s6] =	ssyncadd.s32 @p1 $0xFFFFF000  }
0x10d: {  	[spmem:s2] =	stream.indirect.scatter.add.bf16 @p1 [tilespmem:s9], [sflag:$0xB], $0x20, s3, s11, $0xb8;
	[tilespmem:$0x12800] =	vst v63  }
0x10e: {  	s6 =	sshra.s32 @!p1 s24, $0x2;
	_ =	swait.ge @!p1 [sflag:s12], $0x1000  }
0x10f: {  	s13 =	simm.s32 @!p1 $0xA800;
	s3 =	sadd.s32 @!p1 $0x400, s6;
	[sflag:s12] =	ssyncset.done @!p1 $0x0  }
0x110: {  	s9 =	simm.s32 @!p1 $0x80;
	[sflag:s12] =	ssyncadd.s32 @!p1 $0xFFFFF000;
	s12 =	simm.s32 @!p1 $0x3  }
0x111: {  	[tilespmem:s13], [sflag:$0x1] =	stream.indirect.gather @!p1 [hbm4b:s4+s9], $0x20, s3, s9, $0xb8;
	[tilespmem:$0x12800] =	vst v63  }
0x112: {  	_ =	swait.ge @!p1 [sflag:s12], $0x1000  }
0x113: {  	s3 =	sadd.s32 @!p1 $0x2900, s6;
	[sflag:s12] =	ssyncset.done @!p1 $0x0  }
0x114: {  	s13 =	simm.s32 @!p1 $0xC800;
	[sflag:s12] =	ssyncadd.s32 @!p1 $0xFFFFF000;
	s12 =	simm.s32 @!p1 $0xA  }
0x115: {  	[spmem:s2] =	stream.indirect.scatter.add.bf16 @!p1 [tilespmem:s13], [sflag:$0xB], $0x20, s3, s9, $0xb8;
	[tilespmem:$0x12800] =	vst v63  }
0x116: {  	_ =	swait.ge @!p1 [sflag:s12], $0x1000  }
0x117: {  	[sflag:s12] =	ssyncset.done @!p1 $0x0  }
0x118: {  	s3 =	sadd.s32 @!p1 $0x480, s6;
	[sflag:s12] =	ssyncadd.s32 @!p1 $0xFFFFF000;
	s12 =	simm.s32 @!p1 $0xB800  }
0x119: {  	[tilespmem:s12], [sflag:$0x2] =	stream.indirect.gather @!p1 [hbm4b:s4+s9], $0x20, s3, s9, $0xb8;
	[tilespmem:$0x12800] =	vst v63  }
0x11a: {  	_ =	swait.ge [sflag:s5], $0x1000  }
0x11b: {  	s14 =	simm.s32 $0xD800;
	[sflag:s5] =	ssyncset.done $0x0  }
0x11c: {  	s25 =	sadd.s32 $0x2980, s18;
	s12 =	simm.s32 @p1 $0x5;
	[sflag:s5] =	ssyncadd.s32 $0xFFFFF000  }
0x11d: {  	[spmem:s2] =	stream.indirect.scatter.add.bf16 [tilespmem:s14], [sflag:$0xC], $0x20, s25, s26, $0xb8;
	[tilespmem:$0x12800] =	vst v63  }
0x11e: {  	_ =	swait.ge @p1 [sflag:s12], $0x1000  }
0x11f: {  	[sflag:s12] =	ssyncset.done @p1 $0x0  }
0x120: {  	s3 =	sadd.s32 @p1 $0x2A00, s10;
	[sflag:s12] =	ssyncadd.s32 @p1 $0xFFFFF000;
	s12 =	simm.s32 @p1 $0xE800  }
0x121: {  	[spmem:s2] =	stream.indirect.scatter.add.bf16 @p1 [tilespmem:s12], [sflag:$0xD], $0x20, s3, s11, $0xb8;
	[tilespmem:$0x12800] =	vst v63  }
0x122: {  	s3 =	simm.s32 @!p1 $0xB  }
0x123: {  	_ =	swait.ge @!p1 [sflag:s3], $0x1000  }
0x124: {  	[sflag:s3] =	ssyncset.done @!p1 $0x0  }
0x125: {  	s12 =	sadd.s32 @!p1 $0x500, s6;
	[sflag:s3] =	ssyncadd.s32 @!p1 $0xFFFFF000;
	s3 =	simm.s32 @!p1 $0x5  }
0x126: {  	[tilespmem:s13], [sflag:$0x3] =	stream.indirect.gather @!p1 [hbm4b:s4+s9], $0x20, s12, s9, $0xb8;
	[tilespmem:$0x12800] =	vst v63  }
0x127: {  	_ =	swait.ge @!p1 [sflag:s3], $0x1000  }
0x128: {  	s12 =	sadd.s32 @!p1 $0x2A00, s6;
	[sflag:s3] =	ssyncset.done @!p1 $0x0  }
0x129: {  	s13 =	simm.s32 @!p1 $0xE800;
	[sflag:s3] =	ssyncadd.s32 @!p1 $0xFFFFF000;
	s3 =	simm.s32 @!p1 $0xC  }
0x12a: {  	[spmem:s2] =	stream.indirect.scatter.add.bf16 @!p1 [tilespmem:s13], [sflag:$0xD], $0x20, s12, s9, $0xb8;
	[tilespmem:$0x12800] =	vst v63  }
0x12b: {  	_ =	swait.ge @!p1 [sflag:s3], $0x1000  }
0x12c: {  	[sflag:s3] =	ssyncset.done @!p1 $0x0  }
0x12d: {  	s12 =	sadd.s32 @!p1 $0x580, s6;
	[sflag:s3] =	ssyncadd.s32 @!p1 $0xFFFFF000;
	s3 =	simm.s32 @!p1 $0xD800  }
0x12e: {  	[tilespmem:s3], [sflag:$0x4] =	stream.indirect.gather @!p1 [hbm4b:s4+s9], $0x20, s12, s9, $0xb8;
	[tilespmem:$0x12800] =	vst v63  }
0x12f: {  	_ =	swait.ge [sflag:s7], $0x1000  }
0x130: {  	[sflag:s7] =	ssyncset.done $0x0  }
0x131: {  	s28 =	sadd.s32 $0x2A80, s18;
	s3 =	simm.s32 @p1 $0x7;
	[sflag:s7] =	ssyncadd.s32 $0xFFFFF000  }
0x132: {  	[spmem:s2] =	stream.indirect.scatter.add.bf16 [tilespmem:s30], [sflag:$0xE], $0x20, s28, s26, $0xb8;
	[tilespmem:$0x12800] =	vst v63  }
0x133: {  	_ =	swait.ge @p1 [sflag:s3], $0x1000  }
0x134: {  	[sflag:s3] =	ssyncset.done @p1 $0x0  }
0x135: {  	s10 =	sadd.s32 @p1 $0x2B00, s10;
	[sflag:s3] =	ssyncadd.s32 @p1 $0xFFFFF000;
	s3 =	simm.s32 @p1 $0x10800  }
0x136: {  	[spmem:s2] =	stream.indirect.scatter.add.bf16 @p1 [tilespmem:s3], [sflag:$0xF], $0x20, s10, s11, $0xb8;
	[tilespmem:$0x12800] =	vst v63  }
0x137: {  	s3 =	simm.s32 @!p1 $0xD  }
0x138: {  	_ =	swait.ge @!p1 [sflag:s3], $0x1000  }
0x139: {  	[sflag:s3] =	ssyncset.done @!p1 $0x0  }
0x13a: {  	[sflag:s3] =	ssyncadd.s32 @!p1 $0xFFFFF000;
	s3 =	sadd.s32 @!p1 $0x600, s6  }
0x13b: {  	[tilespmem:s13], [sflag:$0x5] =	stream.indirect.gather @!p1 [hbm4b:s4+s9], $0x20, s3, s9, $0xb8;
	[tilespmem:$0x12800] =	vst v63  }
0x13c: {  	s3 =	simm.s32 @!p1 $0x7  }
0x13d: {  	_ =	swait.ge @!p1 [sflag:s3], $0x1000  }
0x13e: {  	[sflag:s3] =	ssyncset.done @!p1 $0x0  }
0x13f: {  	s10 =	sadd.s32 @!p1 $0x2B00, s6;
	[sflag:s3] =	ssyncadd.s32 @!p1 $0xFFFFF000;
	s3 =	simm.s32 @!p1 $0x10800  }
0x140: {  	[spmem:s2] =	stream.indirect.scatter.add.bf16 @!p1 [tilespmem:s3], [sflag:$0xF], $0x20, s10, s9, $0xb8;
	[tilespmem:$0x12800] =	vst v63  }
0x141: {  	s3 =	simm.s32 @!p1 $0xE  }
0x142: {  	_ =	swait.ge @!p1 [sflag:s3], $0x1000  }
0x143: {  	[sflag:s3] =	ssyncset.done @!p1 $0x0  }
0x144: {  	s6 =	sadd.s32 @!p1 $0x680, s6;
	[sflag:s3] =	ssyncadd.s32 @!p1 $0xFFFFF000;
	s3 =	simm.s32 @!p1 $0xF800  }
0x145: {  	[tilespmem:s3], [sflag:$0x6] =	stream.indirect.gather @!p1 [hbm4b:s4+s9], $0x20, s6, s9, $0xb8;
	[tilespmem:$0x12800] =	vst v63  }
0x146: {  	_ =	swait.ge [sflag:s8], $0x1000  }
0x147: {  	[sflag:s8] =	ssyncset.done $0x0  }
0x148: {  	s12 =	sadd.s32 $0x2B80, s18;
	s13 =	simm.s32 $0x9;
	[sflag:s8] =	ssyncadd.s32 $0xFFFFF000  }
0x149: {  	[spmem:s2] =	stream.indirect.scatter.add.bf16 [tilespmem:s1], [sflag:$0x10], $0x20, s12, s26, $0xb8;
	[tilespmem:$0x12800] =	vst v63  }
0x14a: {  	_ =	swait.ge [sflag:s13], $0x1000  }
0x14b: {  	[sflag:s13] =	ssyncset.done $0x0  }
0x14c: {  	s14 =	simm.s32 $0xA;
	[sflag:s13] =	ssyncadd.s32 $0xFFFFF000  }
0x14d: {  	_ =	swait.ge [sflag:s14], $0x1000  }
0x14e: {  	[sflag:s14] =	ssyncset.done $0x0  }
0x14f: {  	s15 =	simm.s32 $0xB;
	[sflag:s14] =	ssyncadd.s32 $0xFFFFF000  }
0x150: {  	_ =	swait.ge [sflag:s15], $0x1000  }
0x151: {  	[sflag:s15] =	ssyncset.done $0x0  }
0x152: {  	s16 =	simm.s32 $0xC;
	[sflag:s15] =	ssyncadd.s32 $0xFFFFF000  }
0x153: {  	_ =	swait.ge [sflag:s16], $0x1000  }
0x154: {  	[sflag:s16] =	ssyncset.done $0x0  }
0x155: {  	s17 =	simm.s32 $0xD;
	[sflag:s16] =	ssyncadd.s32 $0xFFFFF000  }
0x156: {  	_ =	swait.ge [sflag:s17], $0x1000  }
0x157: {  	[sflag:s17] =	ssyncset.done $0x0  }
0x158: {  	s18 =	simm.s32 $0xE;
	[sflag:s17] =	ssyncadd.s32 $0xFFFFF000  }
0x159: {  	_ =	swait.ge [sflag:s18], $0x1000  }
0x15a: {  	[sflag:s18] =	ssyncset.done $0x0  }
0x15b: {  	s19 =	simm.s32 $0xF;
	[sflag:s18] =	ssyncadd.s32 $0xFFFFF000  }
0x15c: {  	_ =	swait.ge [sflag:s19], $0x1000  }
0x15d: {  	[sflag:s19] =	ssyncset.done $0x0  }
0x15e: {  	s20 =	simm.s32 $0x10;
	[sflag:s19] =	ssyncadd.s32 $0xFFFFF000  }
0x15f: {  	_ =	swait.ge [sflag:s20], $0x1000  }
0x160: {  	[sflag:s20] =	ssyncset.done $0x0  }
0x161: {  	[sflag:s20] =	ssyncadd.s32 $0xFFFFF000  }
0x162: {  	s21 =	stileid.u32;
	[bflag:$0x0] =	sbarrier.arrive $0xFFFF  }
0x163: {  	s3 =	sshll.u32 s21, $0x6;
	s23 =	rddreg [dreg:$0x14]  }
0x164: {  	s11 =	simm.s32 $0x11;
	s3 =	sor.u32 $0x1C11, s3;
	s24 =	rddreg [dreg:$0x15]  }
0x165: {  	[hbm:s23], [sflag:s3] =	dma.local [spmem:s24], $0x9C0  }
0x166: {  	_ =	swait.ge [sflag:s11], $0x9C0  }
0x167: {  	[sflag:s11] =	ssyncset.done $0x0;
	s6 =	rddreg [dreg:$0x12]  }
0x168: {  	s9 =	rddreg [dreg:$0x16];
	[sflag:s11] =	ssyncadd.s32 $0xFFFFF640;
	s6 =	sadd.s32 @!p0 $0x9C00, s6  }
0x169: {  	[hbm:s6], [sflag:s3] =	dma.local @!p0 [spmem:s9], $0x40  }
0x16a: {  	s3 =	simm.s32 @!p0 $0x11  }
0x16b: {  	_ =	swait.ge @!p0 [sflag:s3], $0x40  }
0x16c: {  	s25 =	rddreg [dreg:$0x17]  }
0x16d: {  	s28 =	rddreg [dreg:$0x13];
	s9 =	sadd.s32 $0x1, s25  }
0x16e: {  	p1 =	sne.s32 s9, s28  }
.Ltmp1:
0x16f: {  	_ = 	snop;
	(pc) =	sbr.rel @p1 .LBB2_1-.Ltmp1, $3  }
0x170: {  	_ =	sdelay $0x1  }
0x171: {  	[sflag:s3] =	ssyncset.done @!p0 $0x0  }
0x172: {  	[sflag:s3] =	ssyncadd.s32 @!p0 $0xFFFFFFC0  }
0x173: {  	_ =	sfence.sel $0x180000  }
0x174: {  	[bflag:$0x0] =	sbarrier.arrive $0xFFFF  }
0x175: {  	_ =	strace $0x9000004A  }
0x176: {  	s0 =	stileid.u32;
	[bflag:$0x2] =	sbarrier.arrive $0xFFFF  }
0x177: {  	p0 =	sne.s32 s0, $0x0;
	s0 =	rddreg [dreg:$0x3]  }
0x178: {  	s0 =	sadd.s32 @!p0 $0x100000, s0  }
0x179: {  	[sflag:s0] =	ssyncadd.tile.s32 @!p0 $0x1;
	_ =	shalt  }
.Lfunc_end2:
_tile_overlayer_lowered:
.L_overlay_start_2:
0x17a: {  	(tag) =	ssettag $0x2  }
0x17b: {  	s0 =	rddreg [dreg:$0x0];
	s2 =	stileid.u32  }
0x17c: {  	s1 =	rddreg [dreg:$0x1];
	p0 =	sne.s32 s2, $0x0  }
0x17d: {  	s3 =	rddreg [dreg:$0x2];
	[bflag:$0x3] =	sbarrier.arrive $0xFFFF;
	s2 =	simm.s32 @!p0 $0x1C11  }
0x17e: {  	[timem:s3], [sflag:s2] =	dma.local @!p0 [hbm:s0], s1  }
0x17f: {  	s0 =	simm.s32 @!p0 $0x11  }
0x180: {  	_ =	swait.ge @!p0 [sflag:s0], s1  }
0x181: {  	s1 =	ssub.s32 @!p0 $0x0, s1;
	[sflag:s0] =	ssyncset.done @!p0 $0x0  }
0x182: {  	[sflag:s0] =	ssyncadd.s32 @!p0 s1  }
0x183: {  	[bflag:$0x3] =	sbarrier.arrive $0xFFFF  }
0x184: {  	_ =	shalt  }

</sc_bundles>
